<compile_context>
chip_gen: v7x
topology: tpu7x:2x2x1
jax: 0.10.2.dev20260603
libtpu: 0.0.44.dev20260713+nightly
codegen_flags: <defaults>
</compile_context>

<pallas_src>
import functools

import jax
import jax.numpy as jnp
import numpy as np
from jax import lax
from jax.experimental import pallas as pl
from jax.experimental.pallas import tpu as pltpu
from jax.experimental.pallas import tpu_sc as plsc

B, N, C = 8, 8192, 12
G, K = 128, 32
CP = 16
NROW = B * G
NBLK = 32
BLK = N // NBLK
NW = 32
RPW = NROW // NW
NV = N // 16
CAPW = N
CAPC = 1024
FBIG = np.float32(3e38)
IBIG = np.int32(1 << 30)


def _fps_body(coords_ref, cents_ref):
    cx = coords_ref[0]
    cy = coords_ref[1]
    cz = coords_ref[2]
    iota = lax.broadcasted_iota(jnp.int32, (B, N), 1)

    def step(s, carry):
        distance, farthest = carry
        cents_ref[pl.ds(s, 1)] = farthest[None]
        m = iota == farthest
        ctx = jnp.sum(jnp.where(m, cx, 0.0), axis=1, keepdims=True)
        cty = jnp.sum(jnp.where(m, cy, 0.0), axis=1, keepdims=True)
        ctz = jnp.sum(jnp.where(m, cz, 0.0), axis=1, keepdims=True)
        dist = (cx - ctx) ** 2 + (cy - cty) ** 2 + (cz - ctz) ** 2
        distance = jnp.minimum(distance, dist)
        maxv = jnp.max(distance, axis=1, keepdims=True)
        farthest = jnp.min(
            jnp.where(distance == maxv, iota, N), axis=1, keepdims=True
        ).astype(jnp.int32)
        return distance, farthest

    init = (jnp.full((B, N), 1e10, jnp.float32), jnp.zeros((B, 1), jnp.int32))
    lax.fori_loop(0, G, step, init)


def _dist_body(xyzt_ref, cents_ref, center_ref, d2_ref, thr_ref):
    xr = xyzt_ref[0]
    cg = cents_ref[0]
    lane = lax.broadcasted_iota(jnp.int32, (G, N), 1)
    oh = jnp.where(lane == cg, 1.0, 0.0)
    center = lax.dot_general(
        oh, xr, (((1,), (1,)), ((), ())),
        precision=lax.Precision.HIGHEST,
        preferred_element_type=jnp.float32)
    center_ref[0] = center
    xn = jnp.sum(xr * xr, axis=0, keepdims=True)
    cn = jnp.sum(center * center, axis=1, keepdims=True)
    dots = lax.dot_general(
        center, xr, (((1,), (0,)), ((), ())),
        precision=lax.Precision.HIGHEST,
        preferred_element_type=jnp.float32)
    d2 = xn + cn - 2.0 * dots
    d2_ref[0] = d2
    t = jnp.full((G, 1), -jnp.inf, jnp.float32)
    for j in range(NBLK):
        bm = jnp.min(d2[:, j * BLK:(j + 1) * BLK], axis=1, keepdims=True)
        t = jnp.maximum(t, bm)
    thr_ref[0] = t


def _sc_body(d2_hbm, thr_hbm, xyzp_hbm, centp_hbm, out_hbm,
             dbuf0, dbuf1, wval, widx, cval, cidx, knn, gknn, nbuf, obuf,
             cent_vm, thr_vm, sem0, sem1, semg):
    wid = lax.axis_index("s") * 2 + lax.axis_index("c")
    base = wid * RPW
    iota16 = lax.iota(jnp.int32, 16)
    lane0 = iota16 == 0
    infv = jnp.full((16,), jnp.inf, jnp.float32)

    pltpu.sync_copy(thr_hbm.at[pl.ds(base, RPW)], thr_vm.at[pl.ds(0, RPW)])
    pltpu.sync_copy(centp_hbm.at[pl.ds(base * CP, RPW * CP)], cent_vm)

    def process(row, jloc, dbuf):
        tvec = thr_vm[pl.ds((jloc >> 4) << 4, 16)]
        ts = jnp.sum(jnp.where(iota16 == (jloc & 15), tvec, 0.0))
        thrv = jnp.full((16,), ts)

        def fbody(i, cnt):
            v = dbuf[pl.ds(i * 16, 16)]
            m = v <= thrv
            c = plsc.all_reduce_population_count(m)
            pos = cnt + iota16
            plsc.store_scatter(wval, [pos], jnp.where(m, v, FBIG))
            plsc.store_scatter(widx, [pos], jnp.where(m, iota16 + i * 16, IBIG))
            return cnt + jnp.minimum(c, 1) * 16

        cnt = lax.fori_loop(0, NV, fbody, jnp.zeros((16,), jnp.int32))
        m1 = jnp.max(cnt) >> 4

        def pre(j, _):
            cval[pl.ds(j * 16, 16)] = infv
            return 0
        lax.fori_loop(0, CAPC // 16, pre, 0)

        def cbody(j, cnt2):
            wv = wval[pl.ds(j * 16, 16)]
            wm = wv < FBIG
            wi = widx[pl.ds(j * 16, 16)]
            wmi = wm.astype(jnp.int32)
            exc = plsc.cumsum(wmi) - wmi
            pos2 = jnp.minimum(cnt2 + exc, CAPC - 1)
            plsc.store_scatter(cval, [pos2], wv, mask=wm)
            plsc.store_scatter(cidx, [pos2], wi, mask=wm)
            return cnt2 + plsc.all_reduce_population_count(wm)

        lax.fori_loop(0, m1, cbody, jnp.zeros((16,), jnp.int32))
        m2 = CAPC // 16

        def ebody(k, _):
            def scan1(j, acc):
                return jnp.minimum(acc, cval[pl.ds(j * 16, 16)])
            mv = lax.fori_loop(0, m2, scan1, infv)
            s = jnp.min(mv)
            msplat = jnp.full((16,), s)

            def scan2(j, acc):
                v = cval[pl.ds(j * 16, 16)]
                p = jnp.where(v == msplat, iota16 + j * 16, IBIG)
                return jnp.minimum(acc, p)
            pv = lax.fori_loop(0, m2, scan2, jnp.full((16,), IBIG))
            p = jnp.min(pv)
            psplat = jnp.full((16,), p)
            ivec = cidx[pl.ds((p >> 4) << 4, 16)]
            iv = jnp.sum(jnp.where(iota16 == (p & 15), ivec, 0))
            plsc.store_scatter(knn, [jnp.full((16,), k)],
                               jnp.full((16,), iv), mask=lane0)
            plsc.store_scatter(cval, [psplat], infv, mask=lane0)
            return 0

        lax.fori_loop(0, K, ebody, 0)

        boff = (row >> 7) << 13
        gknn[pl.ds(0, 16)] = (knn[pl.ds(0, 16)] + boff) >> 3
        gknn[pl.ds(16, 16)] = (knn[pl.ds(16, 16)] + boff) >> 3
        pltpu.async_copy(xyzp_hbm.at[gknn], nbuf, semg).wait()
        cvec = cent_vm[pl.ds(jloc * 16, 16)]
        for nn in range(K):
            kvec = knn[pl.ds((nn // 16) * 16, 16)]
            sel = jnp.sum(jnp.where(iota16 == nn % 16, kvec, 0))
            ivec = jnp.full((16,), (sel & 7) * 16) + iota16
            v = plsc.load_gather(nbuf, [jnp.full((16,), nn, jnp.int32), ivec])
            obuf[nn] = v - cvec
        pltpu.sync_copy(obuf, out_hbm.at[row])

    pltpu.async_copy(d2_hbm.at[base], dbuf0, sem0)

    def dbody(i, _):
        r0 = base + 2 * i
        r1 = r0 + 1
        r2 = jnp.minimum(r0 + 2, base + RPW - 1)
        pltpu.async_copy(d2_hbm.at[r1], dbuf1, sem1)
        pltpu.make_async_copy(d2_hbm.at[r0], dbuf0, sem0).wait()
        process(r0, 2 * i, dbuf0)
        pltpu.async_copy(d2_hbm.at[r2], dbuf0, sem0)
        pltpu.make_async_copy(d2_hbm.at[r1], dbuf1, sem1).wait()
        process(r1, 2 * i + 1, dbuf1)
        return 0

    lax.fori_loop(0, RPW // 2, dbody, 0)
    pltpu.make_async_copy(d2_hbm.at[base], dbuf0, sem0).wait()


def kernel(xyz):
    xyzt = jnp.transpose(xyz, (0, 2, 1))
    coords = jnp.transpose(xyz[:, :, 9:12], (2, 0, 1))

    cents = pl.pallas_call(
        _fps_body,
        out_shape=jax.ShapeDtypeStruct((G, B, 1), jnp.int32),
    )(coords)
    cents3 = jnp.transpose(cents, (1, 0, 2))

    center, d2, thr = pl.pallas_call(
        _dist_body,
        grid=(B,),
        in_specs=[
            pl.BlockSpec((1, C, N), lambda b: (b, 0, 0)),
            pl.BlockSpec((1, G, 1), lambda b: (b, 0, 0)),
        ],
        out_specs=[
            pl.BlockSpec((1, G, C), lambda b: (b, 0, 0)),
            pl.BlockSpec((1, G, N), lambda b: (b, 0, 0)),
            pl.BlockSpec((1, G, 1), lambda b: (b, 0, 0)),
        ],
        out_shape=[
            jax.ShapeDtypeStruct((B, G, C), jnp.float32),
            jax.ShapeDtypeStruct((B, G, N), jnp.float32),
            jax.ShapeDtypeStruct((B, G, 1), jnp.float32),
        ],
    )(xyzt, cents3)

    d2r = d2.reshape(NROW, N)
    thr1 = thr.reshape(NROW)
    xyzp = jnp.pad(xyz.reshape(B * N, C), ((0, 0), (0, CP - C)))
    xyzp = xyzp.reshape(B * N * CP // 128, 128)
    centp = jnp.pad(center.reshape(NROW, C), ((0, 0), (0, CP - C))).reshape(-1)

    mesh = plsc.VectorSubcoreMesh(core_axis_name="c", subcore_axis_name="s")
    nb = pl.kernel(
        _sc_body,
        out_type=jax.ShapeDtypeStruct((NROW, K, CP), jnp.float32),
        mesh=mesh,
        compiler_params=pltpu.CompilerParams(needs_layout_passes=False),
        scratch_types=[
            pltpu.VMEM((N,), jnp.float32),
            pltpu.VMEM((N,), jnp.float32),
            pltpu.VMEM((CAPW,), jnp.float32),
            pltpu.VMEM((CAPW,), jnp.int32),
            pltpu.VMEM((CAPC,), jnp.float32),
            pltpu.VMEM((CAPC,), jnp.int32),
            pltpu.VMEM((128,), jnp.int32),
            pltpu.VMEM((K,), jnp.int32),
            pltpu.VMEM((K, 128), jnp.float32),
            pltpu.VMEM((K, CP), jnp.float32),
            pltpu.VMEM((RPW * CP,), jnp.float32),
            pltpu.VMEM((128,), jnp.float32),
            pltpu.SemaphoreType.DMA,
            pltpu.SemaphoreType.DMA,
            pltpu.SemaphoreType.DMA,
        ],
    )(d2r, thr1, xyzp, centp)

    neighborhood = nb[:, :, :C].reshape(B, G, K, C)
    return neighborhood, center

# --- scband reference (transcript-rebuilt; emitter-appended) ---
"""Pipeline reference for scband-group-37340445671501 (READ-ONLY COPY).

The authoritative reference and input builder live on the scoring server;
editing this copy changes nothing except your own understanding.
"""

import jax, jax.numpy as jnp
import numpy as np

NUM_GROUP = 128
GROUP_SIZE = 32


def setup_inputs(seed: int = 0) -> dict:
    key = jax.random.key(seed)
    xyz = jax.random.normal(key, (8, 8192, 12), dtype=jnp.float32)
    return {"xyz": xyz}


def _fps_indices(xyz_full, npoint):
    # deterministic variant of furthest_point_sample: coords are channels 9:12,
    # start from point 0 instead of torch.randint for reproducibility
    coords = xyz_full[:, :, 9:12]
    B, N, _ = coords.shape
    distance = jnp.full((B, N), 1e10, dtype=jnp.float32)
    farthest = jnp.zeros((B,), dtype=jnp.int32)
    batch_idx = jnp.arange(B)
    cents = []
    for _ in range(npoint):
        cents.append(farthest)
        centroid = coords[batch_idx, farthest][:, None, :]
        dist = jnp.sum((coords - centroid) ** 2, axis=-1)
        distance = jnp.minimum(distance, dist)
        farthest = jnp.argmax(distance, axis=-1).astype(jnp.int32)
    return jnp.stack(cents, axis=1)  # [B, npoint]


def reference(xyz):
    B, N, C = xyz.shape
    centroids = _fps_indices(xyz, NUM_GROUP)
    batch_idx = jnp.arange(B)[:, None]
    center = xyz[batch_idx, centroids]  # [B, G, 12] (gather_operation on full 12-dim points)
    # KNN: squared L2 distances between centers and all points in full 12-dim space
    d2 = jnp.sum((center[:, :, None, :] - xyz[:, None, :, :]) ** 2, axis=-1)  # [B, G, N]
    _, idx = jax.lax.top_k(-d2, GROUP_SIZE)  # [B, G, K] nearest neighbors
    idx_flat = (idx + jnp.arange(B)[:, None, None] * N).reshape(-1)
    neighborhood = xyz.reshape(B * N, C)[idx_flat].reshape(B, NUM_GROUP, GROUP_SIZE, C)
    neighborhood = neighborhood - center[:, :, None, :]
    return (neighborhood, center)

if __name__ == "__main__":
    import jax
    _d = setup_inputs()
    print(jax.jit(kernel)(*tuple(_d.values())))

</pallas_src>

<mosaic_0001>
#map = affine_map<(d0, d1) -> (0, 0)>
#map1 = affine_map<(d0, d1) -> (0)>
#map2 = affine_map<(d0, d1) -> (0, 0, 0)>
module attributes {stable_mosaic.version = 14 : i64} {
  func.func @_sc_body(%arg0: i32, %arg1: i32, %arg2: memref<1024x8192xf32, #tpu.memory_space<hbm>>, %arg3: memref<1024xf32, #tpu.memory_space<hbm>>, %arg4: memref<8192x128xf32, #tpu.memory_space<hbm>>, %arg5: memref<16384xf32, #tpu.memory_space<hbm>>, %arg6: memref<1024x32x16xf32, #tpu.memory_space<hbm>>, %arg7: memref<8192xf32, #tpu.memory_space<vmem>>, %arg8: memref<8192xf32, #tpu.memory_space<vmem>>, %arg9: memref<8192xf32, #tpu.memory_space<vmem>>, %arg10: memref<8192xi32, #tpu.memory_space<vmem>>, %arg11: memref<1024xf32, #tpu.memory_space<vmem>>, %arg12: memref<1024xi32, #tpu.memory_space<vmem>>, %arg13: memref<128xi32, #tpu.memory_space<vmem>>, %arg14: memref<32xi32, #tpu.memory_space<vmem>>, %arg15: memref<32x128xf32, #tpu.memory_space<vmem>>, %arg16: memref<32x16xf32, #tpu.memory_space<vmem>>, %arg17: memref<512xf32, #tpu.memory_space<vmem>>, %arg18: memref<128xf32, #tpu.memory_space<vmem>>, %arg19: memref<!tpu.dma_semaphore, #tpu.memory_space<semaphore_mem>>, %arg20: memref<!tpu.dma_semaphore, #tpu.memory_space<semaphore_mem>>, %arg21: memref<!tpu.dma_semaphore, #tpu.memory_space<semaphore_mem>>) attributes {dimension_semantics = [#tpu.dimension_semantics<core_parallel>, #tpu.dimension_semantics<subcore_parallel>], iteration_bounds = array<i64: 2, 16>, scalar_prefetch = 0 : i64, scratch_operands = 15 : i64, tpu.core_type = #tpu.core_type<sc_vector_subcore>, window_params = [{transform_indices = #map}, {transform_indices = #map1}, {transform_indices = #map}, {transform_indices = #map1}, {transform_indices = #map2}]} {
    %mul3A = arith.constant 2 : i32
    %mul3A_0 = arith.muli %arg1, %mul3A : i32
    %add3A = arith.addi %mul3A_0, %arg0 : i32
    %mul3A_1 = arith.constant 32 : i32
    %mul3A_2 = arith.muli %add3A, %mul3A_1 : i32
    %iota3A = tpu.iota {dimensions = array<i32: 0>} : vector<16xi32>
    %eq3A = arith.constant 0 : i32
    %eq3A_3 = vector.broadcast %eq3A : i32 to vector<16xi32>
    %eq3A_4 = arith.cmpi eq, %iota3A, %eq3A_3 : vector<16xi32>
    %broadcast_in_dim3A = arith.constant 0x7F800000 : f32
    %broadcast_in_dim3A_5 = vector.broadcast %broadcast_in_dim3A : f32 to vector<16xf32>
    "tpu.region"() ({
      %run_scoped3A = tpu.sem_alloc : memref<!tpu.dma_semaphore, #tpu.memory_space<semaphore_mem>>
      %dma_start3A_24 = arith.constant 0 : i32
      %dma_start3A_25 = tpu.memref_slice %arg18[%dma_start3A_24] : memref<128xf32, #tpu.memory_space<vmem>> -> memref<32xf32, #tpu.memory_space<vmem>>
      %dma_start3A_26 = tpu.memref_slice %arg3[%mul3A_2] : memref<1024xf32, #tpu.memory_space<hbm>> -> memref<32xf32, #tpu.memory_space<hbm>>
      %dma_start3A_27 = arith.constant 0 : i32
      %dma_start3A_28 = tpu.memref_slice %arg18[%dma_start3A_27] : memref<128xf32, #tpu.memory_space<vmem>> -> memref<32xf32, #tpu.memory_space<vmem>>
      %dma_start3A_29 = tpu.memref_slice %arg3[%mul3A_2] : memref<1024xf32, #tpu.memory_space<hbm>> -> memref<32xf32, #tpu.memory_space<hbm>>
      tpu.enqueue_dma source(%dma_start3A_29 : memref<32xf32, #tpu.memory_space<hbm>>) target(%dma_start3A_28 : memref<32xf32, #tpu.memory_space<vmem>>) target_semaphore(%run_scoped3A : memref<!tpu.dma_semaphore, #tpu.memory_space<semaphore_mem>>)
      %dma_wait3A_30 = arith.constant 0 : i32
      %dma_wait3A_31 = tpu.memref_slice %arg18[%dma_wait3A_30] : memref<128xf32, #tpu.memory_space<vmem>> -> memref<32xf32, #tpu.memory_space<vmem>>
      %dma_wait3A_32 = tpu.memref_slice %arg3[%mul3A_2] : memref<1024xf32, #tpu.memory_space<hbm>> -> memref<32xf32, #tpu.memory_space<hbm>>
      %dma_wait3A_33 = arith.constant 0 : i32
      %dma_wait3A_34 = tpu.memref_slice %arg18[%dma_wait3A_33] : memref<128xf32, #tpu.memory_space<vmem>> -> memref<32xf32, #tpu.memory_space<vmem>>
      %dma_wait3A_35 = tpu.memref_slice %arg3[%mul3A_2] : memref<1024xf32, #tpu.memory_space<hbm>> -> memref<32xf32, #tpu.memory_space<hbm>>
      tpu.wait_dma2 semaphore(%run_scoped3A : memref<!tpu.dma_semaphore, #tpu.memory_space<semaphore_mem>>) src(%dma_wait3A_35 : memref<32xf32, #tpu.memory_space<hbm>>) dst(%dma_wait3A_34 : memref<32xf32, #tpu.memory_space<vmem>>)
      tpu.yield
    }) : () -> ()
    %mul3A_6 = arith.constant 16 : i32
    %mul3A_7 = arith.muli %mul3A_2, %mul3A_6 : i32
    "tpu.region"() ({
      %run_scoped3A = tpu.sem_alloc : memref<!tpu.dma_semaphore, #tpu.memory_space<semaphore_mem>>
      %dma_start3A_24 = tpu.memref_slice %arg5[%mul3A_7] : memref<16384xf32, #tpu.memory_space<hbm>> -> memref<512xf32, #tpu.memory_space<hbm>>
      %dma_start3A_25 = tpu.memref_slice %arg5[%mul3A_7] : memref<16384xf32, #tpu.memory_space<hbm>> -> memref<512xf32, #tpu.memory_space<hbm>>
      tpu.enqueue_dma source(%dma_start3A_25 : memref<512xf32, #tpu.memory_space<hbm>>) target(%arg17 : memref<512xf32, #tpu.memory_space<vmem>>) target_semaphore(%run_scoped3A : memref<!tpu.dma_semaphore, #tpu.memory_space<semaphore_mem>>)
      %dma_wait3A_26 = tpu.memref_slice %arg5[%mul3A_7] : memref<16384xf32, #tpu.memory_space<hbm>> -> memref<512xf32, #tpu.memory_space<hbm>>
      %dma_wait3A_27 = tpu.memref_slice %arg5[%mul3A_7] : memref<16384xf32, #tpu.memory_space<hbm>> -> memref<512xf32, #tpu.memory_space<hbm>>
      tpu.wait_dma2 semaphore(%run_scoped3A : memref<!tpu.dma_semaphore, #tpu.memory_space<semaphore_mem>>) src(%dma_wait3A_27 : memref<512xf32, #tpu.memory_space<hbm>>) dst(%arg17 : memref<512xf32, #tpu.memory_space<vmem>>)
      tpu.yield
    }) : () -> ()
    %dma_start3A = arith.constant 0 : i32
    %dma_start3A_8 = tpu.memref_slice %arg2[%mul3A_2, %dma_start3A] : memref<1024x8192xf32, #tpu.memory_space<hbm>> -> memref<1x8192xf32, #tpu.memory_space<hbm>>
    %dma_start3A_9 = tpu.memref_squeeze %dma_start3A_8 : memref<1x8192xf32, #tpu.memory_space<hbm>> -> memref<8192xf32, #tpu.memory_space<hbm>>
    %dma_start3A_10 = arith.constant 0 : i32
    %dma_start3A_11 = tpu.memref_slice %arg2[%mul3A_2, %dma_start3A_10] : memref<1024x8192xf32, #tpu.memory_space<hbm>> -> memref<1x8192xf32, #tpu.memory_space<hbm>>
    %dma_start3A_12 = tpu.memref_squeeze %dma_start3A_11 : memref<1x8192xf32, #tpu.memory_space<hbm>> -> memref<8192xf32, #tpu.memory_space<hbm>>
    tpu.enqueue_dma source(%dma_start3A_12 : memref<8192xf32, #tpu.memory_space<hbm>>) target(%arg7 : memref<8192xf32, #tpu.memory_space<vmem>>) target_semaphore(%arg19 : memref<!tpu.dma_semaphore, #tpu.memory_space<semaphore_mem>>)
    %scan3A = arith.constant 0 : i32
    %scan3A_13 = arith.constant 0 : i32
    %scan3A_14 = arith.constant 16 : i32
    %scan3A_15 = arith.addi %scan3A_13, %scan3A_14 : i32
    %scan3A_16 = arith.constant 1 : i32
    %scan3A_17 = scf.for %scan3A_24 = %scan3A_13 to %scan3A_15 step %scan3A_16 iter_args(%scan3A_25 = %scan3A) -> (i32)  : i32 {
      %mul3A_26 = arith.constant 2 : i32
      %mul3A_27 = arith.muli %mul3A_26, %scan3A_24 : i32
      %add3A_28 = arith.addi %mul3A_2, %mul3A_27 : i32
      %add3A_29 = arith.constant 1 : i32
      %add3A_30 = arith.addi %add3A_28, %add3A_29 : i32
      %add3A_31 = arith.constant 2 : i32
      %add3A_32 = arith.addi %add3A_28, %add3A_31 : i32
      %add3A_33 = arith.constant 32 : i32
      %add3A_34 = arith.addi %mul3A_2, %add3A_33 : i32
      %sub3A = arith.constant 1 : i32
      %sub3A_35 = arith.subi %add3A_34, %sub3A : i32
      %min3A = arith.minsi %add3A_32, %sub3A_35 : i32
      %dma_start3A_36 = arith.constant 0 : i32
      %dma_start3A_37 = tpu.memref_slice %arg2[%add3A_30, %dma_start3A_36] : memref<1024x8192xf32, #tpu.memory_space<hbm>> -> memref<1x8192xf32, #tpu.memory_space<hbm>>
      %dma_start3A_38 = tpu.memref_squeeze %dma_start3A_37 : memref<1x8192xf32, #tpu.memory_space<hbm>> -> memref<8192xf32, #tpu.memory_space<hbm>>
      %dma_start3A_39 = arith.constant 0 : i32
      %dma_start3A_40 = tpu.memref_slice %arg2[%add3A_30, %dma_start3A_39] : memref<1024x8192xf32, #tpu.memory_space<hbm>> -> memref<1x8192xf32, #tpu.memory_space<hbm>>
      %dma_start3A_41 = tpu.memref_squeeze %dma_start3A_40 : memref<1x8192xf32, #tpu.memory_space<hbm>> -> memref<8192xf32, #tpu.memory_space<hbm>>
      tpu.enqueue_dma source(%dma_start3A_41 : memref<8192xf32, #tpu.memory_space<hbm>>) target(%arg8 : memref<8192xf32, #tpu.memory_space<vmem>>) target_semaphore(%arg20 : memref<!tpu.dma_semaphore, #tpu.memory_space<semaphore_mem>>)
      %dma_wait3A_42 = arith.constant 0 : i32
      %dma_wait3A_43 = tpu.memref_slice %arg2[%add3A_28, %dma_wait3A_42] : memref<1024x8192xf32, #tpu.memory_space<hbm>> -> memref<1x8192xf32, #tpu.memory_space<hbm>>
      %dma_wait3A_44 = tpu.memref_squeeze %dma_wait3A_43 : memref<1x8192xf32, #tpu.memory_space<hbm>> -> memref<8192xf32, #tpu.memory_space<hbm>>
      %dma_wait3A_45 = arith.constant 0 : i32
      %dma_wait3A_46 = tpu.memref_slice %arg2[%add3A_28, %dma_wait3A_45] : memref<1024x8192xf32, #tpu.memory_space<hbm>> -> memref<1x8192xf32, #tpu.memory_space<hbm>>
      %dma_wait3A_47 = tpu.memref_squeeze %dma_wait3A_46 : memref<1x8192xf32, #tpu.memory_space<hbm>> -> memref<8192xf32, #tpu.memory_space<hbm>>
      tpu.wait_dma2 semaphore(%arg19 : memref<!tpu.dma_semaphore, #tpu.memory_space<semaphore_mem>>) src(%dma_wait3A_47 : memref<8192xf32, #tpu.memory_space<hbm>>) dst(%arg7 : memref<8192xf32, #tpu.memory_space<vmem>>)
      %mul3A_48 = arith.constant 2 : i32
      %mul3A_49 = arith.muli %mul3A_48, %scan3A_24 : i32
      %shift_right_arithmetic3A = arith.constant 4 : i32
      %shift_right_arithmetic3A_50 = arith.shrsi %mul3A_49, %shift_right_arithmetic3A : i32
      %shift_left3A = arith.constant 4 : i32
      %shift_left3A_51 = arith.shli %shift_right_arithmetic3A_50, %shift_left3A : i32
      %get3A = arith.index_cast %shift_left3A_51 : i32 to index
      %get3A_52 = tpu.vector_load %arg18[%get3A] {strides = array<i32>} : memref<128xf32, #tpu.memory_space<vmem>>, vector<16xf32>,
      %and3A = arith.constant 15 : i32
      %and3A_53 = arith.andi %mul3A_49, %and3A : i32
      %eq3A_54 = vector.broadcast %and3A_53 : i32 to vector<16xi32>
      %eq3A_55 = arith.cmpi eq, %iota3A, %eq3A_54 : vector<16xi32>
      %jit3A = arith.constant 0.000000e+00 : f32
      %broadcast_in_dim3A_56 = vector.broadcast %jit3A : f32 to vector<16xf32>
      %select_n3A = arith.select %eq3A_55, %get3A_52, %broadcast_in_dim3A_56 : vector<16xi1>, vector<16xf32>
      %reduce_sum3A = arith.constant true
      %reduce_sum3A_57 = vector.broadcast %reduce_sum3A : i1 to vector<16xi1>
      %reduce_sum3A_58 = tpu.scan <sum>, %select_n3A masked %reduce_sum3A_57 : vector<16xf32>, vector<16xi1> -> vector<16xf32>
      %reduce_sum3A_59 = vector.extract %reduce_sum3A_58[15] : f32 from vector<16xf32>
      %broadcast_in_dim3A_60 = vector.broadcast %reduce_sum3A_59 : f32 to vector<16xf32>
      %broadcast_in_dim3A_61 = arith.constant 0 : i32
      %broadcast_in_dim3A_62 = vector.broadcast %broadcast_in_dim3A_61 : i32 to vector<16xi32>
      %scan3A_63 = arith.constant 0 : i32
      %scan3A_64 = arith.constant 512 : i32
      %scan3A_65 = arith.addi %scan3A_63, %scan3A_64 : i32
      %scan3A_66 = arith.constant 1 : i32
      %scan3A_67 = scf.for %scan3A_1910 = %scan3A_63 to %scan3A_65 step %scan3A_66 iter_args(%scan3A_1911 = %broadcast_in_dim3A_62) -> (vector<16xi32>)  : i32 {
        %mul3A_1912 = arith.constant 16 : i32
        %mul3A_1913 = arith.muli %scan3A_1910, %mul3A_1912 : i32
        %get3A_1914 = arith.index_cast %mul3A_1913 : i32 to index
        %get3A_1915 = tpu.vector_load %arg7[%get3A_1914] {strides = array<i32>} : memref<8192xf32, #tpu.memory_space<vmem>>, vector<16xf32>,
        %le3A = arith.cmpf ole, %get3A_1915, %broadcast_in_dim3A_60 : vector<16xf32>
        %all_reduce_population_count3A = tpu.all_reduce %le3A {dim = 0 : i64, kind = #tpu.reduction_kind<sum>} : vector<16xi1> -> vector<16xi32>
        %add3A_1916 = arith.addi %scan3A_1911, %iota3A : vector<16xi32>
        %jit3A_1917 = arith.constant 3.000000e+38 : f32
        %broadcast_in_dim3A_1918 = vector.broadcast %jit3A_1917 : f32 to vector<16xf32>
        %select_n3A_1919 = arith.select %le3A, %get3A_1915, %broadcast_in_dim3A_1918 : vector<16xi1>, vector<16xf32>
        tpu.vector_store_idx %arg9[%add3A_1916], %select_n3A_1919 : memref<8192xf32, #tpu.memory_space<vmem>>[vector<16xi32>], vector<16xf32>,
        %mul3A_1920 = arith.constant 16 : i32
        %mul3A_1921 = arith.muli %scan3A_1910, %mul3A_1920 : i32
        %add3A_1922 = vector.broadcast %mul3A_1921 : i32 to vector<16xi32>
        %add3A_1923 = arith.addi %iota3A, %add3A_1922 : vector<16xi32>
        %jit3A_1924 = arith.constant 1073741824 : i32
        %broadcast_in_dim3A_1925 = vector.broadcast %jit3A_1924 : i32 to vector<16xi32>
        %select_n3A_1926 = arith.select %le3A, %add3A_1923, %broadcast_in_dim3A_1925 : vector<16xi1>, vector<16xi32>
        tpu.vector_store_idx %arg10[%add3A_1916], %select_n3A_1926 : memref<8192xi32, #tpu.memory_space<vmem>>[vector<16xi32>], vector<16xi32>,
        %min3A_1927 = arith.constant 1 : i32
        %min3A_1928 = vector.broadcast %min3A_1927 : i32 to vector<16xi32>
        %min3A_1929 = arith.minsi %all_reduce_population_count3A, %min3A_1928 : vector<16xi32>
        %mul3A_1930 = arith.constant 16 : i32
        %mul3A_1931 = vector.broadcast %mul3A_1930 : i32 to vector<16xi32>
        %mul3A_1932 = arith.muli %min3A_1929, %mul3A_1931 : vector<16xi32>
        %add3A_1933 = arith.addi %scan3A_1911, %mul3A_1932 : vector<16xi32>
        scf.yield %add3A_1933 : vector<16xi32>
      }
      %scan3A_68 = arith.constant 512 : i32
      %reduce_max3A = arith.constant true
      %reduce_max3A_69 = vector.broadcast %reduce_max3A : i1 to vector<16xi1>
      %reduce_max3A_70 = arith.constant -2147483648 : i32
      %reduce_max3A_71 = vector.broadcast %reduce_max3A_70 : i32 to vector<16xi32>
      %reduce_max3A_72 = arith.xori %scan3A_67, %reduce_max3A_71 : vector<16xi32>
      %reduce_max3A_73 = tpu.scan <max>, %reduce_max3A_72 masked %reduce_max3A_69 : vector<16xi32>, vector<16xi1> -> vector<16xi32>
      %reduce_max3A_74 = arith.xori %reduce_max3A_73, %reduce_max3A_71 : vector<16xi32>
      %reduce_max3A_75 = vector.extract %reduce_max3A_74[15] : i32 from vector<16xi32>
      %shift_right_arithmetic3A_76 = arith.constant 4 : i32
      %shift_right_arithmetic3A_77 = arith.shrsi %reduce_max3A_75, %shift_right_arithmetic3A_76 : i32
      %scan3A_78 = arith.constant 0 : i32
      %scan3A_79 = arith.constant 0 : i32
      %scan3A_80 = arith.constant 64 : i32
      %scan3A_81 = arith.addi %scan3A_79, %scan3A_80 : i32
      %scan3A_82 = arith.constant 1 : i32
      %scan3A_83 = scf.for %scan3A_1910 = %scan3A_79 to %scan3A_81 step %scan3A_82 iter_args(%scan3A_1911 = %scan3A_78) -> (i32)  : i32 {
        %mul3A_1912 = arith.constant 16 : i32
        %mul3A_1913 = arith.muli %scan3A_1910, %mul3A_1912 : i32
        %swap3A_1914 = arith.index_cast %mul3A_1913 : i32 to index
        %swap3A_1915 = tpu.vector_load %arg11[%swap3A_1914] {strides = array<i32>} : memref<1024xf32, #tpu.memory_space<vmem>>, vector<16xf32>,
        tpu.vector_store %arg11[%swap3A_1914], %broadcast_in_dim3A_5 {strides = array<i32>} : memref<1024xf32, #tpu.memory_space<vmem>>, vector<16xf32>,
        %scan3A_1916 = arith.constant 0 : i32
        scf.yield %scan3A_1916 : i32
      }
      %scan3A_84 = arith.constant 64 : i32
      %broadcast_in_dim3A_85 = arith.constant 0 : i32
      %broadcast_in_dim3A_86 = vector.broadcast %broadcast_in_dim3A_85 : i32 to vector<16xi32>
      %while3A = arith.constant 0 : i32
      %while3A_87 = arith.subi %shift_right_arithmetic3A_77, %while3A : i32
      %while3A_88 = arith.addi %while3A, %while3A_87 : i32
      %while3A_89 = arith.constant 1 : i32
      %while3A_90 = arith.divsi %while3A_87, %while3A_89 : i32
      %while3A_91 = arith.muli %while3A_90, %while3A_89 : i32
      %while3A_92 = arith.addi %while3A, %while3A_91 : i32
      %while3A_93 = arith.constant 1 : i32
      %while3A_94 = scf.for %while3A_1910 = %while3A to %while3A_92 step %while3A_93 iter_args(%while3A_1911 = %broadcast_in_dim3A_86) -> (vector<16xi32>)  : i32 {
        %mul3A_1912 = arith.constant 16 : i32
        %mul3A_1913 = arith.muli %while3A_1910, %mul3A_1912 : i32
        %get3A_1914 = arith.index_cast %mul3A_1913 : i32 to index
        %get3A_1915 = tpu.vector_load %arg9[%get3A_1914] {strides = array<i32>} : memref<8192xf32, #tpu.memory_space<vmem>>, vector<16xf32>,
        %lt3A = arith.constant 3.000000e+38 : f32
        %lt3A_1916 = vector.broadcast %lt3A : f32 to vector<16xf32>
        %lt3A_1917 = arith.cmpf olt, %get3A_1915, %lt3A_1916 : vector<16xf32>
        %mul3A_1918 = arith.constant 16 : i32
        %mul3A_1919 = arith.muli %while3A_1910, %mul3A_1918 : i32
        %get3A_1920 = arith.index_cast %mul3A_1919 : i32 to index
        %get3A_1921 = tpu.vector_load %arg10[%get3A_1920] {strides = array<i32>} : memref<8192xi32, #tpu.memory_space<vmem>>, vector<16xi32>,
        %convert_element_type3A = arith.extui %lt3A_1917 : vector<16xi1> to vector<16xi32>
        %broadcast_in_dim3A_1922 = arith.constant true
        %broadcast_in_dim3A_1923 = vector.broadcast %broadcast_in_dim3A_1922 : i1 to vector<16xi1>
        %masked_cumsum3A = tpu.scan <sum>, %convert_element_type3A masked %broadcast_in_dim3A_1923 : vector<16xi32>, vector<16xi1> -> vector<16xi32>
        %sub3A_1924 = arith.subi %masked_cumsum3A, %convert_element_type3A : vector<16xi32>
        %add3A_1925 = arith.addi %while3A_1911, %sub3A_1924 : vector<16xi32>
        %min3A_1926 = arith.constant 1023 : i32
        %min3A_1927 = vector.broadcast %min3A_1926 : i32 to vector<16xi32>
        %min3A_1928 = arith.minsi %add3A_1925, %min3A_1927 : vector<16xi32>
        tpu.vector_store_idx %arg11[%min3A_1928], %get3A_1915 masked %lt3A_1917 : memref<1024xf32, #tpu.memory_space<vmem>>[vector<16xi32>], vector<16xf32>, vector<16xi1>
        tpu.vector_store_idx %arg12[%min3A_1928], %get3A_1921 masked %lt3A_1917 : memref<1024xi32, #tpu.memory_space<vmem>>[vector<16xi32>], vector<16xi32>, vector<16xi1>
        %all_reduce_population_count3A = tpu.all_reduce %lt3A_1917 {dim = 0 : i64, kind = #tpu.reduction_kind<sum>} : vector<16xi1> -> vector<16xi32>
        %add3A_1929 = arith.addi %while3A_1911, %all_reduce_population_count3A : vector<16xi32>
        scf.yield %add3A_1929 : vector<16xi32>
      }
      %while3A_95 = arith.constant 1 : i32
      %while3A_96 = scf.for %while3A_1910 = %while3A_92 to %while3A_88 step %while3A_95 iter_args(%while3A_1911 = %while3A_94) -> (vector<16xi32>)  : i32 {
        %mul3A_1912 = arith.constant 16 : i32
        %mul3A_1913 = arith.muli %while3A_1910, %mul3A_1912 : i32
        %get3A_1914 = arith.index_cast %mul3A_1913 : i32 to index
        %get3A_1915 = tpu.vector_load %arg9[%get3A_1914] {strides = array<i32>} : memref<8192xf32, #tpu.memory_space<vmem>>, vector<16xf32>,
        %lt3A = arith.constant 3.000000e+38 : f32
        %lt3A_1916 = vector.broadcast %lt3A : f32 to vector<16xf32>
        %lt3A_1917 = arith.cmpf olt, %get3A_1915, %lt3A_1916 : vector<16xf32>
        %mul3A_1918 = arith.constant 16 : i32
        %mul3A_1919 = arith.muli %while3A_1910, %mul3A_1918 : i32
        %get3A_1920 = arith.index_cast %mul3A_1919 : i32 to index
        %get3A_1921 = tpu.vector_load %arg10[%get3A_1920] {strides = array<i32>} : memref<8192xi32, #tpu.memory_space<vmem>>, vector<16xi32>,
        %convert_element_type3A = arith.extui %lt3A_1917 : vector<16xi1> to vector<16xi32>
        %broadcast_in_dim3A_1922 = arith.constant true
        %broadcast_in_dim3A_1923 = vector.broadcast %broadcast_in_dim3A_1922 : i1 to vector<16xi1>
        %masked_cumsum3A = tpu.scan <sum>, %convert_element_type3A masked %broadcast_in_dim3A_1923 : vector<16xi32>, vector<16xi1> -> vector<16xi32>
        %sub3A_1924 = arith.subi %masked_cumsum3A, %convert_element_type3A : vector<16xi32>
        %add3A_1925 = arith.addi %while3A_1911, %sub3A_1924 : vector<16xi32>
        %min3A_1926 = arith.constant 1023 : i32
        %min3A_1927 = vector.broadcast %min3A_1926 : i32 to vector<16xi32>
        %min3A_1928 = arith.minsi %add3A_1925, %min3A_1927 : vector<16xi32>
        tpu.vector_store_idx %arg11[%min3A_1928], %get3A_1915 masked %lt3A_1917 : memref<1024xf32, #tpu.memory_space<vmem>>[vector<16xi32>], vector<16xf32>, vector<16xi1>
        tpu.vector_store_idx %arg12[%min3A_1928], %get3A_1921 masked %lt3A_1917 : memref<1024xi32, #tpu.memory_space<vmem>>[vector<16xi32>], vector<16xi32>, vector<16xi1>
        %all_reduce_population_count3A = tpu.all_reduce %lt3A_1917 {dim = 0 : i64, kind = #tpu.reduction_kind<sum>} : vector<16xi1> -> vector<16xi32>
        %add3A_1929 = arith.addi %while3A_1911, %all_reduce_population_count3A : vector<16xi32>
        scf.yield %add3A_1929 : vector<16xi32>
      }
      %scan3A_97 = arith.constant 0 : i32
      %scan3A_98 = arith.constant 0 : i32
      %scan3A_99 = arith.constant 32 : i32
      %scan3A_100 = arith.addi %scan3A_98, %scan3A_99 : i32
      %scan3A_101 = arith.constant 1 : i32
      %scan3A_102 = scf.for %scan3A_1910 = %scan3A_98 to %scan3A_100 step %scan3A_101 iter_args(%scan3A_1911 = %scan3A_97) -> (i32)  : i32 {
        %scan3A_1912 = arith.constant 0 : i32
        %scan3A_1913 = arith.constant 64 : i32
        %scan3A_1914 = arith.addi %scan3A_1912, %scan3A_1913 : i32
        %scan3A_1915 = arith.constant 1 : i32
        %scan3A_1916 = scf.for %scan3A_1959 = %scan3A_1912 to %scan3A_1914 step %scan3A_1915 iter_args(%scan3A_1960 = %broadcast_in_dim3A_5) -> (vector<16xf32>)  : i32 {
          %mul3A_1961 = arith.constant 16 : i32
          %mul3A_1962 = arith.muli %scan3A_1959, %mul3A_1961 : i32
          %get3A_1963 = arith.index_cast %mul3A_1962 : i32 to index
          %get3A_1964 = tpu.vector_load %arg11[%get3A_1963] {strides = array<i32>} : memref<1024xf32, #tpu.memory_space<vmem>>, vector<16xf32>,
          %min3A_1965 = arith.minimumf %scan3A_1960, %get3A_1964 : vector<16xf32>
          scf.yield %min3A_1965 : vector<16xf32>
        }
        %scan3A_1917 = arith.constant 64 : i32
        %reduce_min3A = arith.constant true
        %reduce_min3A_1918 = vector.broadcast %reduce_min3A : i1 to vector<16xi1>
        %reduce_min3A_1919 = tpu.scan <min>, %scan3A_1916 masked %reduce_min3A_1918 : vector<16xf32>, vector<16xi1> -> vector<16xf32>
        %reduce_min3A_1920 = vector.extract %reduce_min3A_1919[15] : f32 from vector<16xf32>
        %broadcast_in_dim3A_1921 = vector.broadcast %reduce_min3A_1920 : f32 to vector<16xf32>
        %broadcast_in_dim3A_1922 = arith.constant 1073741824 : i32
        %broadcast_in_dim3A_1923 = vector.broadcast %broadcast_in_dim3A_1922 : i32 to vector<16xi32>
        %scan3A_1924 = arith.constant 0 : i32
        %scan3A_1925 = arith.constant 64 : i32
        %scan3A_1926 = arith.addi %scan3A_1924, %scan3A_1925 : i32
        %scan3A_1927 = arith.constant 1 : i32
        %scan3A_1928 = scf.for %scan3A_1959 = %scan3A_1924 to %scan3A_1926 step %scan3A_1927 iter_args(%scan3A_1960 = %broadcast_in_dim3A_1923) -> (vector<16xi32>)  : i32 {
          %mul3A_1961 = arith.constant 16 : i32
          %mul3A_1962 = arith.muli %scan3A_1959, %mul3A_1961 : i32
          %get3A_1963 = arith.index_cast %mul3A_1962 : i32 to index
          %get3A_1964 = tpu.vector_load %arg11[%get3A_1963] {strides = array<i32>} : memref<1024xf32, #tpu.memory_space<vmem>>, vector<16xf32>,
          %eq3A_1965 = arith.cmpf oeq, %get3A_1964, %broadcast_in_dim3A_1921 : vector<16xf32>
          %mul3A_1966 = arith.constant 16 : i32
          %mul3A_1967 = arith.muli %scan3A_1959, %mul3A_1966 : i32
          %add3A_1968 = vector.broadcast %mul3A_1967 : i32 to vector<16xi32>
          %add3A_1969 = arith.addi %iota3A, %add3A_1968 : vector<16xi32>
          %jit3A_1970 = arith.constant 1073741824 : i32
          %broadcast_in_dim3A_1971 = vector.broadcast %jit3A_1970 : i32 to vector<16xi32>
          %select_n3A_1972 = arith.select %eq3A_1965, %add3A_1969, %broadcast_in_dim3A_1971 : vector<16xi1>, vector<16xi32>
          %min3A_1973 = arith.minsi %scan3A_1960, %select_n3A_1972 : vector<16xi32>
          scf.yield %min3A_1973 : vector<16xi32>
        }
        %scan3A_1929 = arith.constant 64 : i32
        %reduce_min3A_1930 = arith.constant true
        %reduce_min3A_1931 = vector.broadcast %reduce_min3A_1930 : i1 to vector<16xi1>
        %reduce_min3A_1932 = arith.constant -2147483648 : i32
        %reduce_min3A_1933 = vector.broadcast %reduce_min3A_1932 : i32 to vector<16xi32>
        %reduce_min3A_1934 = arith.xori %scan3A_1928, %reduce_min3A_1933 : vector<16xi32>
        %reduce_min3A_1935 = tpu.scan <min>, %reduce_min3A_1934 masked %reduce_min3A_1931 : vector<16xi32>, vector<16xi1> -> vector<16xi32>
        %reduce_min3A_1936 = arith.xori %reduce_min3A_1935, %reduce_min3A_1933 : vector<16xi32>
        %reduce_min3A_1937 = vector.extract %reduce_min3A_1936[15] : i32 from vector<16xi32>
        %broadcast_in_dim3A_1938 = vector.broadcast %reduce_min3A_1937 : i32 to vector<16xi32>
        %shift_right_arithmetic3A_1939 = arith.constant 4 : i32
        %shift_right_arithmetic3A_1940 = arith.shrsi %reduce_min3A_1937, %shift_right_arithmetic3A_1939 : i32
        %shift_left3A_1941 = arith.constant 4 : i32
        %shift_left3A_1942 = arith.shli %shift_right_arithmetic3A_1940, %shift_left3A_1941 : i32
        %get3A_1943 = arith.index_cast %shift_left3A_1942 : i32 to index
        %get3A_1944 = tpu.vector_load %arg12[%get3A_1943] {strides = array<i32>} : memref<1024xi32, #tpu.memory_space<vmem>>, vector<16xi32>,
        %and3A_1945 = arith.constant 15 : i32
        %and3A_1946 = arith.andi %reduce_min3A_1937, %and3A_1945 : i32
        %eq3A_1947 = vector.broadcast %and3A_1946 : i32 to vector<16xi32>
        %eq3A_1948 = arith.cmpi eq, %iota3A, %eq3A_1947 : vector<16xi32>
        %jit3A_1949 = arith.constant 0 : i32
        %broadcast_in_dim3A_1950 = vector.broadcast %jit3A_1949 : i32 to vector<16xi32>
        %select_n3A_1951 = arith.select %eq3A_1948, %get3A_1944, %broadcast_in_dim3A_1950 : vector<16xi1>, vector<16xi32>
        %reduce_sum3A_1952 = arith.constant true
        %reduce_sum3A_1953 = vector.broadcast %reduce_sum3A_1952 : i1 to vector<16xi1>
        %reduce_sum3A_1954 = tpu.scan <sum>, %select_n3A_1951 masked %reduce_sum3A_1953 : vector<16xi32>, vector<16xi1> -> vector<16xi32>
        %reduce_sum3A_1955 = vector.extract %reduce_sum3A_1954[15] : i32 from vector<16xi32>
        %broadcast_in_dim3A_1956 = vector.broadcast %scan3A_1910 : i32 to vector<16xi32>
        %broadcast_in_dim3A_1957 = vector.broadcast %reduce_sum3A_1955 : i32 to vector<16xi32>
        tpu.vector_store_idx %arg13[%broadcast_in_dim3A_1956], %broadcast_in_dim3A_1957 masked %eq3A_4 : memref<128xi32, #tpu.memory_space<vmem>>[vector<16xi32>], vector<16xi32>, vector<16xi1>
        tpu.vector_store_idx %arg11[%broadcast_in_dim3A_1938], %broadcast_in_dim3A_5 masked %eq3A_4 : memref<1024xf32, #tpu.memory_space<vmem>>[vector<16xi32>], vector<16xf32>, vector<16xi1>
        %scan3A_1958 = arith.constant 0 : i32
        scf.yield %scan3A_1958 : i32
      }
      %scan3A_103 = arith.constant 32 : i32
      %shift_right_arithmetic3A_104 = arith.constant 7 : i32
      %shift_right_arithmetic3A_105 = arith.shrsi %add3A_28, %shift_right_arithmetic3A_104 : i32
      %shift_left3A_106 = arith.constant 13 : i32
      %shift_left3A_107 = arith.shli %shift_right_arithmetic3A_105, %shift_left3A_106 : i32
      %get3A_108 = arith.constant 0 : index
      %get3A_109 = tpu.vector_load %arg13[%get3A_108] {strides = array<i32>} : memref<128xi32, #tpu.memory_space<vmem>>, vector<16xi32>,
      %add3A_110 = vector.broadcast %shift_left3A_107 : i32 to vector<16xi32>
      %add3A_111 = arith.addi %get3A_109, %add3A_110 : vector<16xi32>
      %shift_right_arithmetic3A_112 = arith.constant 3 : i32
      %shift_right_arithmetic3A_113 = vector.broadcast %shift_right_arithmetic3A_112 : i32 to vector<16xi32>
      %shift_right_arithmetic3A_114 = arith.shrsi %add3A_111, %shift_right_arithmetic3A_113 : vector<16xi32>
      %swap3A = arith.constant 0 : index
      %swap3A_115 = tpu.vector_load %arg14[%swap3A] {strides = array<i32>} : memref<32xi32, #tpu.memory_space<vmem>>, vector<16xi32>,
      tpu.vector_store %arg14[%swap3A], %shift_right_arithmetic3A_114 {strides = array<i32>} : memref<32xi32, #tpu.memory_space<vmem>>, vector<16xi32>,
      %get3A_116 = arith.constant 16 : index
      %get3A_117 = tpu.vector_load %arg13[%get3A_116] {strides = array<i32>} : memref<128xi32, #tpu.memory_space<vmem>>, vector<16xi32>,
      %add3A_118 = vector.broadcast %shift_left3A_107 : i32 to vector<16xi32>
      %add3A_119 = arith.addi %get3A_117, %add3A_118 : vector<16xi32>
      %shift_right_arithmetic3A_120 = arith.constant 3 : i32
      %shift_right_arithmetic3A_121 = vector.broadcast %shift_right_arithmetic3A_120 : i32 to vector<16xi32>
      %shift_right_arithmetic3A_122 = arith.shrsi %add3A_119, %shift_right_arithmetic3A_121 : vector<16xi32>
      %swap3A_123 = arith.constant 16 : index
      %swap3A_124 = tpu.vector_load %arg14[%swap3A_123] {strides = array<i32>} : memref<32xi32, #tpu.memory_space<vmem>>, vector<16xi32>,
      tpu.vector_store %arg14[%swap3A_123], %shift_right_arithmetic3A_122 {strides = array<i32>} : memref<32xi32, #tpu.memory_space<vmem>>, vector<16xi32>,
      %dma_start3A_125 = arith.constant 0 : i32
      %dma_start3A_126 = arith.constant 0 : i32
      %dma_start3A_127 = tpu.memref_slice %arg4[%dma_start3A_125, %dma_start3A_126] : memref<8192x128xf32, #tpu.memory_space<hbm>> -> memref<8192x128xf32, #tpu.memory_space<hbm>>
      tpu.enqueue_indirect_dma source(%dma_start3A_127 : memref<8192x128xf32, #tpu.memory_space<hbm>>) target(%arg15 : memref<32x128xf32, #tpu.memory_space<vmem>>) offsets(%arg14 : memref<32xi32, #tpu.memory_space<vmem>>) semaphore(%arg21 : memref<!tpu.dma_semaphore, #tpu.memory_space<semaphore_mem>>)
      %dma_wait3A_128 = arith.constant 0 : i32
      %dma_wait3A_129 = arith.constant 0 : i32
      %dma_wait3A_130 = tpu.memref_slice %arg4[%dma_wait3A_128, %dma_wait3A_129] : memref<8192x128xf32, #tpu.memory_space<hbm>> -> memref<8192x128xf32, #tpu.memory_space<hbm>>
      tpu.wait_indirect_dma semaphore(%arg21 : memref<!tpu.dma_semaphore, #tpu.memory_space<semaphore_mem>>) src(%dma_wait3A_130 : memref<8192x128xf32, #tpu.memory_space<hbm>>) dst(%arg15 : memref<32x128xf32, #tpu.memory_space<vmem>>)
      %mul3A_131 = arith.constant 16 : i32
      %mul3A_132 = arith.muli %mul3A_49, %mul3A_131 : i32
      %get3A_133 = arith.index_cast %mul3A_132 : i32 to index
      %get3A_134 = tpu.vector_load %arg17[%get3A_133] {strides = array<i32>} : memref<512xf32, #tpu.memory_space<vmem>>, vector<16xf32>,
      %get3A_135 = arith.constant 0 : index
      %get3A_136 = tpu.vector_load %arg13[%get3A_135] {strides = array<i32>} : memref<128xi32, #tpu.memory_space<vmem>>, vector<16xi32>,
      %eq3A_137 = arith.constant 0 : i32
      %eq3A_138 = vector.broadcast %eq3A_137 : i32 to vector<16xi32>
      %eq3A_139 = arith.cmpi eq, %iota3A, %eq3A_138 : vector<16xi32>
      %jit3A_140 = arith.constant 0 : i32
      %broadcast_in_dim3A_141 = vector.broadcast %jit3A_140 : i32 to vector<16xi32>
      %select_n3A_142 = arith.select %eq3A_139, %get3A_136, %broadcast_in_dim3A_141 : vector<16xi1>, vector<16xi32>
      %reduce_sum3A_143 = arith.constant true
      %reduce_sum3A_144 = vector.broadcast %reduce_sum3A_143 : i1 to vector<16xi1>
      %reduce_sum3A_145 = tpu.scan <sum>, %select_n3A_142 masked %reduce_sum3A_144 : vector<16xi32>, vector<16xi1> -> vector<16xi32>
      %reduce_sum3A_146 = vector.extract %reduce_sum3A_145[15] : i32 from vector<16xi32>
      %and3A_147 = arith.constant 7 : i32
      %and3A_148 = arith.andi %reduce_sum3A_146, %and3A_147 : i32
      %mul3A_149 = arith.constant 16 : i32
      %mul3A_150 = arith.muli %and3A_148, %mul3A_149 : i32
      %broadcast_in_dim3A_151 = vector.broadcast %mul3A_150 : i32 to vector<16xi32>
      %add3A_152 = arith.addi %broadcast_in_dim3A_151, %iota3A : vector<16xi32>
      %broadcast_in_dim3A_153 = arith.constant 0 : i32
      %broadcast_in_dim3A_154 = vector.broadcast %broadcast_in_dim3A_153 : i32 to vector<16xi32>
      %gather3A = tpu.vector_load_idx %arg15[%broadcast_in_dim3A_154, %add3A_152] : memref<32x128xf32, #tpu.memory_space<vmem>>[vector<16xi32>, vector<16xi32>], vector<16xf32>,
      %sub3A_155 = arith.subf %gather3A, %get3A_134 : vector<16xf32>
      %swap3A_156 = arith.constant 0 : i32
      %swap3A_157 = arith.index_cast %swap3A_156 : i32 to index
      %swap3A_158 = arith.constant 0 : index
      %swap3A_159 = tpu.vector_load %arg16[%swap3A_157, %swap3A_158] {strides = array<i32>} : memref<32x16xf32, #tpu.memory_space<vmem>>, vector<16xf32>,
      tpu.vector_store %arg16[%swap3A_157, %swap3A_158], %sub3A_155 {strides = array<i32>} : memref<32x16xf32, #tpu.memory_space<vmem>>, vector<16xf32>,
      %get3A_160 = arith.constant 0 : index
      %get3A_161 = tpu.vector_load %arg13[%get3A_160] {strides = array<i32>} : memref<128xi32, #tpu.memory_space<vmem>>, vector<16xi32>,
      %eq3A_162 = arith.constant 1 : i32
      %eq3A_163 = vector.broadcast %eq3A_162 : i32 to vector<16xi32>
      %eq3A_164 = arith.cmpi eq, %iota3A, %eq3A_163 : vector<16xi32>
      %jit3A_165 = arith.constant 0 : i32
      %broadcast_in_dim3A_166 = vector.broadcast %jit3A_165 : i32 to vector<16xi32>
      %select_n3A_167 = arith.select %eq3A_164, %get3A_161, %broadcast_in_dim3A_166 : vector<16xi1>, vector<16xi32>
      %reduce_sum3A_168 = arith.constant true
      %reduce_sum3A_169 = vector.broadcast %reduce_sum3A_168 : i1 to vector<16xi1>
      %reduce_sum3A_170 = tpu.scan <sum>, %select_n3A_167 masked %reduce_sum3A_169 : vector<16xi32>, vector<16xi1> -> vector<16xi32>
      %reduce_sum3A_171 = vector.extract %reduce_sum3A_170[15] : i32 from vector<16xi32>
      %and3A_172 = arith.constant 7 : i32
      %and3A_173 = arith.andi %reduce_sum3A_171, %and3A_172 : i32
      %mul3A_174 = arith.constant 16 : i32
      %mul3A_175 = arith.muli %and3A_173, %mul3A_174 : i32
      %broadcast_in_dim3A_176 = vector.broadcast %mul3A_175 : i32 to vector<16xi32>
      %add3A_177 = arith.addi %broadcast_in_dim3A_176, %iota3A : vector<16xi32>
      %broadcast_in_dim3A_178 = arith.constant 1 : i32
      %broadcast_in_dim3A_179 = vector.broadcast %broadcast_in_dim3A_178 : i32 to vector<16xi32>
      %gather3A_180 = tpu.vector_load_idx %arg15[%broadcast_in_dim3A_179, %add3A_177] : memref<32x128xf32, #tpu.memory_space<vmem>>[vector<16xi32>, vector<16xi32>], vector<16xf32>,
      %sub3A_181 = arith.subf %gather3A_180, %get3A_134 : vector<16xf32>
      %swap3A_182 = arith.constant 1 : i32
      %swap3A_183 = arith.index_cast %swap3A_182 : i32 to index
      %swap3A_184 = arith.constant 0 : index
      %swap3A_185 = tpu.vector_load %arg16[%swap3A_183, %swap3A_184] {strides = array<i32>} : memref<32x16xf32, #tpu.memory_space<vmem>>, vector<16xf32>,
      tpu.vector_store %arg16[%swap3A_183, %swap3A_184], %sub3A_181 {strides = array<i32>} : memref<32x16xf32, #tpu.memory_space<vmem>>, vector<16xf32>,
      %get3A_186 = arith.constant 0 : index
      %get3A_187 = tpu.vector_load %arg13[%get3A_186] {strides = array<i32>} : memref<128xi32, #tpu.memory_space<vmem>>, vector<16xi32>,
      %eq3A_188 = arith.constant 2 : i32
      %eq3A_189 = vector.broadcast %eq3A_188 : i32 to vector<16xi32>
      %eq3A_190 = arith.cmpi eq, %iota3A, %eq3A_189 : vector<16xi32>
      %jit3A_191 = arith.constant 0 : i32
      %broadcast_in_dim3A_192 = vector.broadcast %jit3A_191 : i32 to vector<16xi32>
      %select_n3A_193 = arith.select %eq3A_190, %get3A_187, %broadcast_in_dim3A_192 : vector<16xi1>, vector<16xi32>
      %reduce_sum3A_194 = arith.constant true
      %reduce_sum3A_195 = vector.broadcast %reduce_sum3A_194 : i1 to vector<16xi1>
      %reduce_sum3A_196 = tpu.scan <sum>, %select_n3A_193 masked %reduce_sum3A_195 : vector<16xi32>, vector<16xi1> -> vector<16xi32>
      %reduce_sum3A_197 = vector.extract %reduce_sum3A_196[15] : i32 from vector<16xi32>
      %and3A_198 = arith.constant 7 : i32
      %and3A_199 = arith.andi %reduce_sum3A_197, %and3A_198 : i32
      %mul3A_200 = arith.constant 16 : i32
      %mul3A_201 = arith.muli %and3A_199, %mul3A_200 : i32
      %broadcast_in_dim3A_202 = vector.broadcast %mul3A_201 : i32 to vector<16xi32>
      %add3A_203 = arith.addi %broadcast_in_dim3A_202, %iota3A : vector<16xi32>
      %broadcast_in_dim3A_204 = arith.constant 2 : i32
      %broadcast_in_dim3A_205 = vector.broadcast %broadcast_in_dim3A_204 : i32 to vector<16xi32>
      %gather3A_206 = tpu.vector_load_idx %arg15[%broadcast_in_dim3A_205, %add3A_203] : memref<32x128xf32, #tpu.memory_space<vmem>>[vector<16xi32>, vector<16xi32>], vector<16xf32>,
      %sub3A_207 = arith.subf %gather3A_206, %get3A_134 : vector<16xf32>
      %swap3A_208 = arith.constant 2 : i32
      %swap3A_209 = arith.index_cast %swap3A_208 : i32 to index
      %swap3A_210 = arith.constant 0 : index
      %swap3A_211 = tpu.vector_load %arg16[%swap3A_209, %swap3A_210] {strides = array<i32>} : memref<32x16xf32, #tpu.memory_space<vmem>>, vector<16xf32>,
      tpu.vector_store %arg16[%swap3A_209, %swap3A_210], %sub3A_207 {strides = array<i32>} : memref<32x16xf32, #tpu.memory_space<vmem>>, vector<16xf32>,
      %get3A_212 = arith.constant 0 : index
      %get3A_213 = tpu.vector_load %arg13[%get3A_212] {strides = array<i32>} : memref<128xi32, #tpu.memory_space<vmem>>, vector<16xi32>,
      %eq3A_214 = arith.constant 3 : i32
      %eq3A_215 = vector.broadcast %eq3A_214 : i32 to vector<16xi32>
      %eq3A_216 = arith.cmpi eq, %iota3A, %eq3A_215 : vector<16xi32>
      %jit3A_217 = arith.constant 0 : i32
      %broadcast_in_dim3A_218 = vector.broadcast %jit3A_217 : i32 to vector<16xi32>
      %select_n3A_219 = arith.select %eq3A_216, %get3A_213, %broadcast_in_dim3A_218 : vector<16xi1>, vector<16xi32>
      %reduce_sum3A_220 = arith.constant true
      %reduce_sum3A_221 = vector.broadcast %reduce_sum3A_220 : i1 to vector<16xi1>
      %reduce_sum3A_222 = tpu.scan <sum>, %select_n3A_219 masked %reduce_sum3A_221 : vector<16xi32>, vector<16xi1> -> vector<16xi32>
      %reduce_sum3A_223 = vector.extract %reduce_sum3A_222[15] : i32 from vector<16xi32>
      %and3A_224 = arith.constant 7 : i32
      %and3A_225 = arith.andi %reduce_sum3A_223, %and3A_224 : i32
      %mul3A_226 = arith.constant 16 : i32
      %mul3A_227 = arith.muli %and3A_225, %mul3A_226 : i32
      %broadcast_in_dim3A_228 = vector.broadcast %mul3A_227 : i32 to vector<16xi32>
      %add3A_229 = arith.addi %broadcast_in_dim3A_228, %iota3A : vector<16xi32>
      %broadcast_in_dim3A_230 = arith.constant 3 : i32
      %broadcast_in_dim3A_231 = vector.broadcast %broadcast_in_dim3A_230 : i32 to vector<16xi32>
      %gather3A_232 = tpu.vector_load_idx %arg15[%broadcast_in_dim3A_231, %add3A_229] : memref<32x128xf32, #tpu.memory_space<vmem>>[vector<16xi32>, vector<16xi32>], vector<16xf32>,
      %sub3A_233 = arith.subf %gather3A_232, %get3A_134 : vector<16xf32>
      %swap3A_234 = arith.constant 3 : i32
      %swap3A_235 = arith.index_cast %swap3A_234 : i32 to index
      %swap3A_236 = arith.constant 0 : index
      %swap3A_237 = tpu.vector_load %arg16[%swap3A_235, %swap3A_236] {strides = array<i32>} : memref<32x16xf32, #tpu.memory_space<vmem>>, vector<16xf32>,
      tpu.vector_store %arg16[%swap3A_235, %swap3A_236], %sub3A_233 {strides = array<i32>} : memref<32x16xf32, #tpu.memory_space<vmem>>, vector<16xf32>,
      %get3A_238 = arith.constant 0 : index
      %get3A_239 = tpu.vector_load %arg13[%get3A_238] {strides = array<i32>} : memref<128xi32, #tpu.memory_space<vmem>>, vector<16xi32>,
      %eq3A_240 = arith.constant 4 : i32
      %eq3A_241 = vector.broadcast %eq3A_240 : i32 to vector<16xi32>
      %eq3A_242 = arith.cmpi eq, %iota3A, %eq3A_241 : vector<16xi32>
      %jit3A_243 = arith.constant 0 : i32
      %broadcast_in_dim3A_244 = vector.broadcast %jit3A_243 : i32 to vector<16xi32>
      %select_n3A_245 = arith.select %eq3A_242, %get3A_239, %broadcast_in_dim3A_244 : vector<16xi1>, vector<16xi32>
      %reduce_sum3A_246 = arith.constant true
      %reduce_sum3A_247 = vector.broadcast %reduce_sum3A_246 : i1 to vector<16xi1>
      %reduce_sum3A_248 = tpu.scan <sum>, %select_n3A_245 masked %reduce_sum3A_247 : vector<16xi32>, vector<16xi1> -> vector<16xi32>
      %reduce_sum3A_249 = vector.extract %reduce_sum3A_248[15] : i32 from vector<16xi32>
      %and3A_250 = arith.constant 7 : i32
      %and3A_251 = arith.andi %reduce_sum3A_249, %and3A_250 : i32
      %mul3A_252 = arith.constant 16 : i32
      %mul3A_253 = arith.muli %and3A_251, %mul3A_252 : i32
      %broadcast_in_dim3A_254 = vector.broadcast %mul3A_253 : i32 to vector<16xi32>
      %add3A_255 = arith.addi %broadcast_in_dim3A_254, %iota3A : vector<16xi32>
      %broadcast_in_dim3A_256 = arith.constant 4 : i32
      %broadcast_in_dim3A_257 = vector.broadcast %broadcast_in_dim3A_256 : i32 to vector<16xi32>
      %gather3A_258 = tpu.vector_load_idx %arg15[%broadcast_in_dim3A_257, %add3A_255] : memref<32x128xf32, #tpu.memory_space<vmem>>[vector<16xi32>, vector<16xi32>], vector<16xf32>,
      %sub3A_259 = arith.subf %gather3A_258, %get3A_134 : vector<16xf32>
      %swap3A_260 = arith.constant 4 : i32
      %swap3A_261 = arith.index_cast %swap3A_260 : i32 to index
      %swap3A_262 = arith.constant 0 : index
      %swap3A_263 = tpu.vector_load %arg16[%swap3A_261, %swap3A_262] {strides = array<i32>} : memref<32x16xf32, #tpu.memory_space<vmem>>, vector<16xf32>,
      tpu.vector_store %arg16[%swap3A_261, %swap3A_262], %sub3A_259 {strides = array<i32>} : memref<32x16xf32, #tpu.memory_space<vmem>>, vector<16xf32>,
      %get3A_264 = arith.constant 0 : index
      %get3A_265 = tpu.vector_load %arg13[%get3A_264] {strides = array<i32>} : memref<128xi32, #tpu.memory_space<vmem>>, vector<16xi32>,
      %eq3A_266 = arith.constant 5 : i32
      %eq3A_267 = vector.broadcast %eq3A_266 : i32 to vector<16xi32>
      %eq3A_268 = arith.cmpi eq, %iota3A, %eq3A_267 : vector<16xi32>
      %jit3A_269 = arith.constant 0 : i32
      %broadcast_in_dim3A_270 = vector.broadcast %jit3A_269 : i32 to vector<16xi32>
      %select_n3A_271 = arith.select %eq3A_268, %get3A_265, %broadcast_in_dim3A_270 : vector<16xi1>, vector<16xi32>
      %reduce_sum3A_272 = arith.constant true
      %reduce_sum3A_273 = vector.broadcast %reduce_sum3A_272 : i1 to vector<16xi1>
      %reduce_sum3A_274 = tpu.scan <sum>, %select_n3A_271 masked %reduce_sum3A_273 : vector<16xi32>, vector<16xi1> -> vector<16xi32>
      %reduce_sum3A_275 = vector.extract %reduce_sum3A_274[15] : i32 from vector<16xi32>
      %and3A_276 = arith.constant 7 : i32
      %and3A_277 = arith.andi %reduce_sum3A_275, %and3A_276 : i32
      %mul3A_278 = arith.constant 16 : i32
      %mul3A_279 = arith.muli %and3A_277, %mul3A_278 : i32
      %broadcast_in_dim3A_280 = vector.broadcast %mul3A_279 : i32 to vector<16xi32>
      %add3A_281 = arith.addi %broadcast_in_dim3A_280, %iota3A : vector<16xi32>
      %broadcast_in_dim3A_282 = arith.constant 5 : i32
      %broadcast_in_dim3A_283 = vector.broadcast %broadcast_in_dim3A_282 : i32 to vector<16xi32>
      %gather3A_284 = tpu.vector_load_idx %arg15[%broadcast_in_dim3A_283, %add3A_281] : memref<32x128xf32, #tpu.memory_space<vmem>>[vector<16xi32>, vector<16xi32>], vector<16xf32>,
      %sub3A_285 = arith.subf %gather3A_284, %get3A_134 : vector<16xf32>
      %swap3A_286 = arith.constant 5 : i32
      %swap3A_287 = arith.index_cast %swap3A_286 : i32 to index
      %swap3A_288 = arith.constant 0 : index
      %swap3A_289 = tpu.vector_load %arg16[%swap3A_287, %swap3A_288] {strides = array<i32>} : memref<32x16xf32, #tpu.memory_space<vmem>>, vector<16xf32>,
      tpu.vector_store %arg16[%swap3A_287, %swap3A_288], %sub3A_285 {strides = array<i32>} : memref<32x16xf32, #tpu.memory_space<vmem>>, vector<16xf32>,
      %get3A_290 = arith.constant 0 : index
      %get3A_291 = tpu.vector_load %arg13[%get3A_290] {strides = array<i32>} : memref<128xi32, #tpu.memory_space<vmem>>, vector<16xi32>,
      %eq3A_292 = arith.constant 6 : i32
      %eq3A_293 = vector.broadcast %eq3A_292 : i32 to vector<16xi32>
      %eq3A_294 = arith.cmpi eq, %iota3A, %eq3A_293 : vector<16xi32>
      %jit3A_295 = arith.constant 0 : i32
      %broadcast_in_dim3A_296 = vector.broadcast %jit3A_295 : i32 to vector<16xi32>
      %select_n3A_297 = arith.select %eq3A_294, %get3A_291, %broadcast_in_dim3A_296 : vector<16xi1>, vector<16xi32>
      %reduce_sum3A_298 = arith.constant true
      %reduce_sum3A_299 = vector.broadcast %reduce_sum3A_298 : i1 to vector<16xi1>
      %reduce_sum3A_300 = tpu.scan <sum>, %select_n3A_297 masked %reduce_sum3A_299 : vector<16xi32>, vector<16xi1> -> vector<16xi32>
      %reduce_sum3A_301 = vector.extract %reduce_sum3A_300[15] : i32 from vector<16xi32>
      %and3A_302 = arith.constant 7 : i32
      %and3A_303 = arith.andi %reduce_sum3A_301, %and3A_302 : i32
      %mul3A_304 = arith.constant 16 : i32
      %mul3A_305 = arith.muli %and3A_303, %mul3A_304 : i32
      %broadcast_in_dim3A_306 = vector.broadcast %mul3A_305 : i32 to vector<16xi32>
      %add3A_307 = arith.addi %broadcast_in_dim3A_306, %iota3A : vector<16xi32>
      %broadcast_in_dim3A_308 = arith.constant 6 : i32
      %broadcast_in_dim3A_309 = vector.broadcast %broadcast_in_dim3A_308 : i32 to vector<16xi32>
      %gather3A_310 = tpu.vector_load_idx %arg15[%broadcast_in_dim3A_309, %add3A_307] : memref<32x128xf32, #tpu.memory_space<vmem>>[vector<16xi32>, vector<16xi32>], vector<16xf32>,
      %sub3A_311 = arith.subf %gather3A_310, %get3A_134 : vector<16xf32>
      %swap3A_312 = arith.constant 6 : i32
      %swap3A_313 = arith.index_cast %swap3A_312 : i32 to index
      %swap3A_314 = arith.constant 0 : index
      %swap3A_315 = tpu.vector_load %arg16[%swap3A_313, %swap3A_314] {strides = array<i32>} : memref<32x16xf32, #tpu.memory_space<vmem>>, vector<16xf32>,
      tpu.vector_store %arg16[%swap3A_313, %swap3A_314], %sub3A_311 {strides = array<i32>} : memref<32x16xf32, #tpu.memory_space<vmem>>, vector<16xf32>,
      %get3A_316 = arith.constant 0 : index
      %get3A_317 = tpu.vector_load %arg13[%get3A_316] {strides = array<i32>} : memref<128xi32, #tpu.memory_space<vmem>>, vector<16xi32>,
      %eq3A_318 = arith.constant 7 : i32
      %eq3A_319 = vector.broadcast %eq3A_318 : i32 to vector<16xi32>
      %eq3A_320 = arith.cmpi eq, %iota3A, %eq3A_319 : vector<16xi32>
      %jit3A_321 = arith.constant 0 : i32
      %broadcast_in_dim3A_322 = vector.broadcast %jit3A_321 : i32 to vector<16xi32>
      %select_n3A_323 = arith.select %eq3A_320, %get3A_317, %broadcast_in_dim3A_322 : vector<16xi1>, vector<16xi32>
      %reduce_sum3A_324 = arith.constant true
      %reduce_sum3A_325 = vector.broadcast %reduce_sum3A_324 : i1 to vector<16xi1>
      %reduce_sum3A_326 = tpu.scan <sum>, %select_n3A_323 masked %reduce_sum3A_325 : vector<16xi32>, vector<16xi1> -> vector<16xi32>
      %reduce_sum3A_327 = vector.extract %reduce_sum3A_326[15] : i32 from vector<16xi32>
      %and3A_328 = arith.constant 7 : i32
      %and3A_329 = arith.andi %reduce_sum3A_327, %and3A_328 : i32
      %mul3A_330 = arith.constant 16 : i32
      %mul3A_331 = arith.muli %and3A_329, %mul3A_330 : i32
      %broadcast_in_dim3A_332 = vector.broadcast %mul3A_331 : i32 to vector<16xi32>
      %add3A_333 = arith.addi %broadcast_in_dim3A_332, %iota3A : vector<16xi32>
      %broadcast_in_dim3A_334 = arith.constant 7 : i32
      %broadcast_in_dim3A_335 = vector.broadcast %broadcast_in_dim3A_334 : i32 to vector<16xi32>
      %gather3A_336 = tpu.vector_load_idx %arg15[%broadcast_in_dim3A_335, %add3A_333] : memref<32x128xf32, #tpu.memory_space<vmem>>[vector<16xi32>, vector<16xi32>], vector<16xf32>,
      %sub3A_337 = arith.subf %gather3A_336, %get3A_134 : vector<16xf32>
      %swap3A_338 = arith.constant 7 : i32
      %swap3A_339 = arith.index_cast %swap3A_338 : i32 to index
      %swap3A_340 = arith.constant 0 : index
      %swap3A_341 = tpu.vector_load %arg16[%swap3A_339, %swap3A_340] {strides = array<i32>} : memref<32x16xf32, #tpu.memory_space<vmem>>, vector<16xf32>,
      tpu.vector_store %arg16[%swap3A_339, %swap3A_340], %sub3A_337 {strides = array<i32>} : memref<32x16xf32, #tpu.memory_space<vmem>>, vector<16xf32>,
      %get3A_342 = arith.constant 0 : index
      %get3A_343 = tpu.vector_load %arg13[%get3A_342] {strides = array<i32>} : memref<128xi32, #tpu.memory_space<vmem>>, vector<16xi32>,
      %eq3A_344 = arith.constant 8 : i32
      %eq3A_345 = vector.broadcast %eq3A_344 : i32 to vector<16xi32>
      %eq3A_346 = arith.cmpi eq, %iota3A, %eq3A_345 : vector<16xi32>
      %jit3A_347 = arith.constant 0 : i32
      %broadcast_in_dim3A_348 = vector.broadcast %jit3A_347 : i32 to vector<16xi32>
      %select_n3A_349 = arith.select %eq3A_346, %get3A_343, %broadcast_in_dim3A_348 : vector<16xi1>, vector<16xi32>
      %reduce_sum3A_350 = arith.constant true
      %reduce_sum3A_351 = vector.broadcast %reduce_sum3A_350 : i1 to vector<16xi1>
      %reduce_sum3A_352 = tpu.scan <sum>, %select_n3A_349 masked %reduce_sum3A_351 : vector<16xi32>, vector<16xi1> -> vector<16xi32>
      %reduce_sum3A_353 = vector.extract %reduce_sum3A_352[15] : i32 from vector<16xi32>
      %and3A_354 = arith.constant 7 : i32
      %and3A_355 = arith.andi %reduce_sum3A_353, %and3A_354 : i32
      %mul3A_356 = arith.constant 16 : i32
      %mul3A_357 = arith.muli %and3A_355, %mul3A_356 : i32
      %broadcast_in_dim3A_358 = vector.broadcast %mul3A_357 : i32 to vector<16xi32>
      %add3A_359 = arith.addi %broadcast_in_dim3A_358, %iota3A : vector<16xi32>
      %broadcast_in_dim3A_360 = arith.constant 8 : i32
      %broadcast_in_dim3A_361 = vector.broadcast %broadcast_in_dim3A_360 : i32 to vector<16xi32>
      %gather3A_362 = tpu.vector_load_idx %arg15[%broadcast_in_dim3A_361, %add3A_359] : memref<32x128xf32, #tpu.memory_space<vmem>>[vector<16xi32>, vector<16xi32>], vector<16xf32>,
      %sub3A_363 = arith.subf %gather3A_362, %get3A_134 : vector<16xf32>
      %swap3A_364 = arith.constant 8 : i32
      %swap3A_365 = arith.index_cast %swap3A_364 : i32 to index
      %swap3A_366 = arith.constant 0 : index
      %swap3A_367 = tpu.vector_load %arg16[%swap3A_365, %swap3A_366] {strides = array<i32>} : memref<32x16xf32, #tpu.memory_space<vmem>>, vector<16xf32>,
      tpu.vector_store %arg16[%swap3A_365, %swap3A_366], %sub3A_363 {strides = array<i32>} : memref<32x16xf32, #tpu.memory_space<vmem>>, vector<16xf32>,
      %get3A_368 = arith.constant 0 : index
      %get3A_369 = tpu.vector_load %arg13[%get3A_368] {strides = array<i32>} : memref<128xi32, #tpu.memory_space<vmem>>, vector<16xi32>,
      %eq3A_370 = arith.constant 9 : i32
      %eq3A_371 = vector.broadcast %eq3A_370 : i32 to vector<16xi32>
      %eq3A_372 = arith.cmpi eq, %iota3A, %eq3A_371 : vector<16xi32>
      %jit3A_373 = arith.constant 0 : i32
      %broadcast_in_dim3A_374 = vector.broadcast %jit3A_373 : i32 to vector<16xi32>
      %select_n3A_375 = arith.select %eq3A_372, %get3A_369, %broadcast_in_dim3A_374 : vector<16xi1>, vector<16xi32>
      %reduce_sum3A_376 = arith.constant true
      %reduce_sum3A_377 = vector.broadcast %reduce_sum3A_376 : i1 to vector<16xi1>
      %reduce_sum3A_378 = tpu.scan <sum>, %select_n3A_375 masked %reduce_sum3A_377 : vector<16xi32>, vector<16xi1> -> vector<16xi32>
      %reduce_sum3A_379 = vector.extract %reduce_sum3A_378[15] : i32 from vector<16xi32>
      %and3A_380 = arith.constant 7 : i32
      %and3A_381 = arith.andi %reduce_sum3A_379, %and3A_380 : i32
      %mul3A_382 = arith.constant 16 : i32
      %mul3A_383 = arith.muli %and3A_381, %mul3A_382 : i32
      %broadcast_in_dim3A_384 = vector.broadcast %mul3A_383 : i32 to vector<16xi32>
      %add3A_385 = arith.addi %broadcast_in_dim3A_384, %iota3A : vector<16xi32>
      %broadcast_in_dim3A_386 = arith.constant 9 : i32
      %broadcast_in_dim3A_387 = vector.broadcast %broadcast_in_dim3A_386 : i32 to vector<16xi32>
      %gather3A_388 = tpu.vector_load_idx %arg15[%broadcast_in_dim3A_387, %add3A_385] : memref<32x128xf32, #tpu.memory_space<vmem>>[vector<16xi32>, vector<16xi32>], vector<16xf32>,
      %sub3A_389 = arith.subf %gather3A_388, %get3A_134 : vector<16xf32>
      %swap3A_390 = arith.constant 9 : i32
      %swap3A_391 = arith.index_cast %swap3A_390 : i32 to index
      %swap3A_392 = arith.constant 0 : index
      %swap3A_393 = tpu.vector_load %arg16[%swap3A_391, %swap3A_392] {strides = array<i32>} : memref<32x16xf32, #tpu.memory_space<vmem>>, vector<16xf32>,
      tpu.vector_store %arg16[%swap3A_391, %swap3A_392], %sub3A_389 {strides = array<i32>} : memref<32x16xf32, #tpu.memory_space<vmem>>, vector<16xf32>,
      %get3A_394 = arith.constant 0 : index
      %get3A_395 = tpu.vector_load %arg13[%get3A_394] {strides = array<i32>} : memref<128xi32, #tpu.memory_space<vmem>>, vector<16xi32>,
      %eq3A_396 = arith.constant 10 : i32
      %eq3A_397 = vector.broadcast %eq3A_396 : i32 to vector<16xi32>
      %eq3A_398 = arith.cmpi eq, %iota3A, %eq3A_397 : vector<16xi32>
      %jit3A_399 = arith.constant 0 : i32
      %broadcast_in_dim3A_400 = vector.broadcast %jit3A_399 : i32 to vector<16xi32>
      %select_n3A_401 = arith.select %eq3A_398, %get3A_395, %broadcast_in_dim3A_400 : vector<16xi1>, vector<16xi32>
      %reduce_sum3A_402 = arith.constant true
      %reduce_sum3A_403 = vector.broadcast %reduce_sum3A_402 : i1 to vector<16xi1>
      %reduce_sum3A_404 = tpu.scan <sum>, %select_n3A_401 masked %reduce_sum3A_403 : vector<16xi32>, vector<16xi1> -> vector<16xi32>
      %reduce_sum3A_405 = vector.extract %reduce_sum3A_404[15] : i32 from vector<16xi32>
      %and3A_406 = arith.constant 7 : i32
      %and3A_407 = arith.andi %reduce_sum3A_405, %and3A_406 : i32
      %mul3A_408 = arith.constant 16 : i32
      %mul3A_409 = arith.muli %and3A_407, %mul3A_408 : i32
      %broadcast_in_dim3A_410 = vector.broadcast %mul3A_409 : i32 to vector<16xi32>
      %add3A_411 = arith.addi %broadcast_in_dim3A_410, %iota3A : vector<16xi32>
      %broadcast_in_dim3A_412 = arith.constant 10 : i32
      %broadcast_in_dim3A_413 = vector.broadcast %broadcast_in_dim3A_412 : i32 to vector<16xi32>
      %gather3A_414 = tpu.vector_load_idx %arg15[%broadcast_in_dim3A_413, %add3A_411] : memref<32x128xf32, #tpu.memory_space<vmem>>[vector<16xi32>, vector<16xi32>], vector<16xf32>,
      %sub3A_415 = arith.subf %gather3A_414, %get3A_134 : vector<16xf32>
      %swap3A_416 = arith.constant 10 : i32
      %swap3A_417 = arith.index_cast %swap3A_416 : i32 to index
      %swap3A_418 = arith.constant 0 : index
      %swap3A_419 = tpu.vector_load %arg16[%swap3A_417, %swap3A_418] {strides = array<i32>} : memref<32x16xf32, #tpu.memory_space<vmem>>, vector<16xf32>,
      tpu.vector_store %arg16[%swap3A_417, %swap3A_418], %sub3A_415 {strides = array<i32>} : memref<32x16xf32, #tpu.memory_space<vmem>>, vector<16xf32>,
      %get3A_420 = arith.constant 0 : index
      %get3A_421 = tpu.vector_load %arg13[%get3A_420] {strides = array<i32>} : memref<128xi32, #tpu.memory_space<vmem>>, vector<16xi32>,
      %eq3A_422 = arith.constant 11 : i32
      %eq3A_423 = vector.broadcast %eq3A_422 : i32 to vector<16xi32>
      %eq3A_424 = arith.cmpi eq, %iota3A, %eq3A_423 : vector<16xi32>
      %jit3A_425 = arith.constant 0 : i32
      %broadcast_in_dim3A_426 = vector.broadcast %jit3A_425 : i32 to vector<16xi32>
      %select_n3A_427 = arith.select %eq3A_424, %get3A_421, %broadcast_in_dim3A_426 : vector<16xi1>, vector<16xi32>
      %reduce_sum3A_428 = arith.constant true
      %reduce_sum3A_429 = vector.broadcast %reduce_sum3A_428 : i1 to vector<16xi1>
      %reduce_sum3A_430 = tpu.scan <sum>, %select_n3A_427 masked %reduce_sum3A_429 : vector<16xi32>, vector<16xi1> -> vector<16xi32>
      %reduce_sum3A_431 = vector.extract %reduce_sum3A_430[15] : i32 from vector<16xi32>
      %and3A_432 = arith.constant 7 : i32
      %and3A_433 = arith.andi %reduce_sum3A_431, %and3A_432 : i32
      %mul3A_434 = arith.constant 16 : i32
      %mul3A_435 = arith.muli %and3A_433, %mul3A_434 : i32
      %broadcast_in_dim3A_436 = vector.broadcast %mul3A_435 : i32 to vector<16xi32>
      %add3A_437 = arith.addi %broadcast_in_dim3A_436, %iota3A : vector<16xi32>
      %broadcast_in_dim3A_438 = arith.constant 11 : i32
      %broadcast_in_dim3A_439 = vector.broadcast %broadcast_in_dim3A_438 : i32 to vector<16xi32>
      %gather3A_440 = tpu.vector_load_idx %arg15[%broadcast_in_dim3A_439, %add3A_437] : memref<32x128xf32, #tpu.memory_space<vmem>>[vector<16xi32>, vector<16xi32>], vector<16xf32>,
      %sub3A_441 = arith.subf %gather3A_440, %get3A_134 : vector<16xf32>
      %swap3A_442 = arith.constant 11 : i32
      %swap3A_443 = arith.index_cast %swap3A_442 : i32 to index
      %swap3A_444 = arith.constant 0 : index
      %swap3A_445 = tpu.vector_load %arg16[%swap3A_443, %swap3A_444] {strides = array<i32>} : memref<32x16xf32, #tpu.memory_space<vmem>>, vector<16xf32>,
      tpu.vector_store %arg16[%swap3A_443, %swap3A_444], %sub3A_441 {strides = array<i32>} : memref<32x16xf32, #tpu.memory_space<vmem>>, vector<16xf32>,
      %get3A_446 = arith.constant 0 : index
      %get3A_447 = tpu.vector_load %arg13[%get3A_446] {strides = array<i32>} : memref<128xi32, #tpu.memory_space<vmem>>, vector<16xi32>,
      %eq3A_448 = arith.constant 12 : i32
      %eq3A_449 = vector.broadcast %eq3A_448 : i32 to vector<16xi32>
      %eq3A_450 = arith.cmpi eq, %iota3A, %eq3A_449 : vector<16xi32>
      %jit3A_451 = arith.constant 0 : i32
      %broadcast_in_dim3A_452 = vector.broadcast %jit3A_451 : i32 to vector<16xi32>
      %select_n3A_453 = arith.select %eq3A_450, %get3A_447, %broadcast_in_dim3A_452 : vector<16xi1>, vector<16xi32>
      %reduce_sum3A_454 = arith.constant true
      %reduce_sum3A_455 = vector.broadcast %reduce_sum3A_454 : i1 to vector<16xi1>
      %reduce_sum3A_456 = tpu.scan <sum>, %select_n3A_453 masked %reduce_sum3A_455 : vector<16xi32>, vector<16xi1> -> vector<16xi32>
      %reduce_sum3A_457 = vector.extract %reduce_sum3A_456[15] : i32 from vector<16xi32>
      %and3A_458 = arith.constant 7 : i32
      %and3A_459 = arith.andi %reduce_sum3A_457, %and3A_458 : i32
      %mul3A_460 = arith.constant 16 : i32
      %mul3A_461 = arith.muli %and3A_459, %mul3A_460 : i32
      %broadcast_in_dim3A_462 = vector.broadcast %mul3A_461 : i32 to vector<16xi32>
      %add3A_463 = arith.addi %broadcast_in_dim3A_462, %iota3A : vector<16xi32>
      %broadcast_in_dim3A_464 = arith.constant 12 : i32
      %broadcast_in_dim3A_465 = vector.broadcast %broadcast_in_dim3A_464 : i32 to vector<16xi32>
      %gather3A_466 = tpu.vector_load_idx %arg15[%broadcast_in_dim3A_465, %add3A_463] : memref<32x128xf32, #tpu.memory_space<vmem>>[vector<16xi32>, vector<16xi32>], vector<16xf32>,
      %sub3A_467 = arith.subf %gather3A_466, %get3A_134 : vector<16xf32>
      %swap3A_468 = arith.constant 12 : i32
      %swap3A_469 = arith.index_cast %swap3A_468 : i32 to index
      %swap3A_470 = arith.constant 0 : index
      %swap3A_471 = tpu.vector_load %arg16[%swap3A_469, %swap3A_470] {strides = array<i32>} : memref<32x16xf32, #tpu.memory_space<vmem>>, vector<16xf32>,
      tpu.vector_store %arg16[%swap3A_469, %swap3A_470], %sub3A_467 {strides = array<i32>} : memref<32x16xf32, #tpu.memory_space<vmem>>, vector<16xf32>,
      %get3A_472 = arith.constant 0 : index
      %get3A_473 = tpu.vector_load %arg13[%get3A_472] {strides = array<i32>} : memref<128xi32, #tpu.memory_space<vmem>>, vector<16xi32>,
      %eq3A_474 = arith.constant 13 : i32
      %eq3A_475 = vector.broadcast %eq3A_474 : i32 to vector<16xi32>
      %eq3A_476 = arith.cmpi eq, %iota3A, %eq3A_475 : vector<16xi32>
      %jit3A_477 = arith.constant 0 : i32
      %broadcast_in_dim3A_478 = vector.broadcast %jit3A_477 : i32 to vector<16xi32>
      %select_n3A_479 = arith.select %eq3A_476, %get3A_473, %broadcast_in_dim3A_478 : vector<16xi1>, vector<16xi32>
      %reduce_sum3A_480 = arith.constant true
      %reduce_sum3A_481 = vector.broadcast %reduce_sum3A_480 : i1 to vector<16xi1>
      %reduce_sum3A_482 = tpu.scan <sum>, %select_n3A_479 masked %reduce_sum3A_481 : vector<16xi32>, vector<16xi1> -> vector<16xi32>
      %reduce_sum3A_483 = vector.extract %reduce_sum3A_482[15] : i32 from vector<16xi32>
      %and3A_484 = arith.constant 7 : i32
      %and3A_485 = arith.andi %reduce_sum3A_483, %and3A_484 : i32
      %mul3A_486 = arith.constant 16 : i32
      %mul3A_487 = arith.muli %and3A_485, %mul3A_486 : i32
      %broadcast_in_dim3A_488 = vector.broadcast %mul3A_487 : i32 to vector<16xi32>
      %add3A_489 = arith.addi %broadcast_in_dim3A_488, %iota3A : vector<16xi32>
      %broadcast_in_dim3A_490 = arith.constant 13 : i32
      %broadcast_in_dim3A_491 = vector.broadcast %broadcast_in_dim3A_490 : i32 to vector<16xi32>
      %gather3A_492 = tpu.vector_load_idx %arg15[%broadcast_in_dim3A_491, %add3A_489] : memref<32x128xf32, #tpu.memory_space<vmem>>[vector<16xi32>, vector<16xi32>], vector<16xf32>,
      %sub3A_493 = arith.subf %gather3A_492, %get3A_134 : vector<16xf32>
      %swap3A_494 = arith.constant 13 : i32
      %swap3A_495 = arith.index_cast %swap3A_494 : i32 to index
      %swap3A_496 = arith.constant 0 : index
      %swap3A_497 = tpu.vector_load %arg16[%swap3A_495, %swap3A_496] {strides = array<i32>} : memref<32x16xf32, #tpu.memory_space<vmem>>, vector<16xf32>,
      tpu.vector_store %arg16[%swap3A_495, %swap3A_496], %sub3A_493 {strides = array<i32>} : memref<32x16xf32, #tpu.memory_space<vmem>>, vector<16xf32>,
      %get3A_498 = arith.constant 0 : index
      %get3A_499 = tpu.vector_load %arg13[%get3A_498] {strides = array<i32>} : memref<128xi32, #tpu.memory_space<vmem>>, vector<16xi32>,
      %eq3A_500 = arith.constant 14 : i32
      %eq3A_501 = vector.broadcast %eq3A_500 : i32 to vector<16xi32>
      %eq3A_502 = arith.cmpi eq, %iota3A, %eq3A_501 : vector<16xi32>
      %jit3A_503 = arith.constant 0 : i32
      %broadcast_in_dim3A_504 = vector.broadcast %jit3A_503 : i32 to vector<16xi32>
      %select_n3A_505 = arith.select %eq3A_502, %get3A_499, %broadcast_in_dim3A_504 : vector<16xi1>, vector<16xi32>
      %reduce_sum3A_506 = arith.constant true
      %reduce_sum3A_507 = vector.broadcast %reduce_sum3A_506 : i1 to vector<16xi1>
      %reduce_sum3A_508 = tpu.scan <sum>, %select_n3A_505 masked %reduce_sum3A_507 : vector<16xi32>, vector<16xi1> -> vector<16xi32>
      %reduce_sum3A_509 = vector.extract %reduce_sum3A_508[15] : i32 from vector<16xi32>
      %and3A_510 = arith.constant 7 : i32
      %and3A_511 = arith.andi %reduce_sum3A_509, %and3A_510 : i32
      %mul3A_512 = arith.constant 16 : i32
      %mul3A_513 = arith.muli %and3A_511, %mul3A_512 : i32
      %broadcast_in_dim3A_514 = vector.broadcast %mul3A_513 : i32 to vector<16xi32>
      %add3A_515 = arith.addi %broadcast_in_dim3A_514, %iota3A : vector<16xi32>
      %broadcast_in_dim3A_516 = arith.constant 14 : i32
      %broadcast_in_dim3A_517 = vector.broadcast %broadcast_in_dim3A_516 : i32 to vector<16xi32>
      %gather3A_518 = tpu.vector_load_idx %arg15[%broadcast_in_dim3A_517, %add3A_515] : memref<32x128xf32, #tpu.memory_space<vmem>>[vector<16xi32>, vector<16xi32>], vector<16xf32>,
      %sub3A_519 = arith.subf %gather3A_518, %get3A_134 : vector<16xf32>
      %swap3A_520 = arith.constant 14 : i32
      %swap3A_521 = arith.index_cast %swap3A_520 : i32 to index
      %swap3A_522 = arith.constant 0 : index
      %swap3A_523 = tpu.vector_load %arg16[%swap3A_521, %swap3A_522] {strides = array<i32>} : memref<32x16xf32, #tpu.memory_space<vmem>>, vector<16xf32>,
      tpu.vector_store %arg16[%swap3A_521, %swap3A_522], %sub3A_519 {strides = array<i32>} : memref<32x16xf32, #tpu.memory_space<vmem>>, vector<16xf32>,
      %get3A_524 = arith.constant 0 : index
      %get3A_525 = tpu.vector_load %arg13[%get3A_524] {strides = array<i32>} : memref<128xi32, #tpu.memory_space<vmem>>, vector<16xi32>,
      %eq3A_526 = arith.constant 15 : i32
      %eq3A_527 = vector.broadcast %eq3A_526 : i32 to vector<16xi32>
      %eq3A_528 = arith.cmpi eq, %iota3A, %eq3A_527 : vector<16xi32>
      %jit3A_529 = arith.constant 0 : i32
      %broadcast_in_dim3A_530 = vector.broadcast %jit3A_529 : i32 to vector<16xi32>
      %select_n3A_531 = arith.select %eq3A_528, %get3A_525, %broadcast_in_dim3A_530 : vector<16xi1>, vector<16xi32>
      %reduce_sum3A_532 = arith.constant true
      %reduce_sum3A_533 = vector.broadcast %reduce_sum3A_532 : i1 to vector<16xi1>
      %reduce_sum3A_534 = tpu.scan <sum>, %select_n3A_531 masked %reduce_sum3A_533 : vector<16xi32>, vector<16xi1> -> vector<16xi32>
      %reduce_sum3A_535 = vector.extract %reduce_sum3A_534[15] : i32 from vector<16xi32>
      %and3A_536 = arith.constant 7 : i32
      %and3A_537 = arith.andi %reduce_sum3A_535, %and3A_536 : i32
      %mul3A_538 = arith.constant 16 : i32
      %mul3A_539 = arith.muli %and3A_537, %mul3A_538 : i32
      %broadcast_in_dim3A_540 = vector.broadcast %mul3A_539 : i32 to vector<16xi32>
      %add3A_541 = arith.addi %broadcast_in_dim3A_540, %iota3A : vector<16xi32>
      %broadcast_in_dim3A_542 = arith.constant 15 : i32
      %broadcast_in_dim3A_543 = vector.broadcast %broadcast_in_dim3A_542 : i32 to vector<16xi32>
      %gather3A_544 = tpu.vector_load_idx %arg15[%broadcast_in_dim3A_543, %add3A_541] : memref<32x128xf32, #tpu.memory_space<vmem>>[vector<16xi32>, vector<16xi32>], vector<16xf32>,
      %sub3A_545 = arith.subf %gather3A_544, %get3A_134 : vector<16xf32>
      %swap3A_546 = arith.constant 15 : i32
      %swap3A_547 = arith.index_cast %swap3A_546 : i32 to index
      %swap3A_548 = arith.constant 0 : index
      %swap3A_549 = tpu.vector_load %arg16[%swap3A_547, %swap3A_548] {strides = array<i32>} : memref<32x16xf32, #tpu.memory_space<vmem>>, vector<16xf32>,
      tpu.vector_store %arg16[%swap3A_547, %swap3A_548], %sub3A_545 {strides = array<i32>} : memref<32x16xf32, #tpu.memory_space<vmem>>, vector<16xf32>,
      %get3A_550 = arith.constant 16 : index
      %get3A_551 = tpu.vector_load %arg13[%get3A_550] {strides = array<i32>} : memref<128xi32, #tpu.memory_space<vmem>>, vector<16xi32>,
      %eq3A_552 = arith.constant 0 : i32
      %eq3A_553 = vector.broadcast %eq3A_552 : i32 to vector<16xi32>
      %eq3A_554 = arith.cmpi eq, %iota3A, %eq3A_553 : vector<16xi32>
      %jit3A_555 = arith.constant 0 : i32
      %broadcast_in_dim3A_556 = vector.broadcast %jit3A_555 : i32 to vector<16xi32>
      %select_n3A_557 = arith.select %eq3A_554, %get3A_551, %broadcast_in_dim3A_556 : vector<16xi1>, vector<16xi32>
      %reduce_sum3A_558 = arith.constant true
      %reduce_sum3A_559 = vector.broadcast %reduce_sum3A_558 : i1 to vector<16xi1>
      %reduce_sum3A_560 = tpu.scan <sum>, %select_n3A_557 masked %reduce_sum3A_559 : vector<16xi32>, vector<16xi1> -> vector<16xi32>
      %reduce_sum3A_561 = vector.extract %reduce_sum3A_560[15] : i32 from vector<16xi32>
      %and3A_562 = arith.constant 7 : i32
      %and3A_563 = arith.andi %reduce_sum3A_561, %and3A_562 : i32
      %mul3A_564 = arith.constant 16 : i32
      %mul3A_565 = arith.muli %and3A_563, %mul3A_564 : i32
      %broadcast_in_dim3A_566 = vector.broadcast %mul3A_565 : i32 to vector<16xi32>
      %add3A_567 = arith.addi %broadcast_in_dim3A_566, %iota3A : vector<16xi32>
      %broadcast_in_dim3A_568 = arith.constant 16 : i32
      %broadcast_in_dim3A_569 = vector.broadcast %broadcast_in_dim3A_568 : i32 to vector<16xi32>
      %gather3A_570 = tpu.vector_load_idx %arg15[%broadcast_in_dim3A_569, %add3A_567] : memref<32x128xf32, #tpu.memory_space<vmem>>[vector<16xi32>, vector<16xi32>], vector<16xf32>,
      %sub3A_571 = arith.subf %gather3A_570, %get3A_134 : vector<16xf32>
      %swap3A_572 = arith.constant 16 : i32
      %swap3A_573 = arith.index_cast %swap3A_572 : i32 to index
      %swap3A_574 = arith.constant 0 : index
      %swap3A_575 = tpu.vector_load %arg16[%swap3A_573, %swap3A_574] {strides = array<i32>} : memref<32x16xf32, #tpu.memory_space<vmem>>, vector<16xf32>,
      tpu.vector_store %arg16[%swap3A_573, %swap3A_574], %sub3A_571 {strides = array<i32>} : memref<32x16xf32, #tpu.memory_space<vmem>>, vector<16xf32>,
      %get3A_576 = arith.constant 16 : index
      %get3A_577 = tpu.vector_load %arg13[%get3A_576] {strides = array<i32>} : memref<128xi32, #tpu.memory_space<vmem>>, vector<16xi32>,
      %eq3A_578 = arith.constant 1 : i32
      %eq3A_579 = vector.broadcast %eq3A_578 : i32 to vector<16xi32>
      %eq3A_580 = arith.cmpi eq, %iota3A, %eq3A_579 : vector<16xi32>
      %jit3A_581 = arith.constant 0 : i32
      %broadcast_in_dim3A_582 = vector.broadcast %jit3A_581 : i32 to vector<16xi32>
      %select_n3A_583 = arith.select %eq3A_580, %get3A_577, %broadcast_in_dim3A_582 : vector<16xi1>, vector<16xi32>
      %reduce_sum3A_584 = arith.constant true
      %reduce_sum3A_585 = vector.broadcast %reduce_sum3A_584 : i1 to vector<16xi1>
      %reduce_sum3A_586 = tpu.scan <sum>, %select_n3A_583 masked %reduce_sum3A_585 : vector<16xi32>, vector<16xi1> -> vector<16xi32>
      %reduce_sum3A_587 = vector.extract %reduce_sum3A_586[15] : i32 from vector<16xi32>
      %and3A_588 = arith.constant 7 : i32
      %and3A_589 = arith.andi %reduce_sum3A_587, %and3A_588 : i32
      %mul3A_590 = arith.constant 16 : i32
      %mul3A_591 = arith.muli %and3A_589, %mul3A_590 : i32
      %broadcast_in_dim3A_592 = vector.broadcast %mul3A_591 : i32 to vector<16xi32>
      %add3A_593 = arith.addi %broadcast_in_dim3A_592, %iota3A : vector<16xi32>
      %broadcast_in_dim3A_594 = arith.constant 17 : i32
      %broadcast_in_dim3A_595 = vector.broadcast %broadcast_in_dim3A_594 : i32 to vector<16xi32>
      %gather3A_596 = tpu.vector_load_idx %arg15[%broadcast_in_dim3A_595, %add3A_593] : memref<32x128xf32, #tpu.memory_space<vmem>>[vector<16xi32>, vector<16xi32>], vector<16xf32>,
      %sub3A_597 = arith.subf %gather3A_596, %get3A_134 : vector<16xf32>
      %swap3A_598 = arith.constant 17 : i32
      %swap3A_599 = arith.index_cast %swap3A_598 : i32 to index
      %swap3A_600 = arith.constant 0 : index
      %swap3A_601 = tpu.vector_load %arg16[%swap3A_599, %swap3A_600] {strides = array<i32>} : memref<32x16xf32, #tpu.memory_space<vmem>>, vector<16xf32>,
      tpu.vector_store %arg16[%swap3A_599, %swap3A_600], %sub3A_597 {strides = array<i32>} : memref<32x16xf32, #tpu.memory_space<vmem>>, vector<16xf32>,
      %get3A_602 = arith.constant 16 : index
      %get3A_603 = tpu.vector_load %arg13[%get3A_602] {strides = array<i32>} : memref<128xi32, #tpu.memory_space<vmem>>, vector<16xi32>,
      %eq3A_604 = arith.constant 2 : i32
      %eq3A_605 = vector.broadcast %eq3A_604 : i32 to vector<16xi32>
      %eq3A_606 = arith.cmpi eq, %iota3A, %eq3A_605 : vector<16xi32>
      %jit3A_607 = arith.constant 0 : i32
      %broadcast_in_dim3A_608 = vector.broadcast %jit3A_607 : i32 to vector<16xi32>
      %select_n3A_609 = arith.select %eq3A_606, %get3A_603, %broadcast_in_dim3A_608 : vector<16xi1>, vector<16xi32>
      %reduce_sum3A_610 = arith.constant true
      %reduce_sum3A_611 = vector.broadcast %reduce_sum3A_610 : i1 to vector<16xi1>
      %reduce_sum3A_612 = tpu.scan <sum>, %select_n3A_609 masked %reduce_sum3A_611 : vector<16xi32>, vector<16xi1> -> vector<16xi32>
      %reduce_sum3A_613 = vector.extract %reduce_sum3A_612[15] : i32 from vector<16xi32>
      %and3A_614 = arith.constant 7 : i32
      %and3A_615 = arith.andi %reduce_sum3A_613, %and3A_614 : i32
      %mul3A_616 = arith.constant 16 : i32
      %mul3A_617 = arith.muli %and3A_615, %mul3A_616 : i32
      %broadcast_in_dim3A_618 = vector.broadcast %mul3A_617 : i32 to vector<16xi32>
      %add3A_619 = arith.addi %broadcast_in_dim3A_618, %iota3A : vector<16xi32>
      %broadcast_in_dim3A_620 = arith.constant 18 : i32
      %broadcast_in_dim3A_621 = vector.broadcast %broadcast_in_dim3A_620 : i32 to vector<16xi32>
      %gather3A_622 = tpu.vector_load_idx %arg15[%broadcast_in_dim3A_621, %add3A_619] : memref<32x128xf32, #tpu.memory_space<vmem>>[vector<16xi32>, vector<16xi32>], vector<16xf32>,
      %sub3A_623 = arith.subf %gather3A_622, %get3A_134 : vector<16xf32>
      %swap3A_624 = arith.constant 18 : i32
      %swap3A_625 = arith.index_cast %swap3A_624 : i32 to index
      %swap3A_626 = arith.constant 0 : index
      %swap3A_627 = tpu.vector_load %arg16[%swap3A_625, %swap3A_626] {strides = array<i32>} : memref<32x16xf32, #tpu.memory_space<vmem>>, vector<16xf32>,
      tpu.vector_store %arg16[%swap3A_625, %swap3A_626], %sub3A_623 {strides = array<i32>} : memref<32x16xf32, #tpu.memory_space<vmem>>, vector<16xf32>,
      %get3A_628 = arith.constant 16 : index
      %get3A_629 = tpu.vector_load %arg13[%get3A_628] {strides = array<i32>} : memref<128xi32, #tpu.memory_space<vmem>>, vector<16xi32>,
      %eq3A_630 = arith.constant 3 : i32
      %eq3A_631 = vector.broadcast %eq3A_630 : i32 to vector<16xi32>
      %eq3A_632 = arith.cmpi eq, %iota3A, %eq3A_631 : vector<16xi32>
      %jit3A_633 = arith.constant 0 : i32
      %broadcast_in_dim3A_634 = vector.broadcast %jit3A_633 : i32 to vector<16xi32>
      %select_n3A_635 = arith.select %eq3A_632, %get3A_629, %broadcast_in_dim3A_634 : vector<16xi1>, vector<16xi32>
      %reduce_sum3A_636 = arith.constant true
      %reduce_sum3A_637 = vector.broadcast %reduce_sum3A_636 : i1 to vector<16xi1>
      %reduce_sum3A_638 = tpu.scan <sum>, %select_n3A_635 masked %reduce_sum3A_637 : vector<16xi32>, vector<16xi1> -> vector<16xi32>
      %reduce_sum3A_639 = vector.extract %reduce_sum3A_638[15] : i32 from vector<16xi32>
      %and3A_640 = arith.constant 7 : i32
      %and3A_641 = arith.andi %reduce_sum3A_639, %and3A_640 : i32
      %mul3A_642 = arith.constant 16 : i32
      %mul3A_643 = arith.muli %and3A_641, %mul3A_642 : i32
      %broadcast_in_dim3A_644 = vector.broadcast %mul3A_643 : i32 to vector<16xi32>
      %add3A_645 = arith.addi %broadcast_in_dim3A_644, %iota3A : vector<16xi32>
      %broadcast_in_dim3A_646 = arith.constant 19 : i32
      %broadcast_in_dim3A_647 = vector.broadcast %broadcast_in_dim3A_646 : i32 to vector<16xi32>
      %gather3A_648 = tpu.vector_load_idx %arg15[%broadcast_in_dim3A_647, %add3A_645] : memref<32x128xf32, #tpu.memory_space<vmem>>[vector<16xi32>, vector<16xi32>], vector<16xf32>,
      %sub3A_649 = arith.subf %gather3A_648, %get3A_134 : vector<16xf32>
      %swap3A_650 = arith.constant 19 : i32
      %swap3A_651 = arith.index_cast %swap3A_650 : i32 to index
      %swap3A_652 = arith.constant 0 : index
      %swap3A_653 = tpu.vector_load %arg16[%swap3A_651, %swap3A_652] {strides = array<i32>} : memref<32x16xf32, #tpu.memory_space<vmem>>, vector<16xf32>,
      tpu.vector_store %arg16[%swap3A_651, %swap3A_652], %sub3A_649 {strides = array<i32>} : memref<32x16xf32, #tpu.memory_space<vmem>>, vector<16xf32>,
      %get3A_654 = arith.constant 16 : index
      %get3A_655 = tpu.vector_load %arg13[%get3A_654] {strides = array<i32>} : memref<128xi32, #tpu.memory_space<vmem>>, vector<16xi32>,
      %eq3A_656 = arith.constant 4 : i32
      %eq3A_657 = vector.broadcast %eq3A_656 : i32 to vector<16xi32>
      %eq3A_658 = arith.cmpi eq, %iota3A, %eq3A_657 : vector<16xi32>
      %jit3A_659 = arith.constant 0 : i32
      %broadcast_in_dim3A_660 = vector.broadcast %jit3A_659 : i32 to vector<16xi32>
      %select_n3A_661 = arith.select %eq3A_658, %get3A_655, %broadcast_in_dim3A_660 : vector<16xi1>, vector<16xi32>
      %reduce_sum3A_662 = arith.constant true
      %reduce_sum3A_663 = vector.broadcast %reduce_sum3A_662 : i1 to vector<16xi1>
      %reduce_sum3A_664 = tpu.scan <sum>, %select_n3A_661 masked %reduce_sum3A_663 : vector<16xi32>, vector<16xi1> -> vector<16xi32>
      %reduce_sum3A_665 = vector.extract %reduce_sum3A_664[15] : i32 from vector<16xi32>
      %and3A_666 = arith.constant 7 : i32
      %and3A_667 = arith.andi %reduce_sum3A_665, %and3A_666 : i32
      %mul3A_668 = arith.constant 16 : i32
      %mul3A_669 = arith.muli %and3A_667, %mul3A_668 : i32
      %broadcast_in_dim3A_670 = vector.broadcast %mul3A_669 : i32 to vector<16xi32>
      %add3A_671 = arith.addi %broadcast_in_dim3A_670, %iota3A : vector<16xi32>
      %broadcast_in_dim3A_672 = arith.constant 20 : i32
      %broadcast_in_dim3A_673 = vector.broadcast %broadcast_in_dim3A_672 : i32 to vector<16xi32>
      %gather3A_674 = tpu.vector_load_idx %arg15[%broadcast_in_dim3A_673, %add3A_671] : memref<32x128xf32, #tpu.memory_space<vmem>>[vector<16xi32>, vector<16xi32>], vector<16xf32>,
      %sub3A_675 = arith.subf %gather3A_674, %get3A_134 : vector<16xf32>
      %swap3A_676 = arith.constant 20 : i32
      %swap3A_677 = arith.index_cast %swap3A_676 : i32 to index
      %swap3A_678 = arith.constant 0 : index
      %swap3A_679 = tpu.vector_load %arg16[%swap3A_677, %swap3A_678] {strides = array<i32>} : memref<32x16xf32, #tpu.memory_space<vmem>>, vector<16xf32>,
      tpu.vector_store %arg16[%swap3A_677, %swap3A_678], %sub3A_675 {strides = array<i32>} : memref<32x16xf32, #tpu.memory_space<vmem>>, vector<16xf32>,
      %get3A_680 = arith.constant 16 : index
      %get3A_681 = tpu.vector_load %arg13[%get3A_680] {strides = array<i32>} : memref<128xi32, #tpu.memory_space<vmem>>, vector<16xi32>,
      %eq3A_682 = arith.constant 5 : i32
      %eq3A_683 = vector.broadcast %eq3A_682 : i32 to vector<16xi32>
      %eq3A_684 = arith.cmpi eq, %iota3A, %eq3A_683 : vector<16xi32>
      %jit3A_685 = arith.constant 0 : i32
      %broadcast_in_dim3A_686 = vector.broadcast %jit3A_685 : i32 to vector<16xi32>
      %select_n3A_687 = arith.select %eq3A_684, %get3A_681, %broadcast_in_dim3A_686 : vector<16xi1>, vector<16xi32>
      %reduce_sum3A_688 = arith.constant true
      %reduce_sum3A_689 = vector.broadcast %reduce_sum3A_688 : i1 to vector<16xi1>
      %reduce_sum3A_690 = tpu.scan <sum>, %select_n3A_687 masked %reduce_sum3A_689 : vector<16xi32>, vector<16xi1> -> vector<16xi32>
      %reduce_sum3A_691 = vector.extract %reduce_sum3A_690[15] : i32 from vector<16xi32>
      %and3A_692 = arith.constant 7 : i32
      %and3A_693 = arith.andi %reduce_sum3A_691, %and3A_692 : i32
      %mul3A_694 = arith.constant 16 : i32
      %mul3A_695 = arith.muli %and3A_693, %mul3A_694 : i32
      %broadcast_in_dim3A_696 = vector.broadcast %mul3A_695 : i32 to vector<16xi32>
      %add3A_697 = arith.addi %broadcast_in_dim3A_696, %iota3A : vector<16xi32>
      %broadcast_in_dim3A_698 = arith.constant 21 : i32
      %broadcast_in_dim3A_699 = vector.broadcast %broadcast_in_dim3A_698 : i32 to vector<16xi32>
      %gather3A_700 = tpu.vector_load_idx %arg15[%broadcast_in_dim3A_699, %add3A_697] : memref<32x128xf32, #tpu.memory_space<vmem>>[vector<16xi32>, vector<16xi32>], vector<16xf32>,
      %sub3A_701 = arith.subf %gather3A_700, %get3A_134 : vector<16xf32>
      %swap3A_702 = arith.constant 21 : i32
      %swap3A_703 = arith.index_cast %swap3A_702 : i32 to index
      %swap3A_704 = arith.constant 0 : index
      %swap3A_705 = tpu.vector_load %arg16[%swap3A_703, %swap3A_704] {strides = array<i32>} : memref<32x16xf32, #tpu.memory_space<vmem>>, vector<16xf32>,
      tpu.vector_store %arg16[%swap3A_703, %swap3A_704], %sub3A_701 {strides = array<i32>} : memref<32x16xf32, #tpu.memory_space<vmem>>, vector<16xf32>,
      %get3A_706 = arith.constant 16 : index
      %get3A_707 = tpu.vector_load %arg13[%get3A_706] {strides = array<i32>} : memref<128xi32, #tpu.memory_space<vmem>>, vector<16xi32>,
      %eq3A_708 = arith.constant 6 : i32
      %eq3A_709 = vector.broadcast %eq3A_708 : i32 to vector<16xi32>
      %eq3A_710 = arith.cmpi eq, %iota3A, %eq3A_709 : vector<16xi32>
      %jit3A_711 = arith.constant 0 : i32
      %broadcast_in_dim3A_712 = vector.broadcast %jit3A_711 : i32 to vector<16xi32>
      %select_n3A_713 = arith.select %eq3A_710, %get3A_707, %broadcast_in_dim3A_712 : vector<16xi1>, vector<16xi32>
      %reduce_sum3A_714 = arith.constant true
      %reduce_sum3A_715 = vector.broadcast %reduce_sum3A_714 : i1 to vector<16xi1>
      %reduce_sum3A_716 = tpu.scan <sum>, %select_n3A_713 masked %reduce_sum3A_715 : vector<16xi32>, vector<16xi1> -> vector<16xi32>
      %reduce_sum3A_717 = vector.extract %reduce_sum3A_716[15] : i32 from vector<16xi32>
      %and3A_718 = arith.constant 7 : i32
      %and3A_719 = arith.andi %reduce_sum3A_717, %and3A_718 : i32
      %mul3A_720 = arith.constant 16 : i32
      %mul3A_721 = arith.muli %and3A_719, %mul3A_720 : i32
      %broadcast_in_dim3A_722 = vector.broadcast %mul3A_721 : i32 to vector<16xi32>
      %add3A_723 = arith.addi %broadcast_in_dim3A_722, %iota3A : vector<16xi32>
      %broadcast_in_dim3A_724 = arith.constant 22 : i32
      %broadcast_in_dim3A_725 = vector.broadcast %broadcast_in_dim3A_724 : i32 to vector<16xi32>
      %gather3A_726 = tpu.vector_load_idx %arg15[%broadcast_in_dim3A_725, %add3A_723] : memref<32x128xf32, #tpu.memory_space<vmem>>[vector<16xi32>, vector<16xi32>], vector<16xf32>,
      %sub3A_727 = arith.subf %gather3A_726, %get3A_134 : vector<16xf32>
      %swap3A_728 = arith.constant 22 : i32
      %swap3A_729 = arith.index_cast %swap3A_728 : i32 to index
      %swap3A_730 = arith.constant 0 : index
      %swap3A_731 = tpu.vector_load %arg16[%swap3A_729, %swap3A_730] {strides = array<i32>} : memref<32x16xf32, #tpu.memory_space<vmem>>, vector<16xf32>,
      tpu.vector_store %arg16[%swap3A_729, %swap3A_730], %sub3A_727 {strides = array<i32>} : memref<32x16xf32, #tpu.memory_space<vmem>>, vector<16xf32>,
      %get3A_732 = arith.constant 16 : index
      %get3A_733 = tpu.vector_load %arg13[%get3A_732] {strides = array<i32>} : memref<128xi32, #tpu.memory_space<vmem>>, vector<16xi32>,
      %eq3A_734 = arith.constant 7 : i32
      %eq3A_735 = vector.broadcast %eq3A_734 : i32 to vector<16xi32>
      %eq3A_736 = arith.cmpi eq, %iota3A, %eq3A_735 : vector<16xi32>
      %jit3A_737 = arith.constant 0 : i32
      %broadcast_in_dim3A_738 = vector.broadcast %jit3A_737 : i32 to vector<16xi32>
      %select_n3A_739 = arith.select %eq3A_736, %get3A_733, %broadcast_in_dim3A_738 : vector<16xi1>, vector<16xi32>
      %reduce_sum3A_740 = arith.constant true
      %reduce_sum3A_741 = vector.broadcast %reduce_sum3A_740 : i1 to vector<16xi1>
      %reduce_sum3A_742 = tpu.scan <sum>, %select_n3A_739 masked %reduce_sum3A_741 : vector<16xi32>, vector<16xi1> -> vector<16xi32>
      %reduce_sum3A_743 = vector.extract %reduce_sum3A_742[15] : i32 from vector<16xi32>
      %and3A_744 = arith.constant 7 : i32
      %and3A_745 = arith.andi %reduce_sum3A_743, %and3A_744 : i32
      %mul3A_746 = arith.constant 16 : i32
      %mul3A_747 = arith.muli %and3A_745, %mul3A_746 : i32
      %broadcast_in_dim3A_748 = vector.broadcast %mul3A_747 : i32 to vector<16xi32>
      %add3A_749 = arith.addi %broadcast_in_dim3A_748, %iota3A : vector<16xi32>
      %broadcast_in_dim3A_750 = arith.constant 23 : i32
      %broadcast_in_dim3A_751 = vector.broadcast %broadcast_in_dim3A_750 : i32 to vector<16xi32>
      %gather3A_752 = tpu.vector_load_idx %arg15[%broadcast_in_dim3A_751, %add3A_749] : memref<32x128xf32, #tpu.memory_space<vmem>>[vector<16xi32>, vector<16xi32>], vector<16xf32>,
      %sub3A_753 = arith.subf %gather3A_752, %get3A_134 : vector<16xf32>
      %swap3A_754 = arith.constant 23 : i32
      %swap3A_755 = arith.index_cast %swap3A_754 : i32 to index
      %swap3A_756 = arith.constant 0 : index
      %swap3A_757 = tpu.vector_load %arg16[%swap3A_755, %swap3A_756] {strides = array<i32>} : memref<32x16xf32, #tpu.memory_space<vmem>>, vector<16xf32>,
      tpu.vector_store %arg16[%swap3A_755, %swap3A_756], %sub3A_753 {strides = array<i32>} : memref<32x16xf32, #tpu.memory_space<vmem>>, vector<16xf32>,
      %get3A_758 = arith.constant 16 : index
      %get3A_759 = tpu.vector_load %arg13[%get3A_758] {strides = array<i32>} : memref<128xi32, #tpu.memory_space<vmem>>, vector<16xi32>,
      %eq3A_760 = arith.constant 8 : i32
      %eq3A_761 = vector.broadcast %eq3A_760 : i32 to vector<16xi32>
      %eq3A_762 = arith.cmpi eq, %iota3A, %eq3A_761 : vector<16xi32>
      %jit3A_763 = arith.constant 0 : i32
      %broadcast_in_dim3A_764 = vector.broadcast %jit3A_763 : i32 to vector<16xi32>
      %select_n3A_765 = arith.select %eq3A_762, %get3A_759, %broadcast_in_dim3A_764 : vector<16xi1>, vector<16xi32>
      %reduce_sum3A_766 = arith.constant true
      %reduce_sum3A_767 = vector.broadcast %reduce_sum3A_766 : i1 to vector<16xi1>
      %reduce_sum3A_768 = tpu.scan <sum>, %select_n3A_765 masked %reduce_sum3A_767 : vector<16xi32>, vector<16xi1> -> vector<16xi32>
      %reduce_sum3A_769 = vector.extract %reduce_sum3A_768[15] : i32 from vector<16xi32>
      %and3A_770 = arith.constant 7 : i32
      %and3A_771 = arith.andi %reduce_sum3A_769, %and3A_770 : i32
      %mul3A_772 = arith.constant 16 : i32
      %mul3A_773 = arith.muli %and3A_771, %mul3A_772 : i32
      %broadcast_in_dim3A_774 = vector.broadcast %mul3A_773 : i32 to vector<16xi32>
      %add3A_775 = arith.addi %broadcast_in_dim3A_774, %iota3A : vector<16xi32>
      %broadcast_in_dim3A_776 = arith.constant 24 : i32
      %broadcast_in_dim3A_777 = vector.broadcast %broadcast_in_dim3A_776 : i32 to vector<16xi32>
      %gather3A_778 = tpu.vector_load_idx %arg15[%broadcast_in_dim3A_777, %add3A_775] : memref<32x128xf32, #tpu.memory_space<vmem>>[vector<16xi32>, vector<16xi32>], vector<16xf32>,
      %sub3A_779 = arith.subf %gather3A_778, %get3A_134 : vector<16xf32>
      %swap3A_780 = arith.constant 24 : i32
      %swap3A_781 = arith.index_cast %swap3A_780 : i32 to index
      %swap3A_782 = arith.constant 0 : index
      %swap3A_783 = tpu.vector_load %arg16[%swap3A_781, %swap3A_782] {strides = array<i32>} : memref<32x16xf32, #tpu.memory_space<vmem>>, vector<16xf32>,
      tpu.vector_store %arg16[%swap3A_781, %swap3A_782], %sub3A_779 {strides = array<i32>} : memref<32x16xf32, #tpu.memory_space<vmem>>, vector<16xf32>,
      %get3A_784 = arith.constant 16 : index
      %get3A_785 = tpu.vector_load %arg13[%get3A_784] {strides = array<i32>} : memref<128xi32, #tpu.memory_space<vmem>>, vector<16xi32>,
      %eq3A_786 = arith.constant 9 : i32
      %eq3A_787 = vector.broadcast %eq3A_786 : i32 to vector<16xi32>
      %eq3A_788 = arith.cmpi eq, %iota3A, %eq3A_787 : vector<16xi32>
      %jit3A_789 = arith.constant 0 : i32
      %broadcast_in_dim3A_790 = vector.broadcast %jit3A_789 : i32 to vector<16xi32>
      %select_n3A_791 = arith.select %eq3A_788, %get3A_785, %broadcast_in_dim3A_790 : vector<16xi1>, vector<16xi32>
      %reduce_sum3A_792 = arith.constant true
      %reduce_sum3A_793 = vector.broadcast %reduce_sum3A_792 : i1 to vector<16xi1>
      %reduce_sum3A_794 = tpu.scan <sum>, %select_n3A_791 masked %reduce_sum3A_793 : vector<16xi32>, vector<16xi1> -> vector<16xi32>
      %reduce_sum3A_795 = vector.extract %reduce_sum3A_794[15] : i32 from vector<16xi32>
      %and3A_796 = arith.constant 7 : i32
      %and3A_797 = arith.andi %reduce_sum3A_795, %and3A_796 : i32
      %mul3A_798 = arith.constant 16 : i32
      %mul3A_799 = arith.muli %and3A_797, %mul3A_798 : i32
      %broadcast_in_dim3A_800 = vector.broadcast %mul3A_799 : i32 to vector<16xi32>
      %add3A_801 = arith.addi %broadcast_in_dim3A_800, %iota3A : vector<16xi32>
      %broadcast_in_dim3A_802 = arith.constant 25 : i32
      %broadcast_in_dim3A_803 = vector.broadcast %broadcast_in_dim3A_802 : i32 to vector<16xi32>
      %gather3A_804 = tpu.vector_load_idx %arg15[%broadcast_in_dim3A_803, %add3A_801] : memref<32x128xf32, #tpu.memory_space<vmem>>[vector<16xi32>, vector<16xi32>], vector<16xf32>,
      %sub3A_805 = arith.subf %gather3A_804, %get3A_134 : vector<16xf32>
      %swap3A_806 = arith.constant 25 : i32
      %swap3A_807 = arith.index_cast %swap3A_806 : i32 to index
      %swap3A_808 = arith.constant 0 : index
      %swap3A_809 = tpu.vector_load %arg16[%swap3A_807, %swap3A_808] {strides = array<i32>} : memref<32x16xf32, #tpu.memory_space<vmem>>, vector<16xf32>,
      tpu.vector_store %arg16[%swap3A_807, %swap3A_808], %sub3A_805 {strides = array<i32>} : memref<32x16xf32, #tpu.memory_space<vmem>>, vector<16xf32>,
      %get3A_810 = arith.constant 16 : index
      %get3A_811 = tpu.vector_load %arg13[%get3A_810] {strides = array<i32>} : memref<128xi32, #tpu.memory_space<vmem>>, vector<16xi32>,
      %eq3A_812 = arith.constant 10 : i32
      %eq3A_813 = vector.broadcast %eq3A_812 : i32 to vector<16xi32>
      %eq3A_814 = arith.cmpi eq, %iota3A, %eq3A_813 : vector<16xi32>
      %jit3A_815 = arith.constant 0 : i32
      %broadcast_in_dim3A_816 = vector.broadcast %jit3A_815 : i32 to vector<16xi32>
      %select_n3A_817 = arith.select %eq3A_814, %get3A_811, %broadcast_in_dim3A_816 : vector<16xi1>, vector<16xi32>
      %reduce_sum3A_818 = arith.constant true
      %reduce_sum3A_819 = vector.broadcast %reduce_sum3A_818 : i1 to vector<16xi1>
      %reduce_sum3A_820 = tpu.scan <sum>, %select_n3A_817 masked %reduce_sum3A_819 : vector<16xi32>, vector<16xi1> -> vector<16xi32>
      %reduce_sum3A_821 = vector.extract %reduce_sum3A_820[15] : i32 from vector<16xi32>
      %and3A_822 = arith.constant 7 : i32
      %and3A_823 = arith.andi %reduce_sum3A_821, %and3A_822 : i32
      %mul3A_824 = arith.constant 16 : i32
      %mul3A_825 = arith.muli %and3A_823, %mul3A_824 : i32
      %broadcast_in_dim3A_826 = vector.broadcast %mul3A_825 : i32 to vector<16xi32>
      %add3A_827 = arith.addi %broadcast_in_dim3A_826, %iota3A : vector<16xi32>
      %broadcast_in_dim3A_828 = arith.constant 26 : i32
      %broadcast_in_dim3A_829 = vector.broadcast %broadcast_in_dim3A_828 : i32 to vector<16xi32>
      %gather3A_830 = tpu.vector_load_idx %arg15[%broadcast_in_dim3A_829, %add3A_827] : memref<32x128xf32, #tpu.memory_space<vmem>>[vector<16xi32>, vector<16xi32>], vector<16xf32>,
      %sub3A_831 = arith.subf %gather3A_830, %get3A_134 : vector<16xf32>
      %swap3A_832 = arith.constant 26 : i32
      %swap3A_833 = arith.index_cast %swap3A_832 : i32 to index
      %swap3A_834 = arith.constant 0 : index
      %swap3A_835 = tpu.vector_load %arg16[%swap3A_833, %swap3A_834] {strides = array<i32>} : memref<32x16xf32, #tpu.memory_space<vmem>>, vector<16xf32>,
      tpu.vector_store %arg16[%swap3A_833, %swap3A_834], %sub3A_831 {strides = array<i32>} : memref<32x16xf32, #tpu.memory_space<vmem>>, vector<16xf32>,
      %get3A_836 = arith.constant 16 : index
      %get3A_837 = tpu.vector_load %arg13[%get3A_836] {strides = array<i32>} : memref<128xi32, #tpu.memory_space<vmem>>, vector<16xi32>,
      %eq3A_838 = arith.constant 11 : i32
      %eq3A_839 = vector.broadcast %eq3A_838 : i32 to vector<16xi32>
      %eq3A_840 = arith.cmpi eq, %iota3A, %eq3A_839 : vector<16xi32>
      %jit3A_841 = arith.constant 0 : i32
      %broadcast_in_dim3A_842 = vector.broadcast %jit3A_841 : i32 to vector<16xi32>
      %select_n3A_843 = arith.select %eq3A_840, %get3A_837, %broadcast_in_dim3A_842 : vector<16xi1>, vector<16xi32>
      %reduce_sum3A_844 = arith.constant true
      %reduce_sum3A_845 = vector.broadcast %reduce_sum3A_844 : i1 to vector<16xi1>
      %reduce_sum3A_846 = tpu.scan <sum>, %select_n3A_843 masked %reduce_sum3A_845 : vector<16xi32>, vector<16xi1> -> vector<16xi32>
      %reduce_sum3A_847 = vector.extract %reduce_sum3A_846[15] : i32 from vector<16xi32>
      %and3A_848 = arith.constant 7 : i32
      %and3A_849 = arith.andi %reduce_sum3A_847, %and3A_848 : i32
      %mul3A_850 = arith.constant 16 : i32
      %mul3A_851 = arith.muli %and3A_849, %mul3A_850 : i32
      %broadcast_in_dim3A_852 = vector.broadcast %mul3A_851 : i32 to vector<16xi32>
      %add3A_853 = arith.addi %broadcast_in_dim3A_852, %iota3A : vector<16xi32>
      %broadcast_in_dim3A_854 = arith.constant 27 : i32
      %broadcast_in_dim3A_855 = vector.broadcast %broadcast_in_dim3A_854 : i32 to vector<16xi32>
      %gather3A_856 = tpu.vector_load_idx %arg15[%broadcast_in_dim3A_855, %add3A_853] : memref<32x128xf32, #tpu.memory_space<vmem>>[vector<16xi32>, vector<16xi32>], vector<16xf32>,
      %sub3A_857 = arith.subf %gather3A_856, %get3A_134 : vector<16xf32>
      %swap3A_858 = arith.constant 27 : i32
      %swap3A_859 = arith.index_cast %swap3A_858 : i32 to index
      %swap3A_860 = arith.constant 0 : index
      %swap3A_861 = tpu.vector_load %arg16[%swap3A_859, %swap3A_860] {strides = array<i32>} : memref<32x16xf32, #tpu.memory_space<vmem>>, vector<16xf32>,
      tpu.vector_store %arg16[%swap3A_859, %swap3A_860], %sub3A_857 {strides = array<i32>} : memref<32x16xf32, #tpu.memory_space<vmem>>, vector<16xf32>,
      %get3A_862 = arith.constant 16 : index
      %get3A_863 = tpu.vector_load %arg13[%get3A_862] {strides = array<i32>} : memref<128xi32, #tpu.memory_space<vmem>>, vector<16xi32>,
      %eq3A_864 = arith.constant 12 : i32
      %eq3A_865 = vector.broadcast %eq3A_864 : i32 to vector<16xi32>
      %eq3A_866 = arith.cmpi eq, %iota3A, %eq3A_865 : vector<16xi32>
      %jit3A_867 = arith.constant 0 : i32
      %broadcast_in_dim3A_868 = vector.broadcast %jit3A_867 : i32 to vector<16xi32>
      %select_n3A_869 = arith.select %eq3A_866, %get3A_863, %broadcast_in_dim3A_868 : vector<16xi1>, vector<16xi32>
      %reduce_sum3A_870 = arith.constant true
      %reduce_sum3A_871 = vector.broadcast %reduce_sum3A_870 : i1 to vector<16xi1>
      %reduce_sum3A_872 = tpu.scan <sum>, %select_n3A_869 masked %reduce_sum3A_871 : vector<16xi32>, vector<16xi1> -> vector<16xi32>
      %reduce_sum3A_873 = vector.extract %reduce_sum3A_872[15] : i32 from vector<16xi32>
      %and3A_874 = arith.constant 7 : i32
      %and3A_875 = arith.andi %reduce_sum3A_873, %and3A_874 : i32
      %mul3A_876 = arith.constant 16 : i32
      %mul3A_877 = arith.muli %and3A_875, %mul3A_876 : i32
      %broadcast_in_dim3A_878 = vector.broadcast %mul3A_877 : i32 to vector<16xi32>
      %add3A_879 = arith.addi %broadcast_in_dim3A_878, %iota3A : vector<16xi32>
      %broadcast_in_dim3A_880 = arith.constant 28 : i32
      %broadcast_in_dim3A_881 = vector.broadcast %broadcast_in_dim3A_880 : i32 to vector<16xi32>
      %gather3A_882 = tpu.vector_load_idx %arg15[%broadcast_in_dim3A_881, %add3A_879] : memref<32x128xf32, #tpu.memory_space<vmem>>[vector<16xi32>, vector<16xi32>], vector<16xf32>,
      %sub3A_883 = arith.subf %gather3A_882, %get3A_134 : vector<16xf32>
      %swap3A_884 = arith.constant 28 : i32
      %swap3A_885 = arith.index_cast %swap3A_884 : i32 to index
      %swap3A_886 = arith.constant 0 : index
      %swap3A_887 = tpu.vector_load %arg16[%swap3A_885, %swap3A_886] {strides = array<i32>} : memref<32x16xf32, #tpu.memory_space<vmem>>, vector<16xf32>,
      tpu.vector_store %arg16[%swap3A_885, %swap3A_886], %sub3A_883 {strides = array<i32>} : memref<32x16xf32, #tpu.memory_space<vmem>>, vector<16xf32>,
      %get3A_888 = arith.constant 16 : index
      %get3A_889 = tpu.vector_load %arg13[%get3A_888] {strides = array<i32>} : memref<128xi32, #tpu.memory_space<vmem>>, vector<16xi32>,
      %eq3A_890 = arith.constant 13 : i32
      %eq3A_891 = vector.broadcast %eq3A_890 : i32 to vector<16xi32>
      %eq3A_892 = arith.cmpi eq, %iota3A, %eq3A_891 : vector<16xi32>
      %jit3A_893 = arith.constant 0 : i32
      %broadcast_in_dim3A_894 = vector.broadcast %jit3A_893 : i32 to vector<16xi32>
      %select_n3A_895 = arith.select %eq3A_892, %get3A_889, %broadcast_in_dim3A_894 : vector<16xi1>, vector<16xi32>
      %reduce_sum3A_896 = arith.constant true
      %reduce_sum3A_897 = vector.broadcast %reduce_sum3A_896 : i1 to vector<16xi1>
      %reduce_sum3A_898 = tpu.scan <sum>, %select_n3A_895 masked %reduce_sum3A_897 : vector<16xi32>, vector<16xi1> -> vector<16xi32>
      %reduce_sum3A_899 = vector.extract %reduce_sum3A_898[15] : i32 from vector<16xi32>
      %and3A_900 = arith.constant 7 : i32
      %and3A_901 = arith.andi %reduce_sum3A_899, %and3A_900 : i32
      %mul3A_902 = arith.constant 16 : i32
      %mul3A_903 = arith.muli %and3A_901, %mul3A_902 : i32
      %broadcast_in_dim3A_904 = vector.broadcast %mul3A_903 : i32 to vector<16xi32>
      %add3A_905 = arith.addi %broadcast_in_dim3A_904, %iota3A : vector<16xi32>
      %broadcast_in_dim3A_906 = arith.constant 29 : i32
      %broadcast_in_dim3A_907 = vector.broadcast %broadcast_in_dim3A_906 : i32 to vector<16xi32>
      %gather3A_908 = tpu.vector_load_idx %arg15[%broadcast_in_dim3A_907, %add3A_905] : memref<32x128xf32, #tpu.memory_space<vmem>>[vector<16xi32>, vector<16xi32>], vector<16xf32>,
      %sub3A_909 = arith.subf %gather3A_908, %get3A_134 : vector<16xf32>
      %swap3A_910 = arith.constant 29 : i32
      %swap3A_911 = arith.index_cast %swap3A_910 : i32 to index
      %swap3A_912 = arith.constant 0 : index
      %swap3A_913 = tpu.vector_load %arg16[%swap3A_911, %swap3A_912] {strides = array<i32>} : memref<32x16xf32, #tpu.memory_space<vmem>>, vector<16xf32>,
      tpu.vector_store %arg16[%swap3A_911, %swap3A_912], %sub3A_909 {strides = array<i32>} : memref<32x16xf32, #tpu.memory_space<vmem>>, vector<16xf32>,
      %get3A_914 = arith.constant 16 : index
      %get3A_915 = tpu.vector_load %arg13[%get3A_914] {strides = array<i32>} : memref<128xi32, #tpu.memory_space<vmem>>, vector<16xi32>,
      %eq3A_916 = arith.constant 14 : i32
      %eq3A_917 = vector.broadcast %eq3A_916 : i32 to vector<16xi32>
      %eq3A_918 = arith.cmpi eq, %iota3A, %eq3A_917 : vector<16xi32>
      %jit3A_919 = arith.constant 0 : i32
      %broadcast_in_dim3A_920 = vector.broadcast %jit3A_919 : i32 to vector<16xi32>
      %select_n3A_921 = arith.select %eq3A_918, %get3A_915, %broadcast_in_dim3A_920 : vector<16xi1>, vector<16xi32>
      %reduce_sum3A_922 = arith.constant true
      %reduce_sum3A_923 = vector.broadcast %reduce_sum3A_922 : i1 to vector<16xi1>
      %reduce_sum3A_924 = tpu.scan <sum>, %select_n3A_921 masked %reduce_sum3A_923 : vector<16xi32>, vector<16xi1> -> vector<16xi32>
      %reduce_sum3A_925 = vector.extract %reduce_sum3A_924[15] : i32 from vector<16xi32>
      %and3A_926 = arith.constant 7 : i32
      %and3A_927 = arith.andi %reduce_sum3A_925, %and3A_926 : i32
      %mul3A_928 = arith.constant 16 : i32
      %mul3A_929 = arith.muli %and3A_927, %mul3A_928 : i32
      %broadcast_in_dim3A_930 = vector.broadcast %mul3A_929 : i32 to vector<16xi32>
      %add3A_931 = arith.addi %broadcast_in_dim3A_930, %iota3A : vector<16xi32>
      %broadcast_in_dim3A_932 = arith.constant 30 : i32
      %broadcast_in_dim3A_933 = vector.broadcast %broadcast_in_dim3A_932 : i32 to vector<16xi32>
      %gather3A_934 = tpu.vector_load_idx %arg15[%broadcast_in_dim3A_933, %add3A_931] : memref<32x128xf32, #tpu.memory_space<vmem>>[vector<16xi32>, vector<16xi32>], vector<16xf32>,
      %sub3A_935 = arith.subf %gather3A_934, %get3A_134 : vector<16xf32>
      %swap3A_936 = arith.constant 30 : i32
      %swap3A_937 = arith.index_cast %swap3A_936 : i32 to index
      %swap3A_938 = arith.constant 0 : index
      %swap3A_939 = tpu.vector_load %arg16[%swap3A_937, %swap3A_938] {strides = array<i32>} : memref<32x16xf32, #tpu.memory_space<vmem>>, vector<16xf32>,
      tpu.vector_store %arg16[%swap3A_937, %swap3A_938], %sub3A_935 {strides = array<i32>} : memref<32x16xf32, #tpu.memory_space<vmem>>, vector<16xf32>,
      %get3A_940 = arith.constant 16 : index
      %get3A_941 = tpu.vector_load %arg13[%get3A_940] {strides = array<i32>} : memref<128xi32, #tpu.memory_space<vmem>>, vector<16xi32>,
      %eq3A_942 = arith.constant 15 : i32
      %eq3A_943 = vector.broadcast %eq3A_942 : i32 to vector<16xi32>
      %eq3A_944 = arith.cmpi eq, %iota3A, %eq3A_943 : vector<16xi32>
      %jit3A_945 = arith.constant 0 : i32
      %broadcast_in_dim3A_946 = vector.broadcast %jit3A_945 : i32 to vector<16xi32>
      %select_n3A_947 = arith.select %eq3A_944, %get3A_941, %broadcast_in_dim3A_946 : vector<16xi1>, vector<16xi32>
      %reduce_sum3A_948 = arith.constant true
      %reduce_sum3A_949 = vector.broadcast %reduce_sum3A_948 : i1 to vector<16xi1>
      %reduce_sum3A_950 = tpu.scan <sum>, %select_n3A_947 masked %reduce_sum3A_949 : vector<16xi32>, vector<16xi1> -> vector<16xi32>
      %reduce_sum3A_951 = vector.extract %reduce_sum3A_950[15] : i32 from vector<16xi32>
      %and3A_952 = arith.constant 7 : i32
      %and3A_953 = arith.andi %reduce_sum3A_951, %and3A_952 : i32
      %mul3A_954 = arith.constant 16 : i32
      %mul3A_955 = arith.muli %and3A_953, %mul3A_954 : i32
      %broadcast_in_dim3A_956 = vector.broadcast %mul3A_955 : i32 to vector<16xi32>
      %add3A_957 = arith.addi %broadcast_in_dim3A_956, %iota3A : vector<16xi32>
      %broadcast_in_dim3A_958 = arith.constant 31 : i32
      %broadcast_in_dim3A_959 = vector.broadcast %broadcast_in_dim3A_958 : i32 to vector<16xi32>
      %gather3A_960 = tpu.vector_load_idx %arg15[%broadcast_in_dim3A_959, %add3A_957] : memref<32x128xf32, #tpu.memory_space<vmem>>[vector<16xi32>, vector<16xi32>], vector<16xf32>,
      %sub3A_961 = arith.subf %gather3A_960, %get3A_134 : vector<16xf32>
      %swap3A_962 = arith.constant 31 : i32
      %swap3A_963 = arith.index_cast %swap3A_962 : i32 to index
      %swap3A_964 = arith.constant 0 : index
      %swap3A_965 = tpu.vector_load %arg16[%swap3A_963, %swap3A_964] {strides = array<i32>} : memref<32x16xf32, #tpu.memory_space<vmem>>, vector<16xf32>,
      tpu.vector_store %arg16[%swap3A_963, %swap3A_964], %sub3A_961 {strides = array<i32>} : memref<32x16xf32, #tpu.memory_space<vmem>>, vector<16xf32>,
      "tpu.region"() ({
        %run_scoped3A = tpu.sem_alloc : memref<!tpu.dma_semaphore, #tpu.memory_space<semaphore_mem>>
        %dma_start3A_1910 = arith.constant 0 : i32
        %dma_start3A_1911 = arith.constant 0 : i32
        %dma_start3A_1912 = tpu.memref_slice %arg6[%add3A_28, %dma_start3A_1910, %dma_start3A_1911] : memref<1024x32x16xf32, #tpu.memory_space<hbm>> -> memref<1x32x16xf32, #tpu.memory_space<hbm>>
        %dma_start3A_1913 = tpu.memref_squeeze %dma_start3A_1912 : memref<1x32x16xf32, #tpu.memory_space<hbm>> -> memref<32x16xf32, #tpu.memory_space<hbm>>
        %dma_start3A_1914 = arith.constant 0 : i32
        %dma_start3A_1915 = arith.constant 0 : i32
        %dma_start3A_1916 = tpu.memref_slice %arg6[%add3A_28, %dma_start3A_1914, %dma_start3A_1915] : memref<1024x32x16xf32, #tpu.memory_space<hbm>> -> memref<1x32x16xf32, #tpu.memory_space<hbm>>
        %dma_start3A_1917 = tpu.memref_squeeze %dma_start3A_1916 : memref<1x32x16xf32, #tpu.memory_space<hbm>> -> memref<32x16xf32, #tpu.memory_space<hbm>>
        tpu.enqueue_dma source(%arg16 : memref<32x16xf32, #tpu.memory_space<vmem>>) target(%dma_start3A_1917 : memref<32x16xf32, #tpu.memory_space<hbm>>) target_semaphore(%run_scoped3A : memref<!tpu.dma_semaphore, #tpu.memory_space<semaphore_mem>>)
        %dma_wait3A_1918 = arith.constant 0 : i32
        %dma_wait3A_1919 = arith.constant 0 : i32
        %dma_wait3A_1920 = tpu.memref_slice %arg6[%add3A_28, %dma_wait3A_1918, %dma_wait3A_1919] : memref<1024x32x16xf32, #tpu.memory_space<hbm>> -> memref<1x32x16xf32, #tpu.memory_space<hbm>>
        %dma_wait3A_1921 = tpu.memref_squeeze %dma_wait3A_1920 : memref<1x32x16xf32, #tpu.memory_space<hbm>> -> memref<32x16xf32, #tpu.memory_space<hbm>>
        %dma_wait3A_1922 = arith.constant 0 : i32
        %dma_wait3A_1923 = arith.constant 0 : i32
        %dma_wait3A_1924 = tpu.memref_slice %arg6[%add3A_28, %dma_wait3A_1922, %dma_wait3A_1923] : memref<1024x32x16xf32, #tpu.memory_space<hbm>> -> memref<1x32x16xf32, #tpu.memory_space<hbm>>
        %dma_wait3A_1925 = tpu.memref_squeeze %dma_wait3A_1924 : memref<1x32x16xf32, #tpu.memory_space<hbm>> -> memref<32x16xf32, #tpu.memory_space<hbm>>
        tpu.wait_dma2 semaphore(%run_scoped3A : memref<!tpu.dma_semaphore, #tpu.memory_space<semaphore_mem>>) src(%arg16 : memref<32x16xf32, #tpu.memory_space<vmem>>) dst(%dma_wait3A_1925 : memref<32x16xf32, #tpu.memory_space<hbm>>)
        tpu.yield
      }) : () -> ()
      %dma_start3A_966 = arith.constant 0 : i32
      %dma_start3A_967 = tpu.memref_slice %arg2[%min3A, %dma_start3A_966] : memref<1024x8192xf32, #tpu.memory_space<hbm>> -> memref<1x8192xf32, #tpu.memory_space<hbm>>
      %dma_start3A_968 = tpu.memref_squeeze %dma_start3A_967 : memref<1x8192xf32, #tpu.memory_space<hbm>> -> memref<8192xf32, #tpu.memory_space<hbm>>
      %dma_start3A_969 = arith.constant 0 : i32
      %dma_start3A_970 = tpu.memref_slice %arg2[%min3A, %dma_start3A_969] : memref<1024x8192xf32, #tpu.memory_space<hbm>> -> memref<1x8192xf32, #tpu.memory_space<hbm>>
      %dma_start3A_971 = tpu.memref_squeeze %dma_start3A_970 : memref<1x8192xf32, #tpu.memory_space<hbm>> -> memref<8192xf32, #tpu.memory_space<hbm>>
      tpu.enqueue_dma source(%dma_start3A_971 : memref<8192xf32, #tpu.memory_space<hbm>>) target(%arg7 : memref<8192xf32, #tpu.memory_space<vmem>>) target_semaphore(%arg19 : memref<!tpu.dma_semaphore, #tpu.memory_space<semaphore_mem>>)
      %dma_wait3A_972 = arith.constant 0 : i32
      %dma_wait3A_973 = tpu.memref_slice %arg2[%add3A_30, %dma_wait3A_972] : memref<1024x8192xf32, #tpu.memory_space<hbm>> -> memref<1x8192xf32, #tpu.memory_space<hbm>>
      %dma_wait3A_974 = tpu.memref_squeeze %dma_wait3A_973 : memref<1x8192xf32, #tpu.memory_space<hbm>> -> memref<8192xf32, #tpu.memory_space<hbm>>
      %dma_wait3A_975 = arith.constant 0 : i32
      %dma_wait3A_976 = tpu.memref_slice %arg2[%add3A_30, %dma_wait3A_975] : memref<1024x8192xf32, #tpu.memory_space<hbm>> -> memref<1x8192xf32, #tpu.memory_space<hbm>>
      %dma_wait3A_977 = tpu.memref_squeeze %dma_wait3A_976 : memref<1x8192xf32, #tpu.memory_space<hbm>> -> memref<8192xf32, #tpu.memory_space<hbm>>
      tpu.wait_dma2 semaphore(%arg20 : memref<!tpu.dma_semaphore, #tpu.memory_space<semaphore_mem>>) src(%dma_wait3A_977 : memref<8192xf32, #tpu.memory_space<hbm>>) dst(%arg8 : memref<8192xf32, #tpu.memory_space<vmem>>)
      %mul3A_978 = arith.constant 2 : i32
      %mul3A_979 = arith.muli %mul3A_978, %scan3A_24 : i32
      %add3A_980 = arith.constant 1 : i32
      %add3A_981 = arith.addi %mul3A_979, %add3A_980 : i32
      %shift_right_arithmetic3A_982 = arith.constant 4 : i32
      %shift_right_arithmetic3A_983 = arith.shrsi %add3A_981, %shift_right_arithmetic3A_982 : i32
      %shift_left3A_984 = arith.constant 4 : i32
      %shift_left3A_985 = arith.shli %shift_right_arithmetic3A_983, %shift_left3A_984 : i32
      %get3A_986 = arith.index_cast %shift_left3A_985 : i32 to index
      %get3A_987 = tpu.vector_load %arg18[%get3A_986] {strides = array<i32>} : memref<128xf32, #tpu.memory_space<vmem>>, vector<16xf32>,
      %and3A_988 = arith.constant 15 : i32
      %and3A_989 = arith.andi %add3A_981, %and3A_988 : i32
      %eq3A_990 = vector.broadcast %and3A_989 : i32 to vector<16xi32>
      %eq3A_991 = arith.cmpi eq, %iota3A, %eq3A_990 : vector<16xi32>
      %jit3A_992 = arith.constant 0.000000e+00 : f32
      %broadcast_in_dim3A_993 = vector.broadcast %jit3A_992 : f32 to vector<16xf32>
      %select_n3A_994 = arith.select %eq3A_991, %get3A_987, %broadcast_in_dim3A_993 : vector<16xi1>, vector<16xf32>
      %reduce_sum3A_995 = arith.constant true
      %reduce_sum3A_996 = vector.broadcast %reduce_sum3A_995 : i1 to vector<16xi1>
      %reduce_sum3A_997 = tpu.scan <sum>, %select_n3A_994 masked %reduce_sum3A_996 : vector<16xf32>, vector<16xi1> -> vector<16xf32>
      %reduce_sum3A_998 = vector.extract %reduce_sum3A_997[15] : f32 from vector<16xf32>
      %broadcast_in_dim3A_999 = vector.broadcast %reduce_sum3A_998 : f32 to vector<16xf32>
      %broadcast_in_dim3A_1000 = arith.constant 0 : i32
      %broadcast_in_dim3A_1001 = vector.broadcast %broadcast_in_dim3A_1000 : i32 to vector<16xi32>
      %scan3A_1002 = arith.constant 0 : i32
      %scan3A_1003 = arith.constant 512 : i32
      %scan3A_1004 = arith.addi %scan3A_1002, %scan3A_1003 : i32
      %scan3A_1005 = arith.constant 1 : i32
      %scan3A_1006 = scf.for %scan3A_1910 = %scan3A_1002 to %scan3A_1004 step %scan3A_1005 iter_args(%scan3A_1911 = %broadcast_in_dim3A_1001) -> (vector<16xi32>)  : i32 {
        %mul3A_1912 = arith.constant 16 : i32
        %mul3A_1913 = arith.muli %scan3A_1910, %mul3A_1912 : i32
        %get3A_1914 = arith.index_cast %mul3A_1913 : i32 to index
        %get3A_1915 = tpu.vector_load %arg8[%get3A_1914] {strides = array<i32>} : memref<8192xf32, #tpu.memory_space<vmem>>, vector<16xf32>,
        %le3A = arith.cmpf ole, %get3A_1915, %broadcast_in_dim3A_999 : vector<16xf32>
        %all_reduce_population_count3A = tpu.all_reduce %le3A {dim = 0 : i64, kind = #tpu.reduction_kind<sum>} : vector<16xi1> -> vector<16xi32>
        %add3A_1916 = arith.addi %scan3A_1911, %iota3A : vector<16xi32>
        %jit3A_1917 = arith.constant 3.000000e+38 : f32
        %broadcast_in_dim3A_1918 = vector.broadcast %jit3A_1917 : f32 to vector<16xf32>
        %select_n3A_1919 = arith.select %le3A, %get3A_1915, %broadcast_in_dim3A_1918 : vector<16xi1>, vector<16xf32>
        tpu.vector_store_idx %arg9[%add3A_1916], %select_n3A_1919 : memref<8192xf32, #tpu.memory_space<vmem>>[vector<16xi32>], vector<16xf32>,
        %mul3A_1920 = arith.constant 16 : i32
        %mul3A_1921 = arith.muli %scan3A_1910, %mul3A_1920 : i32
        %add3A_1922 = vector.broadcast %mul3A_1921 : i32 to vector<16xi32>
        %add3A_1923 = arith.addi %iota3A, %add3A_1922 : vector<16xi32>
        %jit3A_1924 = arith.constant 1073741824 : i32
        %broadcast_in_dim3A_1925 = vector.broadcast %jit3A_1924 : i32 to vector<16xi32>
        %select_n3A_1926 = arith.select %le3A, %add3A_1923, %broadcast_in_dim3A_1925 : vector<16xi1>, vector<16xi32>
        tpu.vector_store_idx %arg10[%add3A_1916], %select_n3A_1926 : memref<8192xi32, #tpu.memory_space<vmem>>[vector<16xi32>], vector<16xi32>,
        %min3A_1927 = arith.constant 1 : i32
        %min3A_1928 = vector.broadcast %min3A_1927 : i32 to vector<16xi32>
        %min3A_1929 = arith.minsi %all_reduce_population_count3A, %min3A_1928 : vector<16xi32>
        %mul3A_1930 = arith.constant 16 : i32
        %mul3A_1931 = vector.broadcast %mul3A_1930 : i32 to vector<16xi32>
        %mul3A_1932 = arith.muli %min3A_1929, %mul3A_1931 : vector<16xi32>
        %add3A_1933 = arith.addi %scan3A_1911, %mul3A_1932 : vector<16xi32>
        scf.yield %add3A_1933 : vector<16xi32>
      }
      %scan3A_1007 = arith.constant 512 : i32
      %reduce_max3A_1008 = arith.constant true
      %reduce_max3A_1009 = vector.broadcast %reduce_max3A_1008 : i1 to vector<16xi1>
      %reduce_max3A_1010 = arith.constant -2147483648 : i32
      %reduce_max3A_1011 = vector.broadcast %reduce_max3A_1010 : i32 to vector<16xi32>
      %reduce_max3A_1012 = arith.xori %scan3A_1006, %reduce_max3A_1011 : vector<16xi32>
      %reduce_max3A_1013 = tpu.scan <max>, %reduce_max3A_1012 masked %reduce_max3A_1009 : vector<16xi32>, vector<16xi1> -> vector<16xi32>
      %reduce_max3A_1014 = arith.xori %reduce_max3A_1013, %reduce_max3A_1011 : vector<16xi32>
      %reduce_max3A_1015 = vector.extract %reduce_max3A_1014[15] : i32 from vector<16xi32>
      %shift_right_arithmetic3A_1016 = arith.constant 4 : i32
      %shift_right_arithmetic3A_1017 = arith.shrsi %reduce_max3A_1015, %shift_right_arithmetic3A_1016 : i32
      %scan3A_1018 = arith.constant 0 : i32
      %scan3A_1019 = arith.constant 0 : i32
      %scan3A_1020 = arith.constant 64 : i32
      %scan3A_1021 = arith.addi %scan3A_1019, %scan3A_1020 : i32
      %scan3A_1022 = arith.constant 1 : i32
      %scan3A_1023 = scf.for %scan3A_1910 = %scan3A_1019 to %scan3A_1021 step %scan3A_1022 iter_args(%scan3A_1911 = %scan3A_1018) -> (i32)  : i32 {
        %mul3A_1912 = arith.constant 16 : i32
        %mul3A_1913 = arith.muli %scan3A_1910, %mul3A_1912 : i32
        %swap3A_1914 = arith.index_cast %mul3A_1913 : i32 to index
        %swap3A_1915 = tpu.vector_load %arg11[%swap3A_1914] {strides = array<i32>} : memref<1024xf32, #tpu.memory_space<vmem>>, vector<16xf32>,
        tpu.vector_store %arg11[%swap3A_1914], %broadcast_in_dim3A_5 {strides = array<i32>} : memref<1024xf32, #tpu.memory_space<vmem>>, vector<16xf32>,
        %scan3A_1916 = arith.constant 0 : i32
        scf.yield %scan3A_1916 : i32
      }
      %scan3A_1024 = arith.constant 64 : i32
      %broadcast_in_dim3A_1025 = arith.constant 0 : i32
      %broadcast_in_dim3A_1026 = vector.broadcast %broadcast_in_dim3A_1025 : i32 to vector<16xi32>
      %while3A_1027 = arith.constant 0 : i32
      %while3A_1028 = arith.subi %shift_right_arithmetic3A_1017, %while3A_1027 : i32
      %while3A_1029 = arith.addi %while3A_1027, %while3A_1028 : i32
      %while3A_1030 = arith.constant 1 : i32
      %while3A_1031 = arith.divsi %while3A_1028, %while3A_1030 : i32
      %while3A_1032 = arith.muli %while3A_1031, %while3A_1030 : i32
      %while3A_1033 = arith.addi %while3A_1027, %while3A_1032 : i32
      %while3A_1034 = arith.constant 1 : i32
      %while3A_1035 = scf.for %while3A_1910 = %while3A_1027 to %while3A_1033 step %while3A_1034 iter_args(%while3A_1911 = %broadcast_in_dim3A_1026) -> (vector<16xi32>)  : i32 {
        %mul3A_1912 = arith.constant 16 : i32
        %mul3A_1913 = arith.muli %while3A_1910, %mul3A_1912 : i32
        %get3A_1914 = arith.index_cast %mul3A_1913 : i32 to index
        %get3A_1915 = tpu.vector_load %arg9[%get3A_1914] {strides = array<i32>} : memref<8192xf32, #tpu.memory_space<vmem>>, vector<16xf32>,
        %lt3A = arith.constant 3.000000e+38 : f32
        %lt3A_1916 = vector.broadcast %lt3A : f32 to vector<16xf32>
        %lt3A_1917 = arith.cmpf olt, %get3A_1915, %lt3A_1916 : vector<16xf32>
        %mul3A_1918 = arith.constant 16 : i32
        %mul3A_1919 = arith.muli %while3A_1910, %mul3A_1918 : i32
        %get3A_1920 = arith.index_cast %mul3A_1919 : i32 to index
        %get3A_1921 = tpu.vector_load %arg10[%get3A_1920] {strides = array<i32>} : memref<8192xi32, #tpu.memory_space<vmem>>, vector<16xi32>,
        %convert_element_type3A = arith.extui %lt3A_1917 : vector<16xi1> to vector<16xi32>
        %broadcast_in_dim3A_1922 = arith.constant true
        %broadcast_in_dim3A_1923 = vector.broadcast %broadcast_in_dim3A_1922 : i1 to vector<16xi1>
        %masked_cumsum3A = tpu.scan <sum>, %convert_element_type3A masked %broadcast_in_dim3A_1923 : vector<16xi32>, vector<16xi1> -> vector<16xi32>
        %sub3A_1924 = arith.subi %masked_cumsum3A, %convert_element_type3A : vector<16xi32>
        %add3A_1925 = arith.addi %while3A_1911, %sub3A_1924 : vector<16xi32>
        %min3A_1926 = arith.constant 1023 : i32
        %min3A_1927 = vector.broadcast %min3A_1926 : i32 to vector<16xi32>
        %min3A_1928 = arith.minsi %add3A_1925, %min3A_1927 : vector<16xi32>
        tpu.vector_store_idx %arg11[%min3A_1928], %get3A_1915 masked %lt3A_1917 : memref<1024xf32, #tpu.memory_space<vmem>>[vector<16xi32>], vector<16xf32>, vector<16xi1>
        tpu.vector_store_idx %arg12[%min3A_1928], %get3A_1921 masked %lt3A_1917 : memref<1024xi32, #tpu.memory_space<vmem>>[vector<16xi32>], vector<16xi32>, vector<16xi1>
        %all_reduce_population_count3A = tpu.all_reduce %lt3A_1917 {dim = 0 : i64, kind = #tpu.reduction_kind<sum>} : vector<16xi1> -> vector<16xi32>
        %add3A_1929 = arith.addi %while3A_1911, %all_reduce_population_count3A : vector<16xi32>
        scf.yield %add3A_1929 : vector<16xi32>
      }
      %while3A_1036 = arith.constant 1 : i32
      %while3A_1037 = scf.for %while3A_1910 = %while3A_1033 to %while3A_1029 step %while3A_1036 iter_args(%while3A_1911 = %while3A_1035) -> (vector<16xi32>)  : i32 {
        %mul3A_1912 = arith.constant 16 : i32
        %mul3A_1913 = arith.muli %while3A_1910, %mul3A_1912 : i32
        %get3A_1914 = arith.index_cast %mul3A_1913 : i32 to index
        %get3A_1915 = tpu.vector_load %arg9[%get3A_1914] {strides = array<i32>} : memref<8192xf32, #tpu.memory_space<vmem>>, vector<16xf32>,
        %lt3A = arith.constant 3.000000e+38 : f32
        %lt3A_1916 = vector.broadcast %lt3A : f32 to vector<16xf32>
        %lt3A_1917 = arith.cmpf olt, %get3A_1915, %lt3A_1916 : vector<16xf32>
        %mul3A_1918 = arith.constant 16 : i32
        %mul3A_1919 = arith.muli %while3A_1910, %mul3A_1918 : i32
        %get3A_1920 = arith.index_cast %mul3A_1919 : i32 to index
        %get3A_1921 = tpu.vector_load %arg10[%get3A_1920] {strides = array<i32>} : memref<8192xi32, #tpu.memory_space<vmem>>, vector<16xi32>,
        %convert_element_type3A = arith.extui %lt3A_1917 : vector<16xi1> to vector<16xi32>
        %broadcast_in_dim3A_1922 = arith.constant true
        %broadcast_in_dim3A_1923 = vector.broadcast %broadcast_in_dim3A_1922 : i1 to vector<16xi1>
        %masked_cumsum3A = tpu.scan <sum>, %convert_element_type3A masked %broadcast_in_dim3A_1923 : vector<16xi32>, vector<16xi1> -> vector<16xi32>
        %sub3A_1924 = arith.subi %masked_cumsum3A, %convert_element_type3A : vector<16xi32>
        %add3A_1925 = arith.addi %while3A_1911, %sub3A_1924 : vector<16xi32>
        %min3A_1926 = arith.constant 1023 : i32
        %min3A_1927 = vector.broadcast %min3A_1926 : i32 to vector<16xi32>
        %min3A_1928 = arith.minsi %add3A_1925, %min3A_1927 : vector<16xi32>
        tpu.vector_store_idx %arg11[%min3A_1928], %get3A_1915 masked %lt3A_1917 : memref<1024xf32, #tpu.memory_space<vmem>>[vector<16xi32>], vector<16xf32>, vector<16xi1>
        tpu.vector_store_idx %arg12[%min3A_1928], %get3A_1921 masked %lt3A_1917 : memref<1024xi32, #tpu.memory_space<vmem>>[vector<16xi32>], vector<16xi32>, vector<16xi1>
        %all_reduce_population_count3A = tpu.all_reduce %lt3A_1917 {dim = 0 : i64, kind = #tpu.reduction_kind<sum>} : vector<16xi1> -> vector<16xi32>
        %add3A_1929 = arith.addi %while3A_1911, %all_reduce_population_count3A : vector<16xi32>
        scf.yield %add3A_1929 : vector<16xi32>
      }
      %scan3A_1038 = arith.constant 0 : i32
      %scan3A_1039 = arith.constant 0 : i32
      %scan3A_1040 = arith.constant 32 : i32
      %scan3A_1041 = arith.addi %scan3A_1039, %scan3A_1040 : i32
      %scan3A_1042 = arith.constant 1 : i32
      %scan3A_1043 = scf.for %scan3A_1910 = %scan3A_1039 to %scan3A_1041 step %scan3A_1042 iter_args(%scan3A_1911 = %scan3A_1038) -> (i32)  : i32 {
        %scan3A_1912 = arith.constant 0 : i32
        %scan3A_1913 = arith.constant 64 : i32
        %scan3A_1914 = arith.addi %scan3A_1912, %scan3A_1913 : i32
        %scan3A_1915 = arith.constant 1 : i32
        %scan3A_1916 = scf.for %scan3A_1959 = %scan3A_1912 to %scan3A_1914 step %scan3A_1915 iter_args(%scan3A_1960 = %broadcast_in_dim3A_5) -> (vector<16xf32>)  : i32 {
          %mul3A_1961 = arith.constant 16 : i32
          %mul3A_1962 = arith.muli %scan3A_1959, %mul3A_1961 : i32
          %get3A_1963 = arith.index_cast %mul3A_1962 : i32 to index
          %get3A_1964 = tpu.vector_load %arg11[%get3A_1963] {strides = array<i32>} : memref<1024xf32, #tpu.memory_space<vmem>>, vector<16xf32>,
          %min3A_1965 = arith.minimumf %scan3A_1960, %get3A_1964 : vector<16xf32>
          scf.yield %min3A_1965 : vector<16xf32>
        }
        %scan3A_1917 = arith.constant 64 : i32
        %reduce_min3A = arith.constant true
        %reduce_min3A_1918 = vector.broadcast %reduce_min3A : i1 to vector<16xi1>
        %reduce_min3A_1919 = tpu.scan <min>, %scan3A_1916 masked %reduce_min3A_1918 : vector<16xf32>, vector<16xi1> -> vector<16xf32>
        %reduce_min3A_1920 = vector.extract %reduce_min3A_1919[15] : f32 from vector<16xf32>
        %broadcast_in_dim3A_1921 = vector.broadcast %reduce_min3A_1920 : f32 to vector<16xf32>
        %broadcast_in_dim3A_1922 = arith.constant 1073741824 : i32
        %broadcast_in_dim3A_1923 = vector.broadcast %broadcast_in_dim3A_1922 : i32 to vector<16xi32>
        %scan3A_1924 = arith.constant 0 : i32
        %scan3A_1925 = arith.constant 64 : i32
        %scan3A_1926 = arith.addi %scan3A_1924, %scan3A_1925 : i32
        %scan3A_1927 = arith.constant 1 : i32
        %scan3A_1928 = scf.for %scan3A_1959 = %scan3A_1924 to %scan3A_1926 step %scan3A_1927 iter_args(%scan3A_1960 = %broadcast_in_dim3A_1923) -> (vector<16xi32>)  : i32 {
          %mul3A_1961 = arith.constant 16 : i32
          %mul3A_1962 = arith.muli %scan3A_1959, %mul3A_1961 : i32
          %get3A_1963 = arith.index_cast %mul3A_1962 : i32 to index
          %get3A_1964 = tpu.vector_load %arg11[%get3A_1963] {strides = array<i32>} : memref<1024xf32, #tpu.memory_space<vmem>>, vector<16xf32>,
          %eq3A_1965 = arith.cmpf oeq, %get3A_1964, %broadcast_in_dim3A_1921 : vector<16xf32>
          %mul3A_1966 = arith.constant 16 : i32
          %mul3A_1967 = arith.muli %scan3A_1959, %mul3A_1966 : i32
          %add3A_1968 = vector.broadcast %mul3A_1967 : i32 to vector<16xi32>
          %add3A_1969 = arith.addi %iota3A, %add3A_1968 : vector<16xi32>
          %jit3A_1970 = arith.constant 1073741824 : i32
          %broadcast_in_dim3A_1971 = vector.broadcast %jit3A_1970 : i32 to vector<16xi32>
          %select_n3A_1972 = arith.select %eq3A_1965, %add3A_1969, %broadcast_in_dim3A_1971 : vector<16xi1>, vector<16xi32>
          %min3A_1973 = arith.minsi %scan3A_1960, %select_n3A_1972 : vector<16xi32>
          scf.yield %min3A_1973 : vector<16xi32>
        }
        %scan3A_1929 = arith.constant 64 : i32
        %reduce_min3A_1930 = arith.constant true
        %reduce_min3A_1931 = vector.broadcast %reduce_min3A_1930 : i1 to vector<16xi1>
        %reduce_min3A_1932 = arith.constant -2147483648 : i32
        %reduce_min3A_1933 = vector.broadcast %reduce_min3A_1932 : i32 to vector<16xi32>
        %reduce_min3A_1934 = arith.xori %scan3A_1928, %reduce_min3A_1933 : vector<16xi32>
        %reduce_min3A_1935 = tpu.scan <min>, %reduce_min3A_1934 masked %reduce_min3A_1931 : vector<16xi32>, vector<16xi1> -> vector<16xi32>
        %reduce_min3A_1936 = arith.xori %reduce_min3A_1935, %reduce_min3A_1933 : vector<16xi32>
        %reduce_min3A_1937 = vector.extract %reduce_min3A_1936[15] : i32 from vector<16xi32>
        %broadcast_in_dim3A_1938 = vector.broadcast %reduce_min3A_1937 : i32 to vector<16xi32>
        %shift_right_arithmetic3A_1939 = arith.constant 4 : i32
        %shift_right_arithmetic3A_1940 = arith.shrsi %reduce_min3A_1937, %shift_right_arithmetic3A_1939 : i32
        %shift_left3A_1941 = arith.constant 4 : i32
        %shift_left3A_1942 = arith.shli %shift_right_arithmetic3A_1940, %shift_left3A_1941 : i32
        %get3A_1943 = arith.index_cast %shift_left3A_1942 : i32 to index
        %get3A_1944 = tpu.vector_load %arg12[%get3A_1943] {strides = array<i32>} : memref<1024xi32, #tpu.memory_space<vmem>>, vector<16xi32>,
        %and3A_1945 = arith.constant 15 : i32
        %and3A_1946 = arith.andi %reduce_min3A_1937, %and3A_1945 : i32
        %eq3A_1947 = vector.broadcast %and3A_1946 : i32 to vector<16xi32>
        %eq3A_1948 = arith.cmpi eq, %iota3A, %eq3A_1947 : vector<16xi32>
        %jit3A_1949 = arith.constant 0 : i32
        %broadcast_in_dim3A_1950 = vector.broadcast %jit3A_1949 : i32 to vector<16xi32>
        %select_n3A_1951 = arith.select %eq3A_1948, %get3A_1944, %broadcast_in_dim3A_1950 : vector<16xi1>, vector<16xi32>
        %reduce_sum3A_1952 = arith.constant true
        %reduce_sum3A_1953 = vector.broadcast %reduce_sum3A_1952 : i1 to vector<16xi1>
        %reduce_sum3A_1954 = tpu.scan <sum>, %select_n3A_1951 masked %reduce_sum3A_1953 : vector<16xi32>, vector<16xi1> -> vector<16xi32>
        %reduce_sum3A_1955 = vector.extract %reduce_sum3A_1954[15] : i32 from vector<16xi32>
        %broadcast_in_dim3A_1956 = vector.broadcast %scan3A_1910 : i32 to vector<16xi32>
        %broadcast_in_dim3A_1957 = vector.broadcast %reduce_sum3A_1955 : i32 to vector<16xi32>
        tpu.vector_store_idx %arg13[%broadcast_in_dim3A_1956], %broadcast_in_dim3A_1957 masked %eq3A_4 : memref<128xi32, #tpu.memory_space<vmem>>[vector<16xi32>], vector<16xi32>, vector<16xi1>
        tpu.vector_store_idx %arg11[%broadcast_in_dim3A_1938], %broadcast_in_dim3A_5 masked %eq3A_4 : memref<1024xf32, #tpu.memory_space<vmem>>[vector<16xi32>], vector<16xf32>, vector<16xi1>
        %scan3A_1958 = arith.constant 0 : i32
        scf.yield %scan3A_1958 : i32
      }
      %scan3A_1044 = arith.constant 32 : i32
      %shift_right_arithmetic3A_1045 = arith.constant 7 : i32
      %shift_right_arithmetic3A_1046 = arith.shrsi %add3A_30, %shift_right_arithmetic3A_1045 : i32
      %shift_left3A_1047 = arith.constant 13 : i32
      %shift_left3A_1048 = arith.shli %shift_right_arithmetic3A_1046, %shift_left3A_1047 : i32
      %get3A_1049 = arith.constant 0 : index
      %get3A_1050 = tpu.vector_load %arg13[%get3A_1049] {strides = array<i32>} : memref<128xi32, #tpu.memory_space<vmem>>, vector<16xi32>,
      %add3A_1051 = vector.broadcast %shift_left3A_1048 : i32 to vector<16xi32>
      %add3A_1052 = arith.addi %get3A_1050, %add3A_1051 : vector<16xi32>
      %shift_right_arithmetic3A_1053 = arith.constant 3 : i32
      %shift_right_arithmetic3A_1054 = vector.broadcast %shift_right_arithmetic3A_1053 : i32 to vector<16xi32>
      %shift_right_arithmetic3A_1055 = arith.shrsi %add3A_1052, %shift_right_arithmetic3A_1054 : vector<16xi32>
      %swap3A_1056 = arith.constant 0 : index
      %swap3A_1057 = tpu.vector_load %arg14[%swap3A_1056] {strides = array<i32>} : memref<32xi32, #tpu.memory_space<vmem>>, vector<16xi32>,
      tpu.vector_store %arg14[%swap3A_1056], %shift_right_arithmetic3A_1055 {strides = array<i32>} : memref<32xi32, #tpu.memory_space<vmem>>, vector<16xi32>,
      %get3A_1058 = arith.constant 16 : index
      %get3A_1059 = tpu.vector_load %arg13[%get3A_1058] {strides = array<i32>} : memref<128xi32, #tpu.memory_space<vmem>>, vector<16xi32>,
      %add3A_1060 = vector.broadcast %shift_left3A_1048 : i32 to vector<16xi32>
      %add3A_1061 = arith.addi %get3A_1059, %add3A_1060 : vector<16xi32>
      %shift_right_arithmetic3A_1062 = arith.constant 3 : i32
      %shift_right_arithmetic3A_1063 = vector.broadcast %shift_right_arithmetic3A_1062 : i32 to vector<16xi32>
      %shift_right_arithmetic3A_1064 = arith.shrsi %add3A_1061, %shift_right_arithmetic3A_1063 : vector<16xi32>
      %swap3A_1065 = arith.constant 16 : index
      %swap3A_1066 = tpu.vector_load %arg14[%swap3A_1065] {strides = array<i32>} : memref<32xi32, #tpu.memory_space<vmem>>, vector<16xi32>,
      tpu.vector_store %arg14[%swap3A_1065], %shift_right_arithmetic3A_1064 {strides = array<i32>} : memref<32xi32, #tpu.memory_space<vmem>>, vector<16xi32>,
      %dma_start3A_1067 = arith.constant 0 : i32
      %dma_start3A_1068 = arith.constant 0 : i32
      %dma_start3A_1069 = tpu.memref_slice %arg4[%dma_start3A_1067, %dma_start3A_1068] : memref<8192x128xf32, #tpu.memory_space<hbm>> -> memref<8192x128xf32, #tpu.memory_space<hbm>>
      tpu.enqueue_indirect_dma source(%dma_start3A_1069 : memref<8192x128xf32, #tpu.memory_space<hbm>>) target(%arg15 : memref<32x128xf32, #tpu.memory_space<vmem>>) offsets(%arg14 : memref<32xi32, #tpu.memory_space<vmem>>) semaphore(%arg21 : memref<!tpu.dma_semaphore, #tpu.memory_space<semaphore_mem>>)
      %dma_wait3A_1070 = arith.constant 0 : i32
      %dma_wait3A_1071 = arith.constant 0 : i32
      %dma_wait3A_1072 = tpu.memref_slice %arg4[%dma_wait3A_1070, %dma_wait3A_1071] : memref<8192x128xf32, #tpu.memory_space<hbm>> -> memref<8192x128xf32, #tpu.memory_space<hbm>>
      tpu.wait_indirect_dma semaphore(%arg21 : memref<!tpu.dma_semaphore, #tpu.memory_space<semaphore_mem>>) src(%dma_wait3A_1072 : memref<8192x128xf32, #tpu.memory_space<hbm>>) dst(%arg15 : memref<32x128xf32, #tpu.memory_space<vmem>>)
      %mul3A_1073 = arith.constant 16 : i32
      %mul3A_1074 = arith.muli %add3A_981, %mul3A_1073 : i32
      %get3A_1075 = arith.index_cast %mul3A_1074 : i32 to index
      %get3A_1076 = tpu.vector_load %arg17[%get3A_1075] {strides = array<i32>} : memref<512xf32, #tpu.memory_space<vmem>>, vector<16xf32>,
      %get3A_1077 = arith.constant 0 : index
      %get3A_1078 = tpu.vector_load %arg13[%get3A_1077] {strides = array<i32>} : memref<128xi32, #tpu.memory_space<vmem>>, vector<16xi32>,
      %eq3A_1079 = arith.constant 0 : i32
      %eq3A_1080 = vector.broadcast %eq3A_1079 : i32 to vector<16xi32>
      %eq3A_1081 = arith.cmpi eq, %iota3A, %eq3A_1080 : vector<16xi32>
      %jit3A_1082 = arith.constant 0 : i32
      %broadcast_in_dim3A_1083 = vector.broadcast %jit3A_1082 : i32 to vector<16xi32>
      %select_n3A_1084 = arith.select %eq3A_1081, %get3A_1078, %broadcast_in_dim3A_1083 : vector<16xi1>, vector<16xi32>
      %reduce_sum3A_1085 = arith.constant true
      %reduce_sum3A_1086 = vector.broadcast %reduce_sum3A_1085 : i1 to vector<16xi1>
      %reduce_sum3A_1087 = tpu.scan <sum>, %select_n3A_1084 masked %reduce_sum3A_1086 : vector<16xi32>, vector<16xi1> -> vector<16xi32>
      %reduce_sum3A_1088 = vector.extract %reduce_sum3A_1087[15] : i32 from vector<16xi32>
      %and3A_1089 = arith.constant 7 : i32
      %and3A_1090 = arith.andi %reduce_sum3A_1088, %and3A_1089 : i32
      %mul3A_1091 = arith.constant 16 : i32
      %mul3A_1092 = arith.muli %and3A_1090, %mul3A_1091 : i32
      %broadcast_in_dim3A_1093 = vector.broadcast %mul3A_1092 : i32 to vector<16xi32>
      %add3A_1094 = arith.addi %broadcast_in_dim3A_1093, %iota3A : vector<16xi32>
      %broadcast_in_dim3A_1095 = arith.constant 0 : i32
      %broadcast_in_dim3A_1096 = vector.broadcast %broadcast_in_dim3A_1095 : i32 to vector<16xi32>
      %gather3A_1097 = tpu.vector_load_idx %arg15[%broadcast_in_dim3A_1096, %add3A_1094] : memref<32x128xf32, #tpu.memory_space<vmem>>[vector<16xi32>, vector<16xi32>], vector<16xf32>,
      %sub3A_1098 = arith.subf %gather3A_1097, %get3A_1076 : vector<16xf32>
      %swap3A_1099 = arith.constant 0 : i32
      %swap3A_1100 = arith.index_cast %swap3A_1099 : i32 to index
      %swap3A_1101 = arith.constant 0 : index
      %swap3A_1102 = tpu.vector_load %arg16[%swap3A_1100, %swap3A_1101] {strides = array<i32>} : memref<32x16xf32, #tpu.memory_space<vmem>>, vector<16xf32>,
      tpu.vector_store %arg16[%swap3A_1100, %swap3A_1101], %sub3A_1098 {strides = array<i32>} : memref<32x16xf32, #tpu.memory_space<vmem>>, vector<16xf32>,
      %get3A_1103 = arith.constant 0 : index
      %get3A_1104 = tpu.vector_load %arg13[%get3A_1103] {strides = array<i32>} : memref<128xi32, #tpu.memory_space<vmem>>, vector<16xi32>,
      %eq3A_1105 = arith.constant 1 : i32
      %eq3A_1106 = vector.broadcast %eq3A_1105 : i32 to vector<16xi32>
      %eq3A_1107 = arith.cmpi eq, %iota3A, %eq3A_1106 : vector<16xi32>
      %jit3A_1108 = arith.constant 0 : i32
      %broadcast_in_dim3A_1109 = vector.broadcast %jit3A_1108 : i32 to vector<16xi32>
      %select_n3A_1110 = arith.select %eq3A_1107, %get3A_1104, %broadcast_in_dim3A_1109 : vector<16xi1>, vector<16xi32>
      %reduce_sum3A_1111 = arith.constant true
      %reduce_sum3A_1112 = vector.broadcast %reduce_sum3A_1111 : i1 to vector<16xi1>
      %reduce_sum3A_1113 = tpu.scan <sum>, %select_n3A_1110 masked %reduce_sum3A_1112 : vector<16xi32>, vector<16xi1> -> vector<16xi32>
      %reduce_sum3A_1114 = vector.extract %reduce_sum3A_1113[15] : i32 from vector<16xi32>
      %and3A_1115 = arith.constant 7 : i32
      %and3A_1116 = arith.andi %reduce_sum3A_1114, %and3A_1115 : i32
      %mul3A_1117 = arith.constant 16 : i32
      %mul3A_1118 = arith.muli %and3A_1116, %mul3A_1117 : i32
      %broadcast_in_dim3A_1119 = vector.broadcast %mul3A_1118 : i32 to vector<16xi32>
      %add3A_1120 = arith.addi %broadcast_in_dim3A_1119, %iota3A : vector<16xi32>
      %broadcast_in_dim3A_1121 = arith.constant 1 : i32
      %broadcast_in_dim3A_1122 = vector.broadcast %broadcast_in_dim3A_1121 : i32 to vector<16xi32>
      %gather3A_1123 = tpu.vector_load_idx %arg15[%broadcast_in_dim3A_1122, %add3A_1120] : memref<32x128xf32, #tpu.memory_space<vmem>>[vector<16xi32>, vector<16xi32>], vector<16xf32>,
      %sub3A_1124 = arith.subf %gather3A_1123, %get3A_1076 : vector<16xf32>
      %swap3A_1125 = arith.constant 1 : i32
      %swap3A_1126 = arith.index_cast %swap3A_1125 : i32 to index
      %swap3A_1127 = arith.constant 0 : index
      %swap3A_1128 = tpu.vector_load %arg16[%swap3A_1126, %swap3A_1127] {strides = array<i32>} : memref<32x16xf32, #tpu.memory_space<vmem>>, vector<16xf32>,
      tpu.vector_store %arg16[%swap3A_1126, %swap3A_1127], %sub3A_1124 {strides = array<i32>} : memref<32x16xf32, #tpu.memory_space<vmem>>, vector<16xf32>,
      %get3A_1129 = arith.constant 0 : index
      %get3A_1130 = tpu.vector_load %arg13[%get3A_1129] {strides = array<i32>} : memref<128xi32, #tpu.memory_space<vmem>>, vector<16xi32>,
      %eq3A_1131 = arith.constant 2 : i32
      %eq3A_1132 = vector.broadcast %eq3A_1131 : i32 to vector<16xi32>
      %eq3A_1133 = arith.cmpi eq, %iota3A, %eq3A_1132 : vector<16xi32>
      %jit3A_1134 = arith.constant 0 : i32
      %broadcast_in_dim3A_1135 = vector.broadcast %jit3A_1134 : i32 to vector<16xi32>
      %select_n3A_1136 = arith.select %eq3A_1133, %get3A_1130, %broadcast_in_dim3A_1135 : vector<16xi1>, vector<16xi32>
      %reduce_sum3A_1137 = arith.constant true
      %reduce_sum3A_1138 = vector.broadcast %reduce_sum3A_1137 : i1 to vector<16xi1>
      %reduce_sum3A_1139 = tpu.scan <sum>, %select_n3A_1136 masked %reduce_sum3A_1138 : vector<16xi32>, vector<16xi1> -> vector<16xi32>
      %reduce_sum3A_1140 = vector.extract %reduce_sum3A_1139[15] : i32 from vector<16xi32>
      %and3A_1141 = arith.constant 7 : i32
      %and3A_1142 = arith.andi %reduce_sum3A_1140, %and3A_1141 : i32
      %mul3A_1143 = arith.constant 16 : i32
      %mul3A_1144 = arith.muli %and3A_1142, %mul3A_1143 : i32
      %broadcast_in_dim3A_1145 = vector.broadcast %mul3A_1144 : i32 to vector<16xi32>
      %add3A_1146 = arith.addi %broadcast_in_dim3A_1145, %iota3A : vector<16xi32>
      %broadcast_in_dim3A_1147 = arith.constant 2 : i32
      %broadcast_in_dim3A_1148 = vector.broadcast %broadcast_in_dim3A_1147 : i32 to vector<16xi32>
      %gather3A_1149 = tpu.vector_load_idx %arg15[%broadcast_in_dim3A_1148, %add3A_1146] : memref<32x128xf32, #tpu.memory_space<vmem>>[vector<16xi32>, vector<16xi32>], vector<16xf32>,
      %sub3A_1150 = arith.subf %gather3A_1149, %get3A_1076 : vector<16xf32>
      %swap3A_1151 = arith.constant 2 : i32
      %swap3A_1152 = arith.index_cast %swap3A_1151 : i32 to index
      %swap3A_1153 = arith.constant 0 : index
      %swap3A_1154 = tpu.vector_load %arg16[%swap3A_1152, %swap3A_1153] {strides = array<i32>} : memref<32x16xf32, #tpu.memory_space<vmem>>, vector<16xf32>,
      tpu.vector_store %arg16[%swap3A_1152, %swap3A_1153], %sub3A_1150 {strides = array<i32>} : memref<32x16xf32, #tpu.memory_space<vmem>>, vector<16xf32>,
      %get3A_1155 = arith.constant 0 : index
      %get3A_1156 = tpu.vector_load %arg13[%get3A_1155] {strides = array<i32>} : memref<128xi32, #tpu.memory_space<vmem>>, vector<16xi32>,
      %eq3A_1157 = arith.constant 3 : i32
      %eq3A_1158 = vector.broadcast %eq3A_1157 : i32 to vector<16xi32>
      %eq3A_1159 = arith.cmpi eq, %iota3A, %eq3A_1158 : vector<16xi32>
      %jit3A_1160 = arith.constant 0 : i32
      %broadcast_in_dim3A_1161 = vector.broadcast %jit3A_1160 : i32 to vector<16xi32>
      %select_n3A_1162 = arith.select %eq3A_1159, %get3A_1156, %broadcast_in_dim3A_1161 : vector<16xi1>, vector<16xi32>
      %reduce_sum3A_1163 = arith.constant true
      %reduce_sum3A_1164 = vector.broadcast %reduce_sum3A_1163 : i1 to vector<16xi1>
      %reduce_sum3A_1165 = tpu.scan <sum>, %select_n3A_1162 masked %reduce_sum3A_1164 : vector<16xi32>, vector<16xi1> -> vector<16xi32>
      %reduce_sum3A_1166 = vector.extract %reduce_sum3A_1165[15] : i32 from vector<16xi32>
      %and3A_1167 = arith.constant 7 : i32
      %and3A_1168 = arith.andi %reduce_sum3A_1166, %and3A_1167 : i32
      %mul3A_1169 = arith.constant 16 : i32
      %mul3A_1170 = arith.muli %and3A_1168, %mul3A_1169 : i32
      %broadcast_in_dim3A_1171 = vector.broadcast %mul3A_1170 : i32 to vector<16xi32>
      %add3A_1172 = arith.addi %broadcast_in_dim3A_1171, %iota3A : vector<16xi32>
      %broadcast_in_dim3A_1173 = arith.constant 3 : i32
      %broadcast_in_dim3A_1174 = vector.broadcast %broadcast_in_dim3A_1173 : i32 to vector<16xi32>
      %gather3A_1175 = tpu.vector_load_idx %arg15[%broadcast_in_dim3A_1174, %add3A_1172] : memref<32x128xf32, #tpu.memory_space<vmem>>[vector<16xi32>, vector<16xi32>], vector<16xf32>,
      %sub3A_1176 = arith.subf %gather3A_1175, %get3A_1076 : vector<16xf32>
      %swap3A_1177 = arith.constant 3 : i32
      %swap3A_1178 = arith.index_cast %swap3A_1177 : i32 to index
      %swap3A_1179 = arith.constant 0 : index
      %swap3A_1180 = tpu.vector_load %arg16[%swap3A_1178, %swap3A_1179] {strides = array<i32>} : memref<32x16xf32, #tpu.memory_space<vmem>>, vector<16xf32>,
      tpu.vector_store %arg16[%swap3A_1178, %swap3A_1179], %sub3A_1176 {strides = array<i32>} : memref<32x16xf32, #tpu.memory_space<vmem>>, vector<16xf32>,
      %get3A_1181 = arith.constant 0 : index
      %get3A_1182 = tpu.vector_load %arg13[%get3A_1181] {strides = array<i32>} : memref<128xi32, #tpu.memory_space<vmem>>, vector<16xi32>,
      %eq3A_1183 = arith.constant 4 : i32
      %eq3A_1184 = vector.broadcast %eq3A_1183 : i32 to vector<16xi32>
      %eq3A_1185 = arith.cmpi eq, %iota3A, %eq3A_1184 : vector<16xi32>
      %jit3A_1186 = arith.constant 0 : i32
      %broadcast_in_dim3A_1187 = vector.broadcast %jit3A_1186 : i32 to vector<16xi32>
      %select_n3A_1188 = arith.select %eq3A_1185, %get3A_1182, %broadcast_in_dim3A_1187 : vector<16xi1>, vector<16xi32>
      %reduce_sum3A_1189 = arith.constant true
      %reduce_sum3A_1190 = vector.broadcast %reduce_sum3A_1189 : i1 to vector<16xi1>
      %reduce_sum3A_1191 = tpu.scan <sum>, %select_n3A_1188 masked %reduce_sum3A_1190 : vector<16xi32>, vector<16xi1> -> vector<16xi32>
      %reduce_sum3A_1192 = vector.extract %reduce_sum3A_1191[15] : i32 from vector<16xi32>
      %and3A_1193 = arith.constant 7 : i32
      %and3A_1194 = arith.andi %reduce_sum3A_1192, %and3A_1193 : i32
      %mul3A_1195 = arith.constant 16 : i32
      %mul3A_1196 = arith.muli %and3A_1194, %mul3A_1195 : i32
      %broadcast_in_dim3A_1197 = vector.broadcast %mul3A_1196 : i32 to vector<16xi32>
      %add3A_1198 = arith.addi %broadcast_in_dim3A_1197, %iota3A : vector<16xi32>
      %broadcast_in_dim3A_1199 = arith.constant 4 : i32
      %broadcast_in_dim3A_1200 = vector.broadcast %broadcast_in_dim3A_1199 : i32 to vector<16xi32>
      %gather3A_1201 = tpu.vector_load_idx %arg15[%broadcast_in_dim3A_1200, %add3A_1198] : memref<32x128xf32, #tpu.memory_space<vmem>>[vector<16xi32>, vector<16xi32>], vector<16xf32>,
      %sub3A_1202 = arith.subf %gather3A_1201, %get3A_1076 : vector<16xf32>
      %swap3A_1203 = arith.constant 4 : i32
      %swap3A_1204 = arith.index_cast %swap3A_1203 : i32 to index
      %swap3A_1205 = arith.constant 0 : index
      %swap3A_1206 = tpu.vector_load %arg16[%swap3A_1204, %swap3A_1205] {strides = array<i32>} : memref<32x16xf32, #tpu.memory_space<vmem>>, vector<16xf32>,
      tpu.vector_store %arg16[%swap3A_1204, %swap3A_1205], %sub3A_1202 {strides = array<i32>} : memref<32x16xf32, #tpu.memory_space<vmem>>, vector<16xf32>,
      %get3A_1207 = arith.constant 0 : index
      %get3A_1208 = tpu.vector_load %arg13[%get3A_1207] {strides = array<i32>} : memref<128xi32, #tpu.memory_space<vmem>>, vector<16xi32>,
      %eq3A_1209 = arith.constant 5 : i32
      %eq3A_1210 = vector.broadcast %eq3A_1209 : i32 to vector<16xi32>
      %eq3A_1211 = arith.cmpi eq, %iota3A, %eq3A_1210 : vector<16xi32>
      %jit3A_1212 = arith.constant 0 : i32
      %broadcast_in_dim3A_1213 = vector.broadcast %jit3A_1212 : i32 to vector<16xi32>
      %select_n3A_1214 = arith.select %eq3A_1211, %get3A_1208, %broadcast_in_dim3A_1213 : vector<16xi1>, vector<16xi32>
      %reduce_sum3A_1215 = arith.constant true
      %reduce_sum3A_1216 = vector.broadcast %reduce_sum3A_1215 : i1 to vector<16xi1>
      %reduce_sum3A_1217 = tpu.scan <sum>, %select_n3A_1214 masked %reduce_sum3A_1216 : vector<16xi32>, vector<16xi1> -> vector<16xi32>
      %reduce_sum3A_1218 = vector.extract %reduce_sum3A_1217[15] : i32 from vector<16xi32>
      %and3A_1219 = arith.constant 7 : i32
      %and3A_1220 = arith.andi %reduce_sum3A_1218, %and3A_1219 : i32
      %mul3A_1221 = arith.constant 16 : i32
      %mul3A_1222 = arith.muli %and3A_1220, %mul3A_1221 : i32
      %broadcast_in_dim3A_1223 = vector.broadcast %mul3A_1222 : i32 to vector<16xi32>
      %add3A_1224 = arith.addi %broadcast_in_dim3A_1223, %iota3A : vector<16xi32>
      %broadcast_in_dim3A_1225 = arith.constant 5 : i32
      %broadcast_in_dim3A_1226 = vector.broadcast %broadcast_in_dim3A_1225 : i32 to vector<16xi32>
      %gather3A_1227 = tpu.vector_load_idx %arg15[%broadcast_in_dim3A_1226, %add3A_1224] : memref<32x128xf32, #tpu.memory_space<vmem>>[vector<16xi32>, vector<16xi32>], vector<16xf32>,
      %sub3A_1228 = arith.subf %gather3A_1227, %get3A_1076 : vector<16xf32>
      %swap3A_1229 = arith.constant 5 : i32
      %swap3A_1230 = arith.index_cast %swap3A_1229 : i32 to index
      %swap3A_1231 = arith.constant 0 : index
      %swap3A_1232 = tpu.vector_load %arg16[%swap3A_1230, %swap3A_1231] {strides = array<i32>} : memref<32x16xf32, #tpu.memory_space<vmem>>, vector<16xf32>,
      tpu.vector_store %arg16[%swap3A_1230, %swap3A_1231], %sub3A_1228 {strides = array<i32>} : memref<32x16xf32, #tpu.memory_space<vmem>>, vector<16xf32>,
      %get3A_1233 = arith.constant 0 : index
      %get3A_1234 = tpu.vector_load %arg13[%get3A_1233] {strides = array<i32>} : memref<128xi32, #tpu.memory_space<vmem>>, vector<16xi32>,
      %eq3A_1235 = arith.constant 6 : i32
      %eq3A_1236 = vector.broadcast %eq3A_1235 : i32 to vector<16xi32>
      %eq3A_1237 = arith.cmpi eq, %iota3A, %eq3A_1236 : vector<16xi32>
      %jit3A_1238 = arith.constant 0 : i32
      %broadcast_in_dim3A_1239 = vector.broadcast %jit3A_1238 : i32 to vector<16xi32>
      %select_n3A_1240 = arith.select %eq3A_1237, %get3A_1234, %broadcast_in_dim3A_1239 : vector<16xi1>, vector<16xi32>
      %reduce_sum3A_1241 = arith.constant true
      %reduce_sum3A_1242 = vector.broadcast %reduce_sum3A_1241 : i1 to vector<16xi1>
      %reduce_sum3A_1243 = tpu.scan <sum>, %select_n3A_1240 masked %reduce_sum3A_1242 : vector<16xi32>, vector<16xi1> -> vector<16xi32>
      %reduce_sum3A_1244 = vector.extract %reduce_sum3A_1243[15] : i32 from vector<16xi32>
      %and3A_1245 = arith.constant 7 : i32
      %and3A_1246 = arith.andi %reduce_sum3A_1244, %and3A_1245 : i32
      %mul3A_1247 = arith.constant 16 : i32
      %mul3A_1248 = arith.muli %and3A_1246, %mul3A_1247 : i32
      %broadcast_in_dim3A_1249 = vector.broadcast %mul3A_1248 : i32 to vector<16xi32>
      %add3A_1250 = arith.addi %broadcast_in_dim3A_1249, %iota3A : vector<16xi32>
      %broadcast_in_dim3A_1251 = arith.constant 6 : i32
      %broadcast_in_dim3A_1252 = vector.broadcast %broadcast_in_dim3A_1251 : i32 to vector<16xi32>
      %gather3A_1253 = tpu.vector_load_idx %arg15[%broadcast_in_dim3A_1252, %add3A_1250] : memref<32x128xf32, #tpu.memory_space<vmem>>[vector<16xi32>, vector<16xi32>], vector<16xf32>,
      %sub3A_1254 = arith.subf %gather3A_1253, %get3A_1076 : vector<16xf32>
      %swap3A_1255 = arith.constant 6 : i32
      %swap3A_1256 = arith.index_cast %swap3A_1255 : i32 to index
      %swap3A_1257 = arith.constant 0 : index
      %swap3A_1258 = tpu.vector_load %arg16[%swap3A_1256, %swap3A_1257] {strides = array<i32>} : memref<32x16xf32, #tpu.memory_space<vmem>>, vector<16xf32>,
      tpu.vector_store %arg16[%swap3A_1256, %swap3A_1257], %sub3A_1254 {strides = array<i32>} : memref<32x16xf32, #tpu.memory_space<vmem>>, vector<16xf32>,
      %get3A_1259 = arith.constant 0 : index
      %get3A_1260 = tpu.vector_load %arg13[%get3A_1259] {strides = array<i32>} : memref<128xi32, #tpu.memory_space<vmem>>, vector<16xi32>,
      %eq3A_1261 = arith.constant 7 : i32
      %eq3A_1262 = vector.broadcast %eq3A_1261 : i32 to vector<16xi32>
      %eq3A_1263 = arith.cmpi eq, %iota3A, %eq3A_1262 : vector<16xi32>
      %jit3A_1264 = arith.constant 0 : i32
      %broadcast_in_dim3A_1265 = vector.broadcast %jit3A_1264 : i32 to vector<16xi32>
      %select_n3A_1266 = arith.select %eq3A_1263, %get3A_1260, %broadcast_in_dim3A_1265 : vector<16xi1>, vector<16xi32>
      %reduce_sum3A_1267 = arith.constant true
      %reduce_sum3A_1268 = vector.broadcast %reduce_sum3A_1267 : i1 to vector<16xi1>
      %reduce_sum3A_1269 = tpu.scan <sum>, %select_n3A_1266 masked %reduce_sum3A_1268 : vector<16xi32>, vector<16xi1> -> vector<16xi32>
      %reduce_sum3A_1270 = vector.extract %reduce_sum3A_1269[15] : i32 from vector<16xi32>
      %and3A_1271 = arith.constant 7 : i32
      %and3A_1272 = arith.andi %reduce_sum3A_1270, %and3A_1271 : i32
      %mul3A_1273 = arith.constant 16 : i32
      %mul3A_1274 = arith.muli %and3A_1272, %mul3A_1273 : i32
      %broadcast_in_dim3A_1275 = vector.broadcast %mul3A_1274 : i32 to vector<16xi32>
      %add3A_1276 = arith.addi %broadcast_in_dim3A_1275, %iota3A : vector<16xi32>
      %broadcast_in_dim3A_1277 = arith.constant 7 : i32
      %broadcast_in_dim3A_1278 = vector.broadcast %broadcast_in_dim3A_1277 : i32 to vector<16xi32>
      %gather3A_1279 = tpu.vector_load_idx %arg15[%broadcast_in_dim3A_1278, %add3A_1276] : memref<32x128xf32, #tpu.memory_space<vmem>>[vector<16xi32>, vector<16xi32>], vector<16xf32>,
      %sub3A_1280 = arith.subf %gather3A_1279, %get3A_1076 : vector<16xf32>
      %swap3A_1281 = arith.constant 7 : i32
      %swap3A_1282 = arith.index_cast %swap3A_1281 : i32 to index
      %swap3A_1283 = arith.constant 0 : index
      %swap3A_1284 = tpu.vector_load %arg16[%swap3A_1282, %swap3A_1283] {strides = array<i32>} : memref<32x16xf32, #tpu.memory_space<vmem>>, vector<16xf32>,
      tpu.vector_store %arg16[%swap3A_1282, %swap3A_1283], %sub3A_1280 {strides = array<i32>} : memref<32x16xf32, #tpu.memory_space<vmem>>, vector<16xf32>,
      %get3A_1285 = arith.constant 0 : index
      %get3A_1286 = tpu.vector_load %arg13[%get3A_1285] {strides = array<i32>} : memref<128xi32, #tpu.memory_space<vmem>>, vector<16xi32>,
      %eq3A_1287 = arith.constant 8 : i32
      %eq3A_1288 = vector.broadcast %eq3A_1287 : i32 to vector<16xi32>
      %eq3A_1289 = arith.cmpi eq, %iota3A, %eq3A_1288 : vector<16xi32>
      %jit3A_1290 = arith.constant 0 : i32
      %broadcast_in_dim3A_1291 = vector.broadcast %jit3A_1290 : i32 to vector<16xi32>
      %select_n3A_1292 = arith.select %eq3A_1289, %get3A_1286, %broadcast_in_dim3A_1291 : vector<16xi1>, vector<16xi32>
      %reduce_sum3A_1293 = arith.constant true
      %reduce_sum3A_1294 = vector.broadcast %reduce_sum3A_1293 : i1 to vector<16xi1>
      %reduce_sum3A_1295 = tpu.scan <sum>, %select_n3A_1292 masked %reduce_sum3A_1294 : vector<16xi32>, vector<16xi1> -> vector<16xi32>
      %reduce_sum3A_1296 = vector.extract %reduce_sum3A_1295[15] : i32 from vector<16xi32>
      %and3A_1297 = arith.constant 7 : i32
      %and3A_1298 = arith.andi %reduce_sum3A_1296, %and3A_1297 : i32
      %mul3A_1299 = arith.constant 16 : i32
      %mul3A_1300 = arith.muli %and3A_1298, %mul3A_1299 : i32
      %broadcast_in_dim3A_1301 = vector.broadcast %mul3A_1300 : i32 to vector<16xi32>
      %add3A_1302 = arith.addi %broadcast_in_dim3A_1301, %iota3A : vector<16xi32>
      %broadcast_in_dim3A_1303 = arith.constant 8 : i32
      %broadcast_in_dim3A_1304 = vector.broadcast %broadcast_in_dim3A_1303 : i32 to vector<16xi32>
      %gather3A_1305 = tpu.vector_load_idx %arg15[%broadcast_in_dim3A_1304, %add3A_1302] : memref<32x128xf32, #tpu.memory_space<vmem>>[vector<16xi32>, vector<16xi32>], vector<16xf32>,
      %sub3A_1306 = arith.subf %gather3A_1305, %get3A_1076 : vector<16xf32>
      %swap3A_1307 = arith.constant 8 : i32
      %swap3A_1308 = arith.index_cast %swap3A_1307 : i32 to index
      %swap3A_1309 = arith.constant 0 : index
      %swap3A_1310 = tpu.vector_load %arg16[%swap3A_1308, %swap3A_1309] {strides = array<i32>} : memref<32x16xf32, #tpu.memory_space<vmem>>, vector<16xf32>,
      tpu.vector_store %arg16[%swap3A_1308, %swap3A_1309], %sub3A_1306 {strides = array<i32>} : memref<32x16xf32, #tpu.memory_space<vmem>>, vector<16xf32>,
      %get3A_1311 = arith.constant 0 : index
      %get3A_1312 = tpu.vector_load %arg13[%get3A_1311] {strides = array<i32>} : memref<128xi32, #tpu.memory_space<vmem>>, vector<16xi32>,
      %eq3A_1313 = arith.constant 9 : i32
      %eq3A_1314 = vector.broadcast %eq3A_1313 : i32 to vector<16xi32>
      %eq3A_1315 = arith.cmpi eq, %iota3A, %eq3A_1314 : vector<16xi32>
      %jit3A_1316 = arith.constant 0 : i32
      %broadcast_in_dim3A_1317 = vector.broadcast %jit3A_1316 : i32 to vector<16xi32>
      %select_n3A_1318 = arith.select %eq3A_1315, %get3A_1312, %broadcast_in_dim3A_1317 : vector<16xi1>, vector<16xi32>
      %reduce_sum3A_1319 = arith.constant true
      %reduce_sum3A_1320 = vector.broadcast %reduce_sum3A_1319 : i1 to vector<16xi1>
      %reduce_sum3A_1321 = tpu.scan <sum>, %select_n3A_1318 masked %reduce_sum3A_1320 : vector<16xi32>, vector<16xi1> -> vector<16xi32>
      %reduce_sum3A_1322 = vector.extract %reduce_sum3A_1321[15] : i32 from vector<16xi32>
      %and3A_1323 = arith.constant 7 : i32
      %and3A_1324 = arith.andi %reduce_sum3A_1322, %and3A_1323 : i32
      %mul3A_1325 = arith.constant 16 : i32
      %mul3A_1326 = arith.muli %and3A_1324, %mul3A_1325 : i32
      %broadcast_in_dim3A_1327 = vector.broadcast %mul3A_1326 : i32 to vector<16xi32>
      %add3A_1328 = arith.addi %broadcast_in_dim3A_1327, %iota3A : vector<16xi32>
      %broadcast_in_dim3A_1329 = arith.constant 9 : i32
      %broadcast_in_dim3A_1330 = vector.broadcast %broadcast_in_dim3A_1329 : i32 to vector<16xi32>
      %gather3A_1331 = tpu.vector_load_idx %arg15[%broadcast_in_dim3A_1330, %add3A_1328] : memref<32x128xf32, #tpu.memory_space<vmem>>[vector<16xi32>, vector<16xi32>], vector<16xf32>,
      %sub3A_1332 = arith.subf %gather3A_1331, %get3A_1076 : vector<16xf32>
      %swap3A_1333 = arith.constant 9 : i32
      %swap3A_1334 = arith.index_cast %swap3A_1333 : i32 to index
      %swap3A_1335 = arith.constant 0 : index
      %swap3A_1336 = tpu.vector_load %arg16[%swap3A_1334, %swap3A_1335] {strides = array<i32>} : memref<32x16xf32, #tpu.memory_space<vmem>>, vector<16xf32>,
      tpu.vector_store %arg16[%swap3A_1334, %swap3A_1335], %sub3A_1332 {strides = array<i32>} : memref<32x16xf32, #tpu.memory_space<vmem>>, vector<16xf32>,
      %get3A_1337 = arith.constant 0 : index
      %get3A_1338 = tpu.vector_load %arg13[%get3A_1337] {strides = array<i32>} : memref<128xi32, #tpu.memory_space<vmem>>, vector<16xi32>,
      %eq3A_1339 = arith.constant 10 : i32
      %eq3A_1340 = vector.broadcast %eq3A_1339 : i32 to vector<16xi32>
      %eq3A_1341 = arith.cmpi eq, %iota3A, %eq3A_1340 : vector<16xi32>
      %jit3A_1342 = arith.constant 0 : i32
      %broadcast_in_dim3A_1343 = vector.broadcast %jit3A_1342 : i32 to vector<16xi32>
      %select_n3A_1344 = arith.select %eq3A_1341, %get3A_1338, %broadcast_in_dim3A_1343 : vector<16xi1>, vector<16xi32>
      %reduce_sum3A_1345 = arith.constant true
      %reduce_sum3A_1346 = vector.broadcast %reduce_sum3A_1345 : i1 to vector<16xi1>
      %reduce_sum3A_1347 = tpu.scan <sum>, %select_n3A_1344 masked %reduce_sum3A_1346 : vector<16xi32>, vector<16xi1> -> vector<16xi32>
      %reduce_sum3A_1348 = vector.extract %reduce_sum3A_1347[15] : i32 from vector<16xi32>
      %and3A_1349 = arith.constant 7 : i32
      %and3A_1350 = arith.andi %reduce_sum3A_1348, %and3A_1349 : i32
      %mul3A_1351 = arith.constant 16 : i32
      %mul3A_1352 = arith.muli %and3A_1350, %mul3A_1351 : i32
      %broadcast_in_dim3A_1353 = vector.broadcast %mul3A_1352 : i32 to vector<16xi32>
      %add3A_1354 = arith.addi %broadcast_in_dim3A_1353, %iota3A : vector<16xi32>
      %broadcast_in_dim3A_1355 = arith.constant 10 : i32
      %broadcast_in_dim3A_1356 = vector.broadcast %broadcast_in_dim3A_1355 : i32 to vector<16xi32>
      %gather3A_1357 = tpu.vector_load_idx %arg15[%broadcast_in_dim3A_1356, %add3A_1354] : memref<32x128xf32, #tpu.memory_space<vmem>>[vector<16xi32>, vector<16xi32>], vector<16xf32>,
      %sub3A_1358 = arith.subf %gather3A_1357, %get3A_1076 : vector<16xf32>
      %swap3A_1359 = arith.constant 10 : i32
      %swap3A_1360 = arith.index_cast %swap3A_1359 : i32 to index
      %swap3A_1361 = arith.constant 0 : index
      %swap3A_1362 = tpu.vector_load %arg16[%swap3A_1360, %swap3A_1361] {strides = array<i32>} : memref<32x16xf32, #tpu.memory_space<vmem>>, vector<16xf32>,
      tpu.vector_store %arg16[%swap3A_1360, %swap3A_1361], %sub3A_1358 {strides = array<i32>} : memref<32x16xf32, #tpu.memory_space<vmem>>, vector<16xf32>,
      %get3A_1363 = arith.constant 0 : index
      %get3A_1364 = tpu.vector_load %arg13[%get3A_1363] {strides = array<i32>} : memref<128xi32, #tpu.memory_space<vmem>>, vector<16xi32>,
      %eq3A_1365 = arith.constant 11 : i32
      %eq3A_1366 = vector.broadcast %eq3A_1365 : i32 to vector<16xi32>
      %eq3A_1367 = arith.cmpi eq, %iota3A, %eq3A_1366 : vector<16xi32>
      %jit3A_1368 = arith.constant 0 : i32
      %broadcast_in_dim3A_1369 = vector.broadcast %jit3A_1368 : i32 to vector<16xi32>
      %select_n3A_1370 = arith.select %eq3A_1367, %get3A_1364, %broadcast_in_dim3A_1369 : vector<16xi1>, vector<16xi32>
      %reduce_sum3A_1371 = arith.constant true
      %reduce_sum3A_1372 = vector.broadcast %reduce_sum3A_1371 : i1 to vector<16xi1>
      %reduce_sum3A_1373 = tpu.scan <sum>, %select_n3A_1370 masked %reduce_sum3A_1372 : vector<16xi32>, vector<16xi1> -> vector<16xi32>
      %reduce_sum3A_1374 = vector.extract %reduce_sum3A_1373[15] : i32 from vector<16xi32>
      %and3A_1375 = arith.constant 7 : i32
      %and3A_1376 = arith.andi %reduce_sum3A_1374, %and3A_1375 : i32
      %mul3A_1377 = arith.constant 16 : i32
      %mul3A_1378 = arith.muli %and3A_1376, %mul3A_1377 : i32
      %broadcast_in_dim3A_1379 = vector.broadcast %mul3A_1378 : i32 to vector<16xi32>
      %add3A_1380 = arith.addi %broadcast_in_dim3A_1379, %iota3A : vector<16xi32>
      %broadcast_in_dim3A_1381 = arith.constant 11 : i32
      %broadcast_in_dim3A_1382 = vector.broadcast %broadcast_in_dim3A_1381 : i32 to vector<16xi32>
      %gather3A_1383 = tpu.vector_load_idx %arg15[%broadcast_in_dim3A_1382, %add3A_1380] : memref<32x128xf32, #tpu.memory_space<vmem>>[vector<16xi32>, vector<16xi32>], vector<16xf32>,
      %sub3A_1384 = arith.subf %gather3A_1383, %get3A_1076 : vector<16xf32>
      %swap3A_1385 = arith.constant 11 : i32
      %swap3A_1386 = arith.index_cast %swap3A_1385 : i32 to index
      %swap3A_1387 = arith.constant 0 : index
      %swap3A_1388 = tpu.vector_load %arg16[%swap3A_1386, %swap3A_1387] {strides = array<i32>} : memref<32x16xf32, #tpu.memory_space<vmem>>, vector<16xf32>,
      tpu.vector_store %arg16[%swap3A_1386, %swap3A_1387], %sub3A_1384 {strides = array<i32>} : memref<32x16xf32, #tpu.memory_space<vmem>>, vector<16xf32>,
      %get3A_1389 = arith.constant 0 : index
      %get3A_1390 = tpu.vector_load %arg13[%get3A_1389] {strides = array<i32>} : memref<128xi32, #tpu.memory_space<vmem>>, vector<16xi32>,
      %eq3A_1391 = arith.constant 12 : i32
      %eq3A_1392 = vector.broadcast %eq3A_1391 : i32 to vector<16xi32>
      %eq3A_1393 = arith.cmpi eq, %iota3A, %eq3A_1392 : vector<16xi32>
      %jit3A_1394 = arith.constant 0 : i32
      %broadcast_in_dim3A_1395 = vector.broadcast %jit3A_1394 : i32 to vector<16xi32>
      %select_n3A_1396 = arith.select %eq3A_1393, %get3A_1390, %broadcast_in_dim3A_1395 : vector<16xi1>, vector<16xi32>
      %reduce_sum3A_1397 = arith.constant true
      %reduce_sum3A_1398 = vector.broadcast %reduce_sum3A_1397 : i1 to vector<16xi1>
      %reduce_sum3A_1399 = tpu.scan <sum>, %select_n3A_1396 masked %reduce_sum3A_1398 : vector<16xi32>, vector<16xi1> -> vector<16xi32>
      %reduce_sum3A_1400 = vector.extract %reduce_sum3A_1399[15] : i32 from vector<16xi32>
      %and3A_1401 = arith.constant 7 : i32
      %and3A_1402 = arith.andi %reduce_sum3A_1400, %and3A_1401 : i32
      %mul3A_1403 = arith.constant 16 : i32
      %mul3A_1404 = arith.muli %and3A_1402, %mul3A_1403 : i32
      %broadcast_in_dim3A_1405 = vector.broadcast %mul3A_1404 : i32 to vector<16xi32>
      %add3A_1406 = arith.addi %broadcast_in_dim3A_1405, %iota3A : vector<16xi32>
      %broadcast_in_dim3A_1407 = arith.constant 12 : i32
      %broadcast_in_dim3A_1408 = vector.broadcast %broadcast_in_dim3A_1407 : i32 to vector<16xi32>
      %gather3A_1409 = tpu.vector_load_idx %arg15[%broadcast_in_dim3A_1408, %add3A_1406] : memref<32x128xf32, #tpu.memory_space<vmem>>[vector<16xi32>, vector<16xi32>], vector<16xf32>,
      %sub3A_1410 = arith.subf %gather3A_1409, %get3A_1076 : vector<16xf32>
      %swap3A_1411 = arith.constant 12 : i32
      %swap3A_1412 = arith.index_cast %swap3A_1411 : i32 to index
      %swap3A_1413 = arith.constant 0 : index
      %swap3A_1414 = tpu.vector_load %arg16[%swap3A_1412, %swap3A_1413] {strides = array<i32>} : memref<32x16xf32, #tpu.memory_space<vmem>>, vector<16xf32>,
      tpu.vector_store %arg16[%swap3A_1412, %swap3A_1413], %sub3A_1410 {strides = array<i32>} : memref<32x16xf32, #tpu.memory_space<vmem>>, vector<16xf32>,
      %get3A_1415 = arith.constant 0 : index
      %get3A_1416 = tpu.vector_load %arg13[%get3A_1415] {strides = array<i32>} : memref<128xi32, #tpu.memory_space<vmem>>, vector<16xi32>,
      %eq3A_1417 = arith.constant 13 : i32
      %eq3A_1418 = vector.broadcast %eq3A_1417 : i32 to vector<16xi32>
      %eq3A_1419 = arith.cmpi eq, %iota3A, %eq3A_1418 : vector<16xi32>
      %jit3A_1420 = arith.constant 0 : i32
      %broadcast_in_dim3A_1421 = vector.broadcast %jit3A_1420 : i32 to vector<16xi32>
      %select_n3A_1422 = arith.select %eq3A_1419, %get3A_1416, %broadcast_in_dim3A_1421 : vector<16xi1>, vector<16xi32>
      %reduce_sum3A_1423 = arith.constant true
      %reduce_sum3A_1424 = vector.broadcast %reduce_sum3A_1423 : i1 to vector<16xi1>
      %reduce_sum3A_1425 = tpu.scan <sum>, %select_n3A_1422 masked %reduce_sum3A_1424 : vector<16xi32>, vector<16xi1> -> vector<16xi32>
      %reduce_sum3A_1426 = vector.extract %reduce_sum3A_1425[15] : i32 from vector<16xi32>
      %and3A_1427 = arith.constant 7 : i32
      %and3A_1428 = arith.andi %reduce_sum3A_1426, %and3A_1427 : i32
      %mul3A_1429 = arith.constant 16 : i32
      %mul3A_1430 = arith.muli %and3A_1428, %mul3A_1429 : i32
      %broadcast_in_dim3A_1431 = vector.broadcast %mul3A_1430 : i32 to vector<16xi32>
      %add3A_1432 = arith.addi %broadcast_in_dim3A_1431, %iota3A : vector<16xi32>
      %broadcast_in_dim3A_1433 = arith.constant 13 : i32
      %broadcast_in_dim3A_1434 = vector.broadcast %broadcast_in_dim3A_1433 : i32 to vector<16xi32>
      %gather3A_1435 = tpu.vector_load_idx %arg15[%broadcast_in_dim3A_1434, %add3A_1432] : memref<32x128xf32, #tpu.memory_space<vmem>>[vector<16xi32>, vector<16xi32>], vector<16xf32>,
      %sub3A_1436 = arith.subf %gather3A_1435, %get3A_1076 : vector<16xf32>
      %swap3A_1437 = arith.constant 13 : i32
      %swap3A_1438 = arith.index_cast %swap3A_1437 : i32 to index
      %swap3A_1439 = arith.constant 0 : index
      %swap3A_1440 = tpu.vector_load %arg16[%swap3A_1438, %swap3A_1439] {strides = array<i32>} : memref<32x16xf32, #tpu.memory_space<vmem>>, vector<16xf32>,
      tpu.vector_store %arg16[%swap3A_1438, %swap3A_1439], %sub3A_1436 {strides = array<i32>} : memref<32x16xf32, #tpu.memory_space<vmem>>, vector<16xf32>,
      %get3A_1441 = arith.constant 0 : index
      %get3A_1442 = tpu.vector_load %arg13[%get3A_1441] {strides = array<i32>} : memref<128xi32, #tpu.memory_space<vmem>>, vector<16xi32>,
      %eq3A_1443 = arith.constant 14 : i32
      %eq3A_1444 = vector.broadcast %eq3A_1443 : i32 to vector<16xi32>
      %eq3A_1445 = arith.cmpi eq, %iota3A, %eq3A_1444 : vector<16xi32>
      %jit3A_1446 = arith.constant 0 : i32
      %broadcast_in_dim3A_1447 = vector.broadcast %jit3A_1446 : i32 to vector<16xi32>
      %select_n3A_1448 = arith.select %eq3A_1445, %get3A_1442, %broadcast_in_dim3A_1447 : vector<16xi1>, vector<16xi32>
      %reduce_sum3A_1449 = arith.constant true
      %reduce_sum3A_1450 = vector.broadcast %reduce_sum3A_1449 : i1 to vector<16xi1>
      %reduce_sum3A_1451 = tpu.scan <sum>, %select_n3A_1448 masked %reduce_sum3A_1450 : vector<16xi32>, vector<16xi1> -> vector<16xi32>
      %reduce_sum3A_1452 = vector.extract %reduce_sum3A_1451[15] : i32 from vector<16xi32>
      %and3A_1453 = arith.constant 7 : i32
      %and3A_1454 = arith.andi %reduce_sum3A_1452, %and3A_1453 : i32
      %mul3A_1455 = arith.constant 16 : i32
      %mul3A_1456 = arith.muli %and3A_1454, %mul3A_1455 : i32
      %broadcast_in_dim3A_1457 = vector.broadcast %mul3A_1456 : i32 to vector<16xi32>
      %add3A_1458 = arith.addi %broadcast_in_dim3A_1457, %iota3A : vector<16xi32>
      %broadcast_in_dim3A_1459 = arith.constant 14 : i32
      %broadcast_in_dim3A_1460 = vector.broadcast %broadcast_in_dim3A_1459 : i32 to vector<16xi32>
      %gather3A_1461 = tpu.vector_load_idx %arg15[%broadcast_in_dim3A_1460, %add3A_1458] : memref<32x128xf32, #tpu.memory_space<vmem>>[vector<16xi32>, vector<16xi32>], vector<16xf32>,
      %sub3A_1462 = arith.subf %gather3A_1461, %get3A_1076 : vector<16xf32>
      %swap3A_1463 = arith.constant 14 : i32
      %swap3A_1464 = arith.index_cast %swap3A_1463 : i32 to index
      %swap3A_1465 = arith.constant 0 : index
      %swap3A_1466 = tpu.vector_load %arg16[%swap3A_1464, %swap3A_1465] {strides = array<i32>} : memref<32x16xf32, #tpu.memory_space<vmem>>, vector<16xf32>,
      tpu.vector_store %arg16[%swap3A_1464, %swap3A_1465], %sub3A_1462 {strides = array<i32>} : memref<32x16xf32, #tpu.memory_space<vmem>>, vector<16xf32>,
      %get3A_1467 = arith.constant 0 : index
      %get3A_1468 = tpu.vector_load %arg13[%get3A_1467] {strides = array<i32>} : memref<128xi32, #tpu.memory_space<vmem>>, vector<16xi32>,
      %eq3A_1469 = arith.constant 15 : i32
      %eq3A_1470 = vector.broadcast %eq3A_1469 : i32 to vector<16xi32>
      %eq3A_1471 = arith.cmpi eq, %iota3A, %eq3A_1470 : vector<16xi32>
      %jit3A_1472 = arith.constant 0 : i32
      %broadcast_in_dim3A_1473 = vector.broadcast %jit3A_1472 : i32 to vector<16xi32>
      %select_n3A_1474 = arith.select %eq3A_1471, %get3A_1468, %broadcast_in_dim3A_1473 : vector<16xi1>, vector<16xi32>
      %reduce_sum3A_1475 = arith.constant true
      %reduce_sum3A_1476 = vector.broadcast %reduce_sum3A_1475 : i1 to vector<16xi1>
      %reduce_sum3A_1477 = tpu.scan <sum>, %select_n3A_1474 masked %reduce_sum3A_1476 : vector<16xi32>, vector<16xi1> -> vector<16xi32>
      %reduce_sum3A_1478 = vector.extract %reduce_sum3A_1477[15] : i32 from vector<16xi32>
      %and3A_1479 = arith.constant 7 : i32
      %and3A_1480 = arith.andi %reduce_sum3A_1478, %and3A_1479 : i32
      %mul3A_1481 = arith.constant 16 : i32
      %mul3A_1482 = arith.muli %and3A_1480, %mul3A_1481 : i32
      %broadcast_in_dim3A_1483 = vector.broadcast %mul3A_1482 : i32 to vector<16xi32>
      %add3A_1484 = arith.addi %broadcast_in_dim3A_1483, %iota3A : vector<16xi32>
      %broadcast_in_dim3A_1485 = arith.constant 15 : i32
      %broadcast_in_dim3A_1486 = vector.broadcast %broadcast_in_dim3A_1485 : i32 to vector<16xi32>
      %gather3A_1487 = tpu.vector_load_idx %arg15[%broadcast_in_dim3A_1486, %add3A_1484] : memref<32x128xf32, #tpu.memory_space<vmem>>[vector<16xi32>, vector<16xi32>], vector<16xf32>,
      %sub3A_1488 = arith.subf %gather3A_1487, %get3A_1076 : vector<16xf32>
      %swap3A_1489 = arith.constant 15 : i32
      %swap3A_1490 = arith.index_cast %swap3A_1489 : i32 to index
      %swap3A_1491 = arith.constant 0 : index
      %swap3A_1492 = tpu.vector_load %arg16[%swap3A_1490, %swap3A_1491] {strides = array<i32>} : memref<32x16xf32, #tpu.memory_space<vmem>>, vector<16xf32>,
      tpu.vector_store %arg16[%swap3A_1490, %swap3A_1491], %sub3A_1488 {strides = array<i32>} : memref<32x16xf32, #tpu.memory_space<vmem>>, vector<16xf32>,
      %get3A_1493 = arith.constant 16 : index
      %get3A_1494 = tpu.vector_load %arg13[%get3A_1493] {strides = array<i32>} : memref<128xi32, #tpu.memory_space<vmem>>, vector<16xi32>,
      %eq3A_1495 = arith.constant 0 : i32
      %eq3A_1496 = vector.broadcast %eq3A_1495 : i32 to vector<16xi32>
      %eq3A_1497 = arith.cmpi eq, %iota3A, %eq3A_1496 : vector<16xi32>
      %jit3A_1498 = arith.constant 0 : i32
      %broadcast_in_dim3A_1499 = vector.broadcast %jit3A_1498 : i32 to vector<16xi32>
      %select_n3A_1500 = arith.select %eq3A_1497, %get3A_1494, %broadcast_in_dim3A_1499 : vector<16xi1>, vector<16xi32>
      %reduce_sum3A_1501 = arith.constant true
      %reduce_sum3A_1502 = vector.broadcast %reduce_sum3A_1501 : i1 to vector<16xi1>
      %reduce_sum3A_1503 = tpu.scan <sum>, %select_n3A_1500 masked %reduce_sum3A_1502 : vector<16xi32>, vector<16xi1> -> vector<16xi32>
      %reduce_sum3A_1504 = vector.extract %reduce_sum3A_1503[15] : i32 from vector<16xi32>
      %and3A_1505 = arith.constant 7 : i32
      %and3A_1506 = arith.andi %reduce_sum3A_1504, %and3A_1505 : i32
      %mul3A_1507 = arith.constant 16 : i32
      %mul3A_1508 = arith.muli %and3A_1506, %mul3A_1507 : i32
      %broadcast_in_dim3A_1509 = vector.broadcast %mul3A_1508 : i32 to vector<16xi32>
      %add3A_1510 = arith.addi %broadcast_in_dim3A_1509, %iota3A : vector<16xi32>
      %broadcast_in_dim3A_1511 = arith.constant 16 : i32
      %broadcast_in_dim3A_1512 = vector.broadcast %broadcast_in_dim3A_1511 : i32 to vector<16xi32>
      %gather3A_1513 = tpu.vector_load_idx %arg15[%broadcast_in_dim3A_1512, %add3A_1510] : memref<32x128xf32, #tpu.memory_space<vmem>>[vector<16xi32>, vector<16xi32>], vector<16xf32>,
      %sub3A_1514 = arith.subf %gather3A_1513, %get3A_1076 : vector<16xf32>
      %swap3A_1515 = arith.constant 16 : i32
      %swap3A_1516 = arith.index_cast %swap3A_1515 : i32 to index
      %swap3A_1517 = arith.constant 0 : index
      %swap3A_1518 = tpu.vector_load %arg16[%swap3A_1516, %swap3A_1517] {strides = array<i32>} : memref<32x16xf32, #tpu.memory_space<vmem>>, vector<16xf32>,
      tpu.vector_store %arg16[%swap3A_1516, %swap3A_1517], %sub3A_1514 {strides = array<i32>} : memref<32x16xf32, #tpu.memory_space<vmem>>, vector<16xf32>,
      %get3A_1519 = arith.constant 16 : index
      %get3A_1520 = tpu.vector_load %arg13[%get3A_1519] {strides = array<i32>} : memref<128xi32, #tpu.memory_space<vmem>>, vector<16xi32>,
      %eq3A_1521 = arith.constant 1 : i32
      %eq3A_1522 = vector.broadcast %eq3A_1521 : i32 to vector<16xi32>
      %eq3A_1523 = arith.cmpi eq, %iota3A, %eq3A_1522 : vector<16xi32>
      %jit3A_1524 = arith.constant 0 : i32
      %broadcast_in_dim3A_1525 = vector.broadcast %jit3A_1524 : i32 to vector<16xi32>
      %select_n3A_1526 = arith.select %eq3A_1523, %get3A_1520, %broadcast_in_dim3A_1525 : vector<16xi1>, vector<16xi32>
      %reduce_sum3A_1527 = arith.constant true
      %reduce_sum3A_1528 = vector.broadcast %reduce_sum3A_1527 : i1 to vector<16xi1>
      %reduce_sum3A_1529 = tpu.scan <sum>, %select_n3A_1526 masked %reduce_sum3A_1528 : vector<16xi32>, vector<16xi1> -> vector<16xi32>
      %reduce_sum3A_1530 = vector.extract %reduce_sum3A_1529[15] : i32 from vector<16xi32>
      %and3A_1531 = arith.constant 7 : i32
      %and3A_1532 = arith.andi %reduce_sum3A_1530, %and3A_1531 : i32
      %mul3A_1533 = arith.constant 16 : i32
      %mul3A_1534 = arith.muli %and3A_1532, %mul3A_1533 : i32
      %broadcast_in_dim3A_1535 = vector.broadcast %mul3A_1534 : i32 to vector<16xi32>
      %add3A_1536 = arith.addi %broadcast_in_dim3A_1535, %iota3A : vector<16xi32>
      %broadcast_in_dim3A_1537 = arith.constant 17 : i32
      %broadcast_in_dim3A_1538 = vector.broadcast %broadcast_in_dim3A_1537 : i32 to vector<16xi32>
      %gather3A_1539 = tpu.vector_load_idx %arg15[%broadcast_in_dim3A_1538, %add3A_1536] : memref<32x128xf32, #tpu.memory_space<vmem>>[vector<16xi32>, vector<16xi32>], vector<16xf32>,
      %sub3A_1540 = arith.subf %gather3A_1539, %get3A_1076 : vector<16xf32>
      %swap3A_1541 = arith.constant 17 : i32
      %swap3A_1542 = arith.index_cast %swap3A_1541 : i32 to index
      %swap3A_1543 = arith.constant 0 : index
      %swap3A_1544 = tpu.vector_load %arg16[%swap3A_1542, %swap3A_1543] {strides = array<i32>} : memref<32x16xf32, #tpu.memory_space<vmem>>, vector<16xf32>,
      tpu.vector_store %arg16[%swap3A_1542, %swap3A_1543], %sub3A_1540 {strides = array<i32>} : memref<32x16xf32, #tpu.memory_space<vmem>>, vector<16xf32>,
      %get3A_1545 = arith.constant 16 : index
      %get3A_1546 = tpu.vector_load %arg13[%get3A_1545] {strides = array<i32>} : memref<128xi32, #tpu.memory_space<vmem>>, vector<16xi32>,
      %eq3A_1547 = arith.constant 2 : i32
      %eq3A_1548 = vector.broadcast %eq3A_1547 : i32 to vector<16xi32>
      %eq3A_1549 = arith.cmpi eq, %iota3A, %eq3A_1548 : vector<16xi32>
      %jit3A_1550 = arith.constant 0 : i32
      %broadcast_in_dim3A_1551 = vector.broadcast %jit3A_1550 : i32 to vector<16xi32>
      %select_n3A_1552 = arith.select %eq3A_1549, %get3A_1546, %broadcast_in_dim3A_1551 : vector<16xi1>, vector<16xi32>
      %reduce_sum3A_1553 = arith.constant true
      %reduce_sum3A_1554 = vector.broadcast %reduce_sum3A_1553 : i1 to vector<16xi1>
      %reduce_sum3A_1555 = tpu.scan <sum>, %select_n3A_1552 masked %reduce_sum3A_1554 : vector<16xi32>, vector<16xi1> -> vector<16xi32>
      %reduce_sum3A_1556 = vector.extract %reduce_sum3A_1555[15] : i32 from vector<16xi32>
      %and3A_1557 = arith.constant 7 : i32
      %and3A_1558 = arith.andi %reduce_sum3A_1556, %and3A_1557 : i32
      %mul3A_1559 = arith.constant 16 : i32
      %mul3A_1560 = arith.muli %and3A_1558, %mul3A_1559 : i32
      %broadcast_in_dim3A_1561 = vector.broadcast %mul3A_1560 : i32 to vector<16xi32>
      %add3A_1562 = arith.addi %broadcast_in_dim3A_1561, %iota3A : vector<16xi32>
      %broadcast_in_dim3A_1563 = arith.constant 18 : i32
      %broadcast_in_dim3A_1564 = vector.broadcast %broadcast_in_dim3A_1563 : i32 to vector<16xi32>
      %gather3A_1565 = tpu.vector_load_idx %arg15[%broadcast_in_dim3A_1564, %add3A_1562] : memref<32x128xf32, #tpu.memory_space<vmem>>[vector<16xi32>, vector<16xi32>], vector<16xf32>,
      %sub3A_1566 = arith.subf %gather3A_1565, %get3A_1076 : vector<16xf32>
      %swap3A_1567 = arith.constant 18 : i32
      %swap3A_1568 = arith.index_cast %swap3A_1567 : i32 to index
      %swap3A_1569 = arith.constant 0 : index
      %swap3A_1570 = tpu.vector_load %arg16[%swap3A_1568, %swap3A_1569] {strides = array<i32>} : memref<32x16xf32, #tpu.memory_space<vmem>>, vector<16xf32>,
      tpu.vector_store %arg16[%swap3A_1568, %swap3A_1569], %sub3A_1566 {strides = array<i32>} : memref<32x16xf32, #tpu.memory_space<vmem>>, vector<16xf32>,
      %get3A_1571 = arith.constant 16 : index
      %get3A_1572 = tpu.vector_load %arg13[%get3A_1571] {strides = array<i32>} : memref<128xi32, #tpu.memory_space<vmem>>, vector<16xi32>,
      %eq3A_1573 = arith.constant 3 : i32
      %eq3A_1574 = vector.broadcast %eq3A_1573 : i32 to vector<16xi32>
      %eq3A_1575 = arith.cmpi eq, %iota3A, %eq3A_1574 : vector<16xi32>
      %jit3A_1576 = arith.constant 0 : i32
      %broadcast_in_dim3A_1577 = vector.broadcast %jit3A_1576 : i32 to vector<16xi32>
      %select_n3A_1578 = arith.select %eq3A_1575, %get3A_1572, %broadcast_in_dim3A_1577 : vector<16xi1>, vector<16xi32>
      %reduce_sum3A_1579 = arith.constant true
      %reduce_sum3A_1580 = vector.broadcast %reduce_sum3A_1579 : i1 to vector<16xi1>
      %reduce_sum3A_1581 = tpu.scan <sum>, %select_n3A_1578 masked %reduce_sum3A_1580 : vector<16xi32>, vector<16xi1> -> vector<16xi32>
      %reduce_sum3A_1582 = vector.extract %reduce_sum3A_1581[15] : i32 from vector<16xi32>
      %and3A_1583 = arith.constant 7 : i32
      %and3A_1584 = arith.andi %reduce_sum3A_1582, %and3A_1583 : i32
      %mul3A_1585 = arith.constant 16 : i32
      %mul3A_1586 = arith.muli %and3A_1584, %mul3A_1585 : i32
      %broadcast_in_dim3A_1587 = vector.broadcast %mul3A_1586 : i32 to vector<16xi32>
      %add3A_1588 = arith.addi %broadcast_in_dim3A_1587, %iota3A : vector<16xi32>
      %broadcast_in_dim3A_1589 = arith.constant 19 : i32
      %broadcast_in_dim3A_1590 = vector.broadcast %broadcast_in_dim3A_1589 : i32 to vector<16xi32>
      %gather3A_1591 = tpu.vector_load_idx %arg15[%broadcast_in_dim3A_1590, %add3A_1588] : memref<32x128xf32, #tpu.memory_space<vmem>>[vector<16xi32>, vector<16xi32>], vector<16xf32>,
      %sub3A_1592 = arith.subf %gather3A_1591, %get3A_1076 : vector<16xf32>
      %swap3A_1593 = arith.constant 19 : i32
      %swap3A_1594 = arith.index_cast %swap3A_1593 : i32 to index
      %swap3A_1595 = arith.constant 0 : index
      %swap3A_1596 = tpu.vector_load %arg16[%swap3A_1594, %swap3A_1595] {strides = array<i32>} : memref<32x16xf32, #tpu.memory_space<vmem>>, vector<16xf32>,
      tpu.vector_store %arg16[%swap3A_1594, %swap3A_1595], %sub3A_1592 {strides = array<i32>} : memref<32x16xf32, #tpu.memory_space<vmem>>, vector<16xf32>,
      %get3A_1597 = arith.constant 16 : index
      %get3A_1598 = tpu.vector_load %arg13[%get3A_1597] {strides = array<i32>} : memref<128xi32, #tpu.memory_space<vmem>>, vector<16xi32>,
      %eq3A_1599 = arith.constant 4 : i32
      %eq3A_1600 = vector.broadcast %eq3A_1599 : i32 to vector<16xi32>
      %eq3A_1601 = arith.cmpi eq, %iota3A, %eq3A_1600 : vector<16xi32>
      %jit3A_1602 = arith.constant 0 : i32
      %broadcast_in_dim3A_1603 = vector.broadcast %jit3A_1602 : i32 to vector<16xi32>
      %select_n3A_1604 = arith.select %eq3A_1601, %get3A_1598, %broadcast_in_dim3A_1603 : vector<16xi1>, vector<16xi32>
      %reduce_sum3A_1605 = arith.constant true
      %reduce_sum3A_1606 = vector.broadcast %reduce_sum3A_1605 : i1 to vector<16xi1>
      %reduce_sum3A_1607 = tpu.scan <sum>, %select_n3A_1604 masked %reduce_sum3A_1606 : vector<16xi32>, vector<16xi1> -> vector<16xi32>
      %reduce_sum3A_1608 = vector.extract %reduce_sum3A_1607[15] : i32 from vector<16xi32>
      %and3A_1609 = arith.constant 7 : i32
      %and3A_1610 = arith.andi %reduce_sum3A_1608, %and3A_1609 : i32
      %mul3A_1611 = arith.constant 16 : i32
      %mul3A_1612 = arith.muli %and3A_1610, %mul3A_1611 : i32
      %broadcast_in_dim3A_1613 = vector.broadcast %mul3A_1612 : i32 to vector<16xi32>
      %add3A_1614 = arith.addi %broadcast_in_dim3A_1613, %iota3A : vector<16xi32>
      %broadcast_in_dim3A_1615 = arith.constant 20 : i32
      %broadcast_in_dim3A_1616 = vector.broadcast %broadcast_in_dim3A_1615 : i32 to vector<16xi32>
      %gather3A_1617 = tpu.vector_load_idx %arg15[%broadcast_in_dim3A_1616, %add3A_1614] : memref<32x128xf32, #tpu.memory_space<vmem>>[vector<16xi32>, vector<16xi32>], vector<16xf32>,
      %sub3A_1618 = arith.subf %gather3A_1617, %get3A_1076 : vector<16xf32>
      %swap3A_1619 = arith.constant 20 : i32
      %swap3A_1620 = arith.index_cast %swap3A_1619 : i32 to index
      %swap3A_1621 = arith.constant 0 : index
      %swap3A_1622 = tpu.vector_load %arg16[%swap3A_1620, %swap3A_1621] {strides = array<i32>} : memref<32x16xf32, #tpu.memory_space<vmem>>, vector<16xf32>,
      tpu.vector_store %arg16[%swap3A_1620, %swap3A_1621], %sub3A_1618 {strides = array<i32>} : memref<32x16xf32, #tpu.memory_space<vmem>>, vector<16xf32>,
      %get3A_1623 = arith.constant 16 : index
      %get3A_1624 = tpu.vector_load %arg13[%get3A_1623] {strides = array<i32>} : memref<128xi32, #tpu.memory_space<vmem>>, vector<16xi32>,
      %eq3A_1625 = arith.constant 5 : i32
      %eq3A_1626 = vector.broadcast %eq3A_1625 : i32 to vector<16xi32>
      %eq3A_1627 = arith.cmpi eq, %iota3A, %eq3A_1626 : vector<16xi32>
      %jit3A_1628 = arith.constant 0 : i32
      %broadcast_in_dim3A_1629 = vector.broadcast %jit3A_1628 : i32 to vector<16xi32>
      %select_n3A_1630 = arith.select %eq3A_1627, %get3A_1624, %broadcast_in_dim3A_1629 : vector<16xi1>, vector<16xi32>
      %reduce_sum3A_1631 = arith.constant true
      %reduce_sum3A_1632 = vector.broadcast %reduce_sum3A_1631 : i1 to vector<16xi1>
      %reduce_sum3A_1633 = tpu.scan <sum>, %select_n3A_1630 masked %reduce_sum3A_1632 : vector<16xi32>, vector<16xi1> -> vector<16xi32>
      %reduce_sum3A_1634 = vector.extract %reduce_sum3A_1633[15] : i32 from vector<16xi32>
      %and3A_1635 = arith.constant 7 : i32
      %and3A_1636 = arith.andi %reduce_sum3A_1634, %and3A_1635 : i32
      %mul3A_1637 = arith.constant 16 : i32
      %mul3A_1638 = arith.muli %and3A_1636, %mul3A_1637 : i32
      %broadcast_in_dim3A_1639 = vector.broadcast %mul3A_1638 : i32 to vector<16xi32>
      %add3A_1640 = arith.addi %broadcast_in_dim3A_1639, %iota3A : vector<16xi32>
      %broadcast_in_dim3A_1641 = arith.constant 21 : i32
      %broadcast_in_dim3A_1642 = vector.broadcast %broadcast_in_dim3A_1641 : i32 to vector<16xi32>
      %gather3A_1643 = tpu.vector_load_idx %arg15[%broadcast_in_dim3A_1642, %add3A_1640] : memref<32x128xf32, #tpu.memory_space<vmem>>[vector<16xi32>, vector<16xi32>], vector<16xf32>,
      %sub3A_1644 = arith.subf %gather3A_1643, %get3A_1076 : vector<16xf32>
      %swap3A_1645 = arith.constant 21 : i32
      %swap3A_1646 = arith.index_cast %swap3A_1645 : i32 to index
      %swap3A_1647 = arith.constant 0 : index
      %swap3A_1648 = tpu.vector_load %arg16[%swap3A_1646, %swap3A_1647] {strides = array<i32>} : memref<32x16xf32, #tpu.memory_space<vmem>>, vector<16xf32>,
      tpu.vector_store %arg16[%swap3A_1646, %swap3A_1647], %sub3A_1644 {strides = array<i32>} : memref<32x16xf32, #tpu.memory_space<vmem>>, vector<16xf32>,
      %get3A_1649 = arith.constant 16 : index
      %get3A_1650 = tpu.vector_load %arg13[%get3A_1649] {strides = array<i32>} : memref<128xi32, #tpu.memory_space<vmem>>, vector<16xi32>,
      %eq3A_1651 = arith.constant 6 : i32
      %eq3A_1652 = vector.broadcast %eq3A_1651 : i32 to vector<16xi32>
      %eq3A_1653 = arith.cmpi eq, %iota3A, %eq3A_1652 : vector<16xi32>
      %jit3A_1654 = arith.constant 0 : i32
      %broadcast_in_dim3A_1655 = vector.broadcast %jit3A_1654 : i32 to vector<16xi32>
      %select_n3A_1656 = arith.select %eq3A_1653, %get3A_1650, %broadcast_in_dim3A_1655 : vector<16xi1>, vector<16xi32>
      %reduce_sum3A_1657 = arith.constant true
      %reduce_sum3A_1658 = vector.broadcast %reduce_sum3A_1657 : i1 to vector<16xi1>
      %reduce_sum3A_1659 = tpu.scan <sum>, %select_n3A_1656 masked %reduce_sum3A_1658 : vector<16xi32>, vector<16xi1> -> vector<16xi32>
      %reduce_sum3A_1660 = vector.extract %reduce_sum3A_1659[15] : i32 from vector<16xi32>
      %and3A_1661 = arith.constant 7 : i32
      %and3A_1662 = arith.andi %reduce_sum3A_1660, %and3A_1661 : i32
      %mul3A_1663 = arith.constant 16 : i32
      %mul3A_1664 = arith.muli %and3A_1662, %mul3A_1663 : i32
      %broadcast_in_dim3A_1665 = vector.broadcast %mul3A_1664 : i32 to vector<16xi32>
      %add3A_1666 = arith.addi %broadcast_in_dim3A_1665, %iota3A : vector<16xi32>
      %broadcast_in_dim3A_1667 = arith.constant 22 : i32
      %broadcast_in_dim3A_1668 = vector.broadcast %broadcast_in_dim3A_1667 : i32 to vector<16xi32>
      %gather3A_1669 = tpu.vector_load_idx %arg15[%broadcast_in_dim3A_1668, %add3A_1666] : memref<32x128xf32, #tpu.memory_space<vmem>>[vector<16xi32>, vector<16xi32>], vector<16xf32>,
      %sub3A_1670 = arith.subf %gather3A_1669, %get3A_1076 : vector<16xf32>
      %swap3A_1671 = arith.constant 22 : i32
      %swap3A_1672 = arith.index_cast %swap3A_1671 : i32 to index
      %swap3A_1673 = arith.constant 0 : index
      %swap3A_1674 = tpu.vector_load %arg16[%swap3A_1672, %swap3A_1673] {strides = array<i32>} : memref<32x16xf32, #tpu.memory_space<vmem>>, vector<16xf32>,
      tpu.vector_store %arg16[%swap3A_1672, %swap3A_1673], %sub3A_1670 {strides = array<i32>} : memref<32x16xf32, #tpu.memory_space<vmem>>, vector<16xf32>,
      %get3A_1675 = arith.constant 16 : index
      %get3A_1676 = tpu.vector_load %arg13[%get3A_1675] {strides = array<i32>} : memref<128xi32, #tpu.memory_space<vmem>>, vector<16xi32>,
      %eq3A_1677 = arith.constant 7 : i32
      %eq3A_1678 = vector.broadcast %eq3A_1677 : i32 to vector<16xi32>
      %eq3A_1679 = arith.cmpi eq, %iota3A, %eq3A_1678 : vector<16xi32>
      %jit3A_1680 = arith.constant 0 : i32
      %broadcast_in_dim3A_1681 = vector.broadcast %jit3A_1680 : i32 to vector<16xi32>
      %select_n3A_1682 = arith.select %eq3A_1679, %get3A_1676, %broadcast_in_dim3A_1681 : vector<16xi1>, vector<16xi32>
      %reduce_sum3A_1683 = arith.constant true
      %reduce_sum3A_1684 = vector.broadcast %reduce_sum3A_1683 : i1 to vector<16xi1>
      %reduce_sum3A_1685 = tpu.scan <sum>, %select_n3A_1682 masked %reduce_sum3A_1684 : vector<16xi32>, vector<16xi1> -> vector<16xi32>
      %reduce_sum3A_1686 = vector.extract %reduce_sum3A_1685[15] : i32 from vector<16xi32>
      %and3A_1687 = arith.constant 7 : i32
      %and3A_1688 = arith.andi %reduce_sum3A_1686, %and3A_1687 : i32
      %mul3A_1689 = arith.constant 16 : i32
      %mul3A_1690 = arith.muli %and3A_1688, %mul3A_1689 : i32
      %broadcast_in_dim3A_1691 = vector.broadcast %mul3A_1690 : i32 to vector<16xi32>
      %add3A_1692 = arith.addi %broadcast_in_dim3A_1691, %iota3A : vector<16xi32>
      %broadcast_in_dim3A_1693 = arith.constant 23 : i32
      %broadcast_in_dim3A_1694 = vector.broadcast %broadcast_in_dim3A_1693 : i32 to vector<16xi32>
      %gather3A_1695 = tpu.vector_load_idx %arg15[%broadcast_in_dim3A_1694, %add3A_1692] : memref<32x128xf32, #tpu.memory_space<vmem>>[vector<16xi32>, vector<16xi32>], vector<16xf32>,
      %sub3A_1696 = arith.subf %gather3A_1695, %get3A_1076 : vector<16xf32>
      %swap3A_1697 = arith.constant 23 : i32
      %swap3A_1698 = arith.index_cast %swap3A_1697 : i32 to index
      %swap3A_1699 = arith.constant 0 : index
      %swap3A_1700 = tpu.vector_load %arg16[%swap3A_1698, %swap3A_1699] {strides = array<i32>} : memref<32x16xf32, #tpu.memory_space<vmem>>, vector<16xf32>,
      tpu.vector_store %arg16[%swap3A_1698, %swap3A_1699], %sub3A_1696 {strides = array<i32>} : memref<32x16xf32, #tpu.memory_space<vmem>>, vector<16xf32>,
      %get3A_1701 = arith.constant 16 : index
      %get3A_1702 = tpu.vector_load %arg13[%get3A_1701] {strides = array<i32>} : memref<128xi32, #tpu.memory_space<vmem>>, vector<16xi32>,
      %eq3A_1703 = arith.constant 8 : i32
      %eq3A_1704 = vector.broadcast %eq3A_1703 : i32 to vector<16xi32>
      %eq3A_1705 = arith.cmpi eq, %iota3A, %eq3A_1704 : vector<16xi32>
      %jit3A_1706 = arith.constant 0 : i32
      %broadcast_in_dim3A_1707 = vector.broadcast %jit3A_1706 : i32 to vector<16xi32>
      %select_n3A_1708 = arith.select %eq3A_1705, %get3A_1702, %broadcast_in_dim3A_1707 : vector<16xi1>, vector<16xi32>
      %reduce_sum3A_1709 = arith.constant true
      %reduce_sum3A_1710 = vector.broadcast %reduce_sum3A_1709 : i1 to vector<16xi1>
      %reduce_sum3A_1711 = tpu.scan <sum>, %select_n3A_1708 masked %reduce_sum3A_1710 : vector<16xi32>, vector<16xi1> -> vector<16xi32>
      %reduce_sum3A_1712 = vector.extract %reduce_sum3A_1711[15] : i32 from vector<16xi32>
      %and3A_1713 = arith.constant 7 : i32
      %and3A_1714 = arith.andi %reduce_sum3A_1712, %and3A_1713 : i32
      %mul3A_1715 = arith.constant 16 : i32
      %mul3A_1716 = arith.muli %and3A_1714, %mul3A_1715 : i32
      %broadcast_in_dim3A_1717 = vector.broadcast %mul3A_1716 : i32 to vector<16xi32>
      %add3A_1718 = arith.addi %broadcast_in_dim3A_1717, %iota3A : vector<16xi32>
      %broadcast_in_dim3A_1719 = arith.constant 24 : i32
      %broadcast_in_dim3A_1720 = vector.broadcast %broadcast_in_dim3A_1719 : i32 to vector<16xi32>
      %gather3A_1721 = tpu.vector_load_idx %arg15[%broadcast_in_dim3A_1720, %add3A_1718] : memref<32x128xf32, #tpu.memory_space<vmem>>[vector<16xi32>, vector<16xi32>], vector<16xf32>,
      %sub3A_1722 = arith.subf %gather3A_1721, %get3A_1076 : vector<16xf32>
      %swap3A_1723 = arith.constant 24 : i32
      %swap3A_1724 = arith.index_cast %swap3A_1723 : i32 to index
      %swap3A_1725 = arith.constant 0 : index
      %swap3A_1726 = tpu.vector_load %arg16[%swap3A_1724, %swap3A_1725] {strides = array<i32>} : memref<32x16xf32, #tpu.memory_space<vmem>>, vector<16xf32>,
      tpu.vector_store %arg16[%swap3A_1724, %swap3A_1725], %sub3A_1722 {strides = array<i32>} : memref<32x16xf32, #tpu.memory_space<vmem>>, vector<16xf32>,
      %get3A_1727 = arith.constant 16 : index
      %get3A_1728 = tpu.vector_load %arg13[%get3A_1727] {strides = array<i32>} : memref<128xi32, #tpu.memory_space<vmem>>, vector<16xi32>,
      %eq3A_1729 = arith.constant 9 : i32
      %eq3A_1730 = vector.broadcast %eq3A_1729 : i32 to vector<16xi32>
      %eq3A_1731 = arith.cmpi eq, %iota3A, %eq3A_1730 : vector<16xi32>
      %jit3A_1732 = arith.constant 0 : i32
      %broadcast_in_dim3A_1733 = vector.broadcast %jit3A_1732 : i32 to vector<16xi32>
      %select_n3A_1734 = arith.select %eq3A_1731, %get3A_1728, %broadcast_in_dim3A_1733 : vector<16xi1>, vector<16xi32>
      %reduce_sum3A_1735 = arith.constant true
      %reduce_sum3A_1736 = vector.broadcast %reduce_sum3A_1735 : i1 to vector<16xi1>
      %reduce_sum3A_1737 = tpu.scan <sum>, %select_n3A_1734 masked %reduce_sum3A_1736 : vector<16xi32>, vector<16xi1> -> vector<16xi32>
      %reduce_sum3A_1738 = vector.extract %reduce_sum3A_1737[15] : i32 from vector<16xi32>
      %and3A_1739 = arith.constant 7 : i32
      %and3A_1740 = arith.andi %reduce_sum3A_1738, %and3A_1739 : i32
      %mul3A_1741 = arith.constant 16 : i32
      %mul3A_1742 = arith.muli %and3A_1740, %mul3A_1741 : i32
      %broadcast_in_dim3A_1743 = vector.broadcast %mul3A_1742 : i32 to vector<16xi32>
      %add3A_1744 = arith.addi %broadcast_in_dim3A_1743, %iota3A : vector<16xi32>
      %broadcast_in_dim3A_1745 = arith.constant 25 : i32
      %broadcast_in_dim3A_1746 = vector.broadcast %broadcast_in_dim3A_1745 : i32 to vector<16xi32>
      %gather3A_1747 = tpu.vector_load_idx %arg15[%broadcast_in_dim3A_1746, %add3A_1744] : memref<32x128xf32, #tpu.memory_space<vmem>>[vector<16xi32>, vector<16xi32>], vector<16xf32>,
      %sub3A_1748 = arith.subf %gather3A_1747, %get3A_1076 : vector<16xf32>
      %swap3A_1749 = arith.constant 25 : i32
      %swap3A_1750 = arith.index_cast %swap3A_1749 : i32 to index
      %swap3A_1751 = arith.constant 0 : index
      %swap3A_1752 = tpu.vector_load %arg16[%swap3A_1750, %swap3A_1751] {strides = array<i32>} : memref<32x16xf32, #tpu.memory_space<vmem>>, vector<16xf32>,
      tpu.vector_store %arg16[%swap3A_1750, %swap3A_1751], %sub3A_1748 {strides = array<i32>} : memref<32x16xf32, #tpu.memory_space<vmem>>, vector<16xf32>,
      %get3A_1753 = arith.constant 16 : index
      %get3A_1754 = tpu.vector_load %arg13[%get3A_1753] {strides = array<i32>} : memref<128xi32, #tpu.memory_space<vmem>>, vector<16xi32>,
      %eq3A_1755 = arith.constant 10 : i32
      %eq3A_1756 = vector.broadcast %eq3A_1755 : i32 to vector<16xi32>
      %eq3A_1757 = arith.cmpi eq, %iota3A, %eq3A_1756 : vector<16xi32>
      %jit3A_1758 = arith.constant 0 : i32
      %broadcast_in_dim3A_1759 = vector.broadcast %jit3A_1758 : i32 to vector<16xi32>
      %select_n3A_1760 = arith.select %eq3A_1757, %get3A_1754, %broadcast_in_dim3A_1759 : vector<16xi1>, vector<16xi32>
      %reduce_sum3A_1761 = arith.constant true
      %reduce_sum3A_1762 = vector.broadcast %reduce_sum3A_1761 : i1 to vector<16xi1>
      %reduce_sum3A_1763 = tpu.scan <sum>, %select_n3A_1760 masked %reduce_sum3A_1762 : vector<16xi32>, vector<16xi1> -> vector<16xi32>
      %reduce_sum3A_1764 = vector.extract %reduce_sum3A_1763[15] : i32 from vector<16xi32>
      %and3A_1765 = arith.constant 7 : i32
      %and3A_1766 = arith.andi %reduce_sum3A_1764, %and3A_1765 : i32
      %mul3A_1767 = arith.constant 16 : i32
      %mul3A_1768 = arith.muli %and3A_1766, %mul3A_1767 : i32
      %broadcast_in_dim3A_1769 = vector.broadcast %mul3A_1768 : i32 to vector<16xi32>
      %add3A_1770 = arith.addi %broadcast_in_dim3A_1769, %iota3A : vector<16xi32>
      %broadcast_in_dim3A_1771 = arith.constant 26 : i32
      %broadcast_in_dim3A_1772 = vector.broadcast %broadcast_in_dim3A_1771 : i32 to vector<16xi32>
      %gather3A_1773 = tpu.vector_load_idx %arg15[%broadcast_in_dim3A_1772, %add3A_1770] : memref<32x128xf32, #tpu.memory_space<vmem>>[vector<16xi32>, vector<16xi32>], vector<16xf32>,
      %sub3A_1774 = arith.subf %gather3A_1773, %get3A_1076 : vector<16xf32>
      %swap3A_1775 = arith.constant 26 : i32
      %swap3A_1776 = arith.index_cast %swap3A_1775 : i32 to index
      %swap3A_1777 = arith.constant 0 : index
      %swap3A_1778 = tpu.vector_load %arg16[%swap3A_1776, %swap3A_1777] {strides = array<i32>} : memref<32x16xf32, #tpu.memory_space<vmem>>, vector<16xf32>,
      tpu.vector_store %arg16[%swap3A_1776, %swap3A_1777], %sub3A_1774 {strides = array<i32>} : memref<32x16xf32, #tpu.memory_space<vmem>>, vector<16xf32>,
      %get3A_1779 = arith.constant 16 : index
      %get3A_1780 = tpu.vector_load %arg13[%get3A_1779] {strides = array<i32>} : memref<128xi32, #tpu.memory_space<vmem>>, vector<16xi32>,
      %eq3A_1781 = arith.constant 11 : i32
      %eq3A_1782 = vector.broadcast %eq3A_1781 : i32 to vector<16xi32>
      %eq3A_1783 = arith.cmpi eq, %iota3A, %eq3A_1782 : vector<16xi32>
      %jit3A_1784 = arith.constant 0 : i32
      %broadcast_in_dim3A_1785 = vector.broadcast %jit3A_1784 : i32 to vector<16xi32>
      %select_n3A_1786 = arith.select %eq3A_1783, %get3A_1780, %broadcast_in_dim3A_1785 : vector<16xi1>, vector<16xi32>
      %reduce_sum3A_1787 = arith.constant true
      %reduce_sum3A_1788 = vector.broadcast %reduce_sum3A_1787 : i1 to vector<16xi1>
      %reduce_sum3A_1789 = tpu.scan <sum>, %select_n3A_1786 masked %reduce_sum3A_1788 : vector<16xi32>, vector<16xi1> -> vector<16xi32>
      %reduce_sum3A_1790 = vector.extract %reduce_sum3A_1789[15] : i32 from vector<16xi32>
      %and3A_1791 = arith.constant 7 : i32
      %and3A_1792 = arith.andi %reduce_sum3A_1790, %and3A_1791 : i32
      %mul3A_1793 = arith.constant 16 : i32
      %mul3A_1794 = arith.muli %and3A_1792, %mul3A_1793 : i32
      %broadcast_in_dim3A_1795 = vector.broadcast %mul3A_1794 : i32 to vector<16xi32>
      %add3A_1796 = arith.addi %broadcast_in_dim3A_1795, %iota3A : vector<16xi32>
      %broadcast_in_dim3A_1797 = arith.constant 27 : i32
      %broadcast_in_dim3A_1798 = vector.broadcast %broadcast_in_dim3A_1797 : i32 to vector<16xi32>
      %gather3A_1799 = tpu.vector_load_idx %arg15[%broadcast_in_dim3A_1798, %add3A_1796] : memref<32x128xf32, #tpu.memory_space<vmem>>[vector<16xi32>, vector<16xi32>], vector<16xf32>,
      %sub3A_1800 = arith.subf %gather3A_1799, %get3A_1076 : vector<16xf32>
      %swap3A_1801 = arith.constant 27 : i32
      %swap3A_1802 = arith.index_cast %swap3A_1801 : i32 to index
      %swap3A_1803 = arith.constant 0 : index
      %swap3A_1804 = tpu.vector_load %arg16[%swap3A_1802, %swap3A_1803] {strides = array<i32>} : memref<32x16xf32, #tpu.memory_space<vmem>>, vector<16xf32>,
      tpu.vector_store %arg16[%swap3A_1802, %swap3A_1803], %sub3A_1800 {strides = array<i32>} : memref<32x16xf32, #tpu.memory_space<vmem>>, vector<16xf32>,
      %get3A_1805 = arith.constant 16 : index
      %get3A_1806 = tpu.vector_load %arg13[%get3A_1805] {strides = array<i32>} : memref<128xi32, #tpu.memory_space<vmem>>, vector<16xi32>,
      %eq3A_1807 = arith.constant 12 : i32
      %eq3A_1808 = vector.broadcast %eq3A_1807 : i32 to vector<16xi32>
      %eq3A_1809 = arith.cmpi eq, %iota3A, %eq3A_1808 : vector<16xi32>
      %jit3A_1810 = arith.constant 0 : i32
      %broadcast_in_dim3A_1811 = vector.broadcast %jit3A_1810 : i32 to vector<16xi32>
      %select_n3A_1812 = arith.select %eq3A_1809, %get3A_1806, %broadcast_in_dim3A_1811 : vector<16xi1>, vector<16xi32>
      %reduce_sum3A_1813 = arith.constant true
      %reduce_sum3A_1814 = vector.broadcast %reduce_sum3A_1813 : i1 to vector<16xi1>
      %reduce_sum3A_1815 = tpu.scan <sum>, %select_n3A_1812 masked %reduce_sum3A_1814 : vector<16xi32>, vector<16xi1> -> vector<16xi32>
      %reduce_sum3A_1816 = vector.extract %reduce_sum3A_1815[15] : i32 from vector<16xi32>
      %and3A_1817 = arith.constant 7 : i32
      %and3A_1818 = arith.andi %reduce_sum3A_1816, %and3A_1817 : i32
      %mul3A_1819 = arith.constant 16 : i32
      %mul3A_1820 = arith.muli %and3A_1818, %mul3A_1819 : i32
      %broadcast_in_dim3A_1821 = vector.broadcast %mul3A_1820 : i32 to vector<16xi32>
      %add3A_1822 = arith.addi %broadcast_in_dim3A_1821, %iota3A : vector<16xi32>
      %broadcast_in_dim3A_1823 = arith.constant 28 : i32
      %broadcast_in_dim3A_1824 = vector.broadcast %broadcast_in_dim3A_1823 : i32 to vector<16xi32>
      %gather3A_1825 = tpu.vector_load_idx %arg15[%broadcast_in_dim3A_1824, %add3A_1822] : memref<32x128xf32, #tpu.memory_space<vmem>>[vector<16xi32>, vector<16xi32>], vector<16xf32>,
      %sub3A_1826 = arith.subf %gather3A_1825, %get3A_1076 : vector<16xf32>
      %swap3A_1827 = arith.constant 28 : i32
      %swap3A_1828 = arith.index_cast %swap3A_1827 : i32 to index
      %swap3A_1829 = arith.constant 0 : index
      %swap3A_1830 = tpu.vector_load %arg16[%swap3A_1828, %swap3A_1829] {strides = array<i32>} : memref<32x16xf32, #tpu.memory_space<vmem>>, vector<16xf32>,
      tpu.vector_store %arg16[%swap3A_1828, %swap3A_1829], %sub3A_1826 {strides = array<i32>} : memref<32x16xf32, #tpu.memory_space<vmem>>, vector<16xf32>,
      %get3A_1831 = arith.constant 16 : index
      %get3A_1832 = tpu.vector_load %arg13[%get3A_1831] {strides = array<i32>} : memref<128xi32, #tpu.memory_space<vmem>>, vector<16xi32>,
      %eq3A_1833 = arith.constant 13 : i32
      %eq3A_1834 = vector.broadcast %eq3A_1833 : i32 to vector<16xi32>
      %eq3A_1835 = arith.cmpi eq, %iota3A, %eq3A_1834 : vector<16xi32>
      %jit3A_1836 = arith.constant 0 : i32
      %broadcast_in_dim3A_1837 = vector.broadcast %jit3A_1836 : i32 to vector<16xi32>
      %select_n3A_1838 = arith.select %eq3A_1835, %get3A_1832, %broadcast_in_dim3A_1837 : vector<16xi1>, vector<16xi32>
      %reduce_sum3A_1839 = arith.constant true
      %reduce_sum3A_1840 = vector.broadcast %reduce_sum3A_1839 : i1 to vector<16xi1>
      %reduce_sum3A_1841 = tpu.scan <sum>, %select_n3A_1838 masked %reduce_sum3A_1840 : vector<16xi32>, vector<16xi1> -> vector<16xi32>
      %reduce_sum3A_1842 = vector.extract %reduce_sum3A_1841[15] : i32 from vector<16xi32>
      %and3A_1843 = arith.constant 7 : i32
      %and3A_1844 = arith.andi %reduce_sum3A_1842, %and3A_1843 : i32
      %mul3A_1845 = arith.constant 16 : i32
      %mul3A_1846 = arith.muli %and3A_1844, %mul3A_1845 : i32
      %broadcast_in_dim3A_1847 = vector.broadcast %mul3A_1846 : i32 to vector<16xi32>
      %add3A_1848 = arith.addi %broadcast_in_dim3A_1847, %iota3A : vector<16xi32>
      %broadcast_in_dim3A_1849 = arith.constant 29 : i32
      %broadcast_in_dim3A_1850 = vector.broadcast %broadcast_in_dim3A_1849 : i32 to vector<16xi32>
      %gather3A_1851 = tpu.vector_load_idx %arg15[%broadcast_in_dim3A_1850, %add3A_1848] : memref<32x128xf32, #tpu.memory_space<vmem>>[vector<16xi32>, vector<16xi32>], vector<16xf32>,
      %sub3A_1852 = arith.subf %gather3A_1851, %get3A_1076 : vector<16xf32>
      %swap3A_1853 = arith.constant 29 : i32
      %swap3A_1854 = arith.index_cast %swap3A_1853 : i32 to index
      %swap3A_1855 = arith.constant 0 : index
      %swap3A_1856 = tpu.vector_load %arg16[%swap3A_1854, %swap3A_1855] {strides = array<i32>} : memref<32x16xf32, #tpu.memory_space<vmem>>, vector<16xf32>,
      tpu.vector_store %arg16[%swap3A_1854, %swap3A_1855], %sub3A_1852 {strides = array<i32>} : memref<32x16xf32, #tpu.memory_space<vmem>>, vector<16xf32>,
      %get3A_1857 = arith.constant 16 : index
      %get3A_1858 = tpu.vector_load %arg13[%get3A_1857] {strides = array<i32>} : memref<128xi32, #tpu.memory_space<vmem>>, vector<16xi32>,
      %eq3A_1859 = arith.constant 14 : i32
      %eq3A_1860 = vector.broadcast %eq3A_1859 : i32 to vector<16xi32>
      %eq3A_1861 = arith.cmpi eq, %iota3A, %eq3A_1860 : vector<16xi32>
      %jit3A_1862 = arith.constant 0 : i32
      %broadcast_in_dim3A_1863 = vector.broadcast %jit3A_1862 : i32 to vector<16xi32>
      %select_n3A_1864 = arith.select %eq3A_1861, %get3A_1858, %broadcast_in_dim3A_1863 : vector<16xi1>, vector<16xi32>
      %reduce_sum3A_1865 = arith.constant true
      %reduce_sum3A_1866 = vector.broadcast %reduce_sum3A_1865 : i1 to vector<16xi1>
      %reduce_sum3A_1867 = tpu.scan <sum>, %select_n3A_1864 masked %reduce_sum3A_1866 : vector<16xi32>, vector<16xi1> -> vector<16xi32>
      %reduce_sum3A_1868 = vector.extract %reduce_sum3A_1867[15] : i32 from vector<16xi32>
      %and3A_1869 = arith.constant 7 : i32
      %and3A_1870 = arith.andi %reduce_sum3A_1868, %and3A_1869 : i32
      %mul3A_1871 = arith.constant 16 : i32
      %mul3A_1872 = arith.muli %and3A_1870, %mul3A_1871 : i32
      %broadcast_in_dim3A_1873 = vector.broadcast %mul3A_1872 : i32 to vector<16xi32>
      %add3A_1874 = arith.addi %broadcast_in_dim3A_1873, %iota3A : vector<16xi32>
      %broadcast_in_dim3A_1875 = arith.constant 30 : i32
      %broadcast_in_dim3A_1876 = vector.broadcast %broadcast_in_dim3A_1875 : i32 to vector<16xi32>
      %gather3A_1877 = tpu.vector_load_idx %arg15[%broadcast_in_dim3A_1876, %add3A_1874] : memref<32x128xf32, #tpu.memory_space<vmem>>[vector<16xi32>, vector<16xi32>], vector<16xf32>,
      %sub3A_1878 = arith.subf %gather3A_1877, %get3A_1076 : vector<16xf32>
      %swap3A_1879 = arith.constant 30 : i32
      %swap3A_1880 = arith.index_cast %swap3A_1879 : i32 to index
      %swap3A_1881 = arith.constant 0 : index
      %swap3A_1882 = tpu.vector_load %arg16[%swap3A_1880, %swap3A_1881] {strides = array<i32>} : memref<32x16xf32, #tpu.memory_space<vmem>>, vector<16xf32>,
      tpu.vector_store %arg16[%swap3A_1880, %swap3A_1881], %sub3A_1878 {strides = array<i32>} : memref<32x16xf32, #tpu.memory_space<vmem>>, vector<16xf32>,
      %get3A_1883 = arith.constant 16 : index
      %get3A_1884 = tpu.vector_load %arg13[%get3A_1883] {strides = array<i32>} : memref<128xi32, #tpu.memory_space<vmem>>, vector<16xi32>,
      %eq3A_1885 = arith.constant 15 : i32
      %eq3A_1886 = vector.broadcast %eq3A_1885 : i32 to vector<16xi32>
      %eq3A_1887 = arith.cmpi eq, %iota3A, %eq3A_1886 : vector<16xi32>
      %jit3A_1888 = arith.constant 0 : i32
      %broadcast_in_dim3A_1889 = vector.broadcast %jit3A_1888 : i32 to vector<16xi32>
      %select_n3A_1890 = arith.select %eq3A_1887, %get3A_1884, %broadcast_in_dim3A_1889 : vector<16xi1>, vector<16xi32>
      %reduce_sum3A_1891 = arith.constant true
      %reduce_sum3A_1892 = vector.broadcast %reduce_sum3A_1891 : i1 to vector<16xi1>
      %reduce_sum3A_1893 = tpu.scan <sum>, %select_n3A_1890 masked %reduce_sum3A_1892 : vector<16xi32>, vector<16xi1> -> vector<16xi32>
      %reduce_sum3A_1894 = vector.extract %reduce_sum3A_1893[15] : i32 from vector<16xi32>
      %and3A_1895 = arith.constant 7 : i32
      %and3A_1896 = arith.andi %reduce_sum3A_1894, %and3A_1895 : i32
      %mul3A_1897 = arith.constant 16 : i32
      %mul3A_1898 = arith.muli %and3A_1896, %mul3A_1897 : i32
      %broadcast_in_dim3A_1899 = vector.broadcast %mul3A_1898 : i32 to vector<16xi32>
      %add3A_1900 = arith.addi %broadcast_in_dim3A_1899, %iota3A : vector<16xi32>
      %broadcast_in_dim3A_1901 = arith.constant 31 : i32
      %broadcast_in_dim3A_1902 = vector.broadcast %broadcast_in_dim3A_1901 : i32 to vector<16xi32>
      %gather3A_1903 = tpu.vector_load_idx %arg15[%broadcast_in_dim3A_1902, %add3A_1900] : memref<32x128xf32, #tpu.memory_space<vmem>>[vector<16xi32>, vector<16xi32>], vector<16xf32>,
      %sub3A_1904 = arith.subf %gather3A_1903, %get3A_1076 : vector<16xf32>
      %swap3A_1905 = arith.constant 31 : i32
      %swap3A_1906 = arith.index_cast %swap3A_1905 : i32 to index
      %swap3A_1907 = arith.constant 0 : index
      %swap3A_1908 = tpu.vector_load %arg16[%swap3A_1906, %swap3A_1907] {strides = array<i32>} : memref<32x16xf32, #tpu.memory_space<vmem>>, vector<16xf32>,
      tpu.vector_store %arg16[%swap3A_1906, %swap3A_1907], %sub3A_1904 {strides = array<i32>} : memref<32x16xf32, #tpu.memory_space<vmem>>, vector<16xf32>,
      "tpu.region"() ({
        %run_scoped3A = tpu.sem_alloc : memref<!tpu.dma_semaphore, #tpu.memory_space<semaphore_mem>>
        %dma_start3A_1910 = arith.constant 0 : i32
        %dma_start3A_1911 = arith.constant 0 : i32
        %dma_start3A_1912 = tpu.memref_slice %arg6[%add3A_30, %dma_start3A_1910, %dma_start3A_1911] : memref<1024x32x16xf32, #tpu.memory_space<hbm>> -> memref<1x32x16xf32, #tpu.memory_space<hbm>>
        %dma_start3A_1913 = tpu.memref_squeeze %dma_start3A_1912 : memref<1x32x16xf32, #tpu.memory_space<hbm>> -> memref<32x16xf32, #tpu.memory_space<hbm>>
        %dma_start3A_1914 = arith.constant 0 : i32
        %dma_start3A_1915 = arith.constant 0 : i32
        %dma_start3A_1916 = tpu.memref_slice %arg6[%add3A_30, %dma_start3A_1914, %dma_start3A_1915] : memref<1024x32x16xf32, #tpu.memory_space<hbm>> -> memref<1x32x16xf32, #tpu.memory_space<hbm>>
        %dma_start3A_1917 = tpu.memref_squeeze %dma_start3A_1916 : memref<1x32x16xf32, #tpu.memory_space<hbm>> -> memref<32x16xf32, #tpu.memory_space<hbm>>
        tpu.enqueue_dma source(%arg16 : memref<32x16xf32, #tpu.memory_space<vmem>>) target(%dma_start3A_1917 : memref<32x16xf32, #tpu.memory_space<hbm>>) target_semaphore(%run_scoped3A : memref<!tpu.dma_semaphore, #tpu.memory_space<semaphore_mem>>)
        %dma_wait3A_1918 = arith.constant 0 : i32
        %dma_wait3A_1919 = arith.constant 0 : i32
        %dma_wait3A_1920 = tpu.memref_slice %arg6[%add3A_30, %dma_wait3A_1918, %dma_wait3A_1919] : memref<1024x32x16xf32, #tpu.memory_space<hbm>> -> memref<1x32x16xf32, #tpu.memory_space<hbm>>
        %dma_wait3A_1921 = tpu.memref_squeeze %dma_wait3A_1920 : memref<1x32x16xf32, #tpu.memory_space<hbm>> -> memref<32x16xf32, #tpu.memory_space<hbm>>
        %dma_wait3A_1922 = arith.constant 0 : i32
        %dma_wait3A_1923 = arith.constant 0 : i32
        %dma_wait3A_1924 = tpu.memref_slice %arg6[%add3A_30, %dma_wait3A_1922, %dma_wait3A_1923] : memref<1024x32x16xf32, #tpu.memory_space<hbm>> -> memref<1x32x16xf32, #tpu.memory_space<hbm>>
        %dma_wait3A_1925 = tpu.memref_squeeze %dma_wait3A_1924 : memref<1x32x16xf32, #tpu.memory_space<hbm>> -> memref<32x16xf32, #tpu.memory_space<hbm>>
        tpu.wait_dma2 semaphore(%run_scoped3A : memref<!tpu.dma_semaphore, #tpu.memory_space<semaphore_mem>>) src(%arg16 : memref<32x16xf32, #tpu.memory_space<vmem>>) dst(%dma_wait3A_1925 : memref<32x16xf32, #tpu.memory_space<hbm>>)
        tpu.yield
      }) : () -> ()
      %scan3A_1909 = arith.constant 0 : i32
      scf.yield %scan3A_1909 : i32
    }
    %scan3A_18 = arith.constant 16 : i32
    %dma_wait3A = arith.constant 0 : i32
    %dma_wait3A_19 = tpu.memref_slice %arg2[%mul3A_2, %dma_wait3A] : memref<1024x8192xf32, #tpu.memory_space<hbm>> -> memref<1x8192xf32, #tpu.memory_space<hbm>>
    %dma_wait3A_20 = tpu.memref_squeeze %dma_wait3A_19 : memref<1x8192xf32, #tpu.memory_space<hbm>> -> memref<8192xf32, #tpu.memory_space<hbm>>
    %dma_wait3A_21 = arith.constant 0 : i32
    %dma_wait3A_22 = tpu.memref_slice %arg2[%mul3A_2, %dma_wait3A_21] : memref<1024x8192xf32, #tpu.memory_space<hbm>> -> memref<1x8192xf32, #tpu.memory_space<hbm>>
    %dma_wait3A_23 = tpu.memref_squeeze %dma_wait3A_22 : memref<1x8192xf32, #tpu.memory_space<hbm>> -> memref<8192xf32, #tpu.memory_space<hbm>>
    tpu.wait_dma2 semaphore(%arg19 : memref<!tpu.dma_semaphore, #tpu.memory_space<semaphore_mem>>) src(%dma_wait3A_23 : memref<8192xf32, #tpu.memory_space<hbm>>) dst(%arg7 : memref<8192xf32, #tpu.memory_space<vmem>>)
    return
  }
}

module attributes {stable_mosaic.version = 14 : i64} {
  func.func @_fps_body(%arg0: memref<3x8x8192xf32, #tpu.memory_space<vmem>>, %arg1: memref<128x8x1xi32, #tpu.memory_space<vmem>>) attributes {dimension_semantics = [], scalar_prefetch = 0 : i64, scratch_operands = 0 : i64, tpu.core_type = #tpu.core_type<tc>} {
    %get3A = arith.constant 0 : index
    %get3A_0 = arith.constant 0 : index
    %get3A_1 = arith.constant 0 : index
    %get3A_2 = vector.load %arg0[%get3A, %get3A_0, %get3A_1] : memref<3x8x8192xf32, #tpu.memory_space<vmem>>, vector<1x8x8192xf32>
    %get3A_3 = vector.shape_cast %get3A_2 : vector<1x8x8192xf32> to vector<8x8192xf32>
    %get3A_4 = arith.constant 1 : index
    %get3A_5 = arith.constant 0 : index
    %get3A_6 = arith.constant 0 : index
    %get3A_7 = vector.load %arg0[%get3A_4, %get3A_5, %get3A_6] : memref<3x8x8192xf32, #tpu.memory_space<vmem>>, vector<1x8x8192xf32>
    %get3A_8 = vector.shape_cast %get3A_7 : vector<1x8x8192xf32> to vector<8x8192xf32>
    %get3A_9 = arith.constant 2 : index
    %get3A_10 = arith.constant 0 : index
    %get3A_11 = arith.constant 0 : index
    %get3A_12 = vector.load %arg0[%get3A_9, %get3A_10, %get3A_11] : memref<3x8x8192xf32, #tpu.memory_space<vmem>>, vector<1x8x8192xf32>
    %get3A_13 = vector.shape_cast %get3A_12 : vector<1x8x8192xf32> to vector<8x8192xf32>
    %iota3A = tpu.iota {dimensions = array<i32: 1>} : vector<8x8192xi32>
    %broadcast_in_dim3A = arith.constant 1.000000e+10 : f32
    %broadcast_in_dim3A_14 = vector.broadcast %broadcast_in_dim3A : f32 to vector<8x8192xf32>
    %broadcast_in_dim3A_15 = arith.constant 0 : i32
    %broadcast_in_dim3A_16 = vector.broadcast %broadcast_in_dim3A_15 : i32 to vector<8x1xi32>
    %scan3A = arith.constant 0 : i32
    %scan3A_17 = arith.constant 128 : i32
    %scan3A_18 = arith.addi %scan3A, %scan3A_17 : i32
    %scan3A_19 = arith.constant 1 : i32
    %scan3A_20:2 = scf.for %scan3A_22 = %scan3A to %scan3A_18 step %scan3A_19 iter_args(%scan3A_23 = %broadcast_in_dim3A_14, %scan3A_24 = %broadcast_in_dim3A_16) -> (vector<8x8192xf32>, vector<8x1xi32>)  : i32 {
      %broadcast_in_dim3A_25 = vector.shape_cast %scan3A_24 : vector<8x1xi32> to vector<1x8x1xi32>
      %swap3A = arith.index_cast %scan3A_22 : i32 to index
      %swap3A_26 = arith.constant 0 : index
      %swap3A_27 = arith.constant 0 : index
      %swap3A_28 = vector.load %arg1[%swap3A, %swap3A_26, %swap3A_27] : memref<128x8x1xi32, #tpu.memory_space<vmem>>, vector<1x8x1xi32>
      tpu.vector_store %arg1[%swap3A, %swap3A_26, %swap3A_27], %broadcast_in_dim3A_25 {strides = array<i32>} : memref<128x8x1xi32, #tpu.memory_space<vmem>>, vector<1x8x1xi32>,
      %eq3A = vector.broadcast %scan3A_24 : vector<8x1xi32> to vector<8x8192xi32>
      %eq3A_29 = arith.cmpi eq, %iota3A, %eq3A : vector<8x8192xi32>
      %jit3A = arith.constant 0.000000e+00 : f32
      %broadcast_in_dim3A_30 = vector.broadcast %jit3A : f32 to vector<8x8192xf32>
      %select_n3A = arith.select %eq3A_29, %get3A_3, %broadcast_in_dim3A_30 : vector<8x8192xi1>, vector<8x8192xf32>
      %reduce_sum3A = arith.constant dense<0.000000e+00> : vector<8xf32>
      %reduce_sum3A_31 = vector.multi_reduction <add>, %select_n3A, %reduce_sum3A [1] : vector<8x8192xf32> to vector<8xf32>
      %broadcast_in_dim3A_32 = vector.shape_cast %reduce_sum3A_31 : vector<8xf32> to vector<8x1xf32>
      %jit3A_33 = arith.constant 0.000000e+00 : f32
      %broadcast_in_dim3A_34 = vector.broadcast %jit3A_33 : f32 to vector<8x8192xf32>
      %select_n3A_35 = arith.select %eq3A_29, %get3A_8, %broadcast_in_dim3A_34 : vector<8x8192xi1>, vector<8x8192xf32>
      %reduce_sum3A_36 = arith.constant dense<0.000000e+00> : vector<8xf32>
      %reduce_sum3A_37 = vector.multi_reduction <add>, %select_n3A_35, %reduce_sum3A_36 [1] : vector<8x8192xf32> to vector<8xf32>
      %broadcast_in_dim3A_38 = vector.shape_cast %reduce_sum3A_37 : vector<8xf32> to vector<8x1xf32>
      %jit3A_39 = arith.constant 0.000000e+00 : f32
      %broadcast_in_dim3A_40 = vector.broadcast %jit3A_39 : f32 to vector<8x8192xf32>
      %select_n3A_41 = arith.select %eq3A_29, %get3A_13, %broadcast_in_dim3A_40 : vector<8x8192xi1>, vector<8x8192xf32>
      %reduce_sum3A_42 = arith.constant dense<0.000000e+00> : vector<8xf32>
      %reduce_sum3A_43 = vector.multi_reduction <add>, %select_n3A_41, %reduce_sum3A_42 [1] : vector<8x8192xf32> to vector<8xf32>
      %broadcast_in_dim3A_44 = vector.shape_cast %reduce_sum3A_43 : vector<8xf32> to vector<8x1xf32>
      %sub3A = vector.broadcast %broadcast_in_dim3A_32 : vector<8x1xf32> to vector<8x8192xf32>
      %sub3A_45 = arith.subf %get3A_3, %sub3A : vector<8x8192xf32>
      %integer_pow3A = arith.mulf %sub3A_45, %sub3A_45 : vector<8x8192xf32>
      %sub3A_46 = vector.broadcast %broadcast_in_dim3A_38 : vector<8x1xf32> to vector<8x8192xf32>
      %sub3A_47 = arith.subf %get3A_8, %sub3A_46 : vector<8x8192xf32>
      %integer_pow3A_48 = arith.mulf %sub3A_47, %sub3A_47 : vector<8x8192xf32>
      %add3A = arith.addf %integer_pow3A, %integer_pow3A_48 : vector<8x8192xf32>
      %sub3A_49 = vector.broadcast %broadcast_in_dim3A_44 : vector<8x1xf32> to vector<8x8192xf32>
      %sub3A_50 = arith.subf %get3A_13, %sub3A_49 : vector<8x8192xf32>
      %integer_pow3A_51 = arith.mulf %sub3A_50, %sub3A_50 : vector<8x8192xf32>
      %add3A_52 = arith.addf %add3A, %integer_pow3A_51 : vector<8x8192xf32>
      %min3A = arith.minimumf %scan3A_23, %add3A_52 : vector<8x8192xf32>
      %reduce_max3A = arith.constant dense<0xFF800000> : vector<8xf32>
      %reduce_max3A_53 = vector.multi_reduction <maximumf>, %min3A, %reduce_max3A [1] : vector<8x8192xf32> to vector<8xf32>
      %broadcast_in_dim3A_54 = vector.shape_cast %reduce_max3A_53 : vector<8xf32> to vector<8x1xf32>
      %eq3A_55 = vector.broadcast %broadcast_in_dim3A_54 : vector<8x1xf32> to vector<8x8192xf32>
      %eq3A_56 = arith.cmpf oeq, %min3A, %eq3A_55 : vector<8x8192xf32>
      %jit3A_57 = arith.constant 8192 : i32
      %broadcast_in_dim3A_58 = vector.broadcast %jit3A_57 : i32 to vector<8x8192xi32>
      %select_n3A_59 = arith.select %eq3A_56, %iota3A, %broadcast_in_dim3A_58 : vector<8x8192xi1>, vector<8x8192xi32>
      %reduce_min3A = arith.constant dense<2147483647> : vector<8xi32>
      %reduce_min3A_60 = vector.multi_reduction <minsi>, %select_n3A_59, %reduce_min3A [1] : vector<8x8192xi32> to vector<8xi32>
      %broadcast_in_dim3A_61 = vector.shape_cast %reduce_min3A_60 : vector<8xi32> to vector<8x1xi32>
      scf.yield %min3A, %broadcast_in_dim3A_61 : vector<8x8192xf32>, vector<8x1xi32>
    }
    %scan3A_21 = arith.constant 128 : i32
    return
  }
}

module attributes {stable_mosaic.version = 14 : i64} {
  func.func @_dist_body(%arg0: i32, %arg1: memref<1x12x8192xf32, #tpu.memory_space<vmem>>, %arg2: memref<1x128x1xi32, #tpu.memory_space<vmem>>, %arg3: memref<1x128x12xf32, #tpu.memory_space<vmem>>, %arg4: memref<1x128x8192xf32, #tpu.memory_space<vmem>>, %arg5: memref<1x128x1xf32, #tpu.memory_space<vmem>>) attributes {dimension_semantics = [#tpu.dimension_semantics<arbitrary>], iteration_bounds = array<i64: 8>, scalar_prefetch = 0 : i64, scratch_operands = 0 : i64, tpu.core_type = #tpu.core_type<tc>, window_params = [{transform_indices = @transform_0, window_bounds = array<i64: 1, 12, 8192>}, {transform_indices = @transform_1, window_bounds = array<i64: 1, 128, 1>}, {transform_indices = @transform_2, window_bounds = array<i64: 1, 128, 12>}, {transform_indices = @transform_3, window_bounds = array<i64: 1, 128, 8192>}, {transform_indices = @transform_4, window_bounds = array<i64: 1, 128, 1>}]} {
    %get3A = arith.constant 0 : index
    %get3A_0 = arith.constant 0 : index
    %get3A_1 = arith.constant 0 : index
    %get3A_2 = vector.load %arg1[%get3A, %get3A_0, %get3A_1] : memref<1x12x8192xf32, #tpu.memory_space<vmem>>, vector<1x12x8192xf32>
    %get3A_3 = vector.shape_cast %get3A_2 : vector<1x12x8192xf32> to vector<12x8192xf32>
    %get3A_4 = arith.constant 0 : index
    %get3A_5 = arith.constant 0 : index
    %get3A_6 = arith.constant 0 : index
    %get3A_7 = vector.load %arg2[%get3A_4, %get3A_5, %get3A_6] : memref<1x128x1xi32, #tpu.memory_space<vmem>>, vector<1x128x1xi32>
    %get3A_8 = vector.shape_cast %get3A_7 : vector<1x128x1xi32> to vector<128x1xi32>
    %iota3A = tpu.iota {dimensions = array<i32: 1>} : vector<128x8192xi32>
    %eq3A = vector.broadcast %get3A_8 : vector<128x1xi32> to vector<128x8192xi32>
    %eq3A_9 = arith.cmpi eq, %iota3A, %eq3A : vector<128x8192xi32>
    %jit3A = arith.constant 1.000000e+00 : f32
    %jit3A_10 = arith.constant 0.000000e+00 : f32
    %broadcast_in_dim3A = vector.broadcast %jit3A : f32 to vector<128x8192xf32>
    %broadcast_in_dim3A_11 = vector.broadcast %jit3A_10 : f32 to vector<128x8192xf32>
    %select_n3A = arith.select %eq3A_9, %broadcast_in_dim3A, %broadcast_in_dim3A_11 : vector<128x8192xi1>, vector<128x8192xf32>
    %dot_general3A = arith.constant dense<0.000000e+00> : vector<128x12xf32>
    %dot_general3A_12 = tpu.matmul %select_n3A, %get3A_3, %dot_general3A {dimension_numbers = #tpu.dot_dimension_numbers<[1], [1], [0], [0], [0, 0, 1, 0], [], []>, precision = #tpu.contract_precision<fp32>, transpose_lhs_hint = false} : vector<128x8192xf32>, vector<12x8192xf32>, vector<128x12xf32> -> vector<128x12xf32>
    %swap3A = arith.constant 0 : index
    %swap3A_13 = arith.constant 0 : index
    %swap3A_14 = arith.constant 0 : index
    %swap3A_15 = vector.load %arg3[%swap3A, %swap3A_13, %swap3A_14] : memref<1x128x12xf32, #tpu.memory_space<vmem>>, vector<1x128x12xf32>
    %swap3A_16 = vector.shape_cast %swap3A_15 : vector<1x128x12xf32> to vector<128x12xf32>
    %swap3A_17 = vector.shape_cast %dot_general3A_12 : vector<128x12xf32> to vector<1x128x12xf32>
    tpu.vector_store %arg3[%swap3A, %swap3A_13, %swap3A_14], %swap3A_17 {strides = array<i32>} : memref<1x128x12xf32, #tpu.memory_space<vmem>>, vector<1x128x12xf32>,
    %mul3A = arith.mulf %get3A_3, %get3A_3 : vector<12x8192xf32>
    %reduce_sum3A = arith.constant dense<0.000000e+00> : vector<8192xf32>
    %reduce_sum3A_18 = vector.multi_reduction <add>, %mul3A, %reduce_sum3A [0] : vector<12x8192xf32> to vector<8192xf32>
    %broadcast_in_dim3A_19 = vector.shape_cast %reduce_sum3A_18 : vector<8192xf32> to vector<1x8192xf32>
    %mul3A_20 = arith.mulf %dot_general3A_12, %dot_general3A_12 : vector<128x12xf32>
    %reduce_sum3A_21 = arith.constant dense<0.000000e+00> : vector<128xf32>
    %reduce_sum3A_22 = vector.multi_reduction <add>, %mul3A_20, %reduce_sum3A_21 [1] : vector<128x12xf32> to vector<128xf32>
    %broadcast_in_dim3A_23 = vector.shape_cast %reduce_sum3A_22 : vector<128xf32> to vector<128x1xf32>
    %dot_general3A_24 = arith.constant dense<0.000000e+00> : vector<128x8192xf32>
    %dot_general3A_25 = tpu.matmul %dot_general3A_12, %get3A_3, %dot_general3A_24 {dimension_numbers = #tpu.dot_dimension_numbers<[1], [0], [0], [1], [0, 0, 1, 1], [], []>, precision = #tpu.contract_precision<fp32>, transpose_lhs_hint = false} : vector<128x12xf32>, vector<12x8192xf32>, vector<128x8192xf32> -> vector<128x8192xf32>
    %add3A = vector.broadcast %broadcast_in_dim3A_19 : vector<1x8192xf32> to vector<128x8192xf32>
    %add3A_26 = vector.broadcast %broadcast_in_dim3A_23 : vector<128x1xf32> to vector<128x8192xf32>
    %add3A_27 = arith.addf %add3A, %add3A_26 : vector<128x8192xf32>
    %mul3A_28 = arith.constant 2.000000e+00 : f32
    %mul3A_29 = vector.broadcast %mul3A_28 : f32 to vector<128x8192xf32>
    %mul3A_30 = arith.mulf %mul3A_29, %dot_general3A_25 : vector<128x8192xf32>
    %sub3A = arith.subf %add3A_27, %mul3A_30 : vector<128x8192xf32>
    %swap3A_31 = arith.constant 0 : index
    %swap3A_32 = arith.constant 0 : index
    %swap3A_33 = arith.constant 0 : index
    %swap3A_34 = vector.load %arg4[%swap3A_31, %swap3A_32, %swap3A_33] : memref<1x128x8192xf32, #tpu.memory_space<vmem>>, vector<1x128x8192xf32>
    %swap3A_35 = vector.shape_cast %swap3A_34 : vector<1x128x8192xf32> to vector<128x8192xf32>
    %swap3A_36 = vector.shape_cast %sub3A : vector<128x8192xf32> to vector<1x128x8192xf32>
    tpu.vector_store %arg4[%swap3A_31, %swap3A_32, %swap3A_33], %swap3A_36 {strides = array<i32>} : memref<1x128x8192xf32, #tpu.memory_space<vmem>>, vector<1x128x8192xf32>,
    %broadcast_in_dim3A_37 = arith.constant 0xFF800000 : f32
    %broadcast_in_dim3A_38 = vector.broadcast %broadcast_in_dim3A_37 : f32 to vector<128x1xf32>
    %slice3A = vector.extract_strided_slice %sub3A {offsets = [0, 0], sizes = [128, 256], strides = [1, 1]} : vector<128x8192xf32> to vector<128x256xf32>
    %reduce_min3A = arith.constant dense<0x7F800000> : vector<128xf32>
    %reduce_min3A_39 = vector.multi_reduction <minimumf>, %slice3A, %reduce_min3A [1] : vector<128x256xf32> to vector<128xf32>
    %broadcast_in_dim3A_40 = vector.shape_cast %reduce_min3A_39 : vector<128xf32> to vector<128x1xf32>
    %max3A = arith.maximumf %broadcast_in_dim3A_38, %broadcast_in_dim3A_40 : vector<128x1xf32>
    %slice3A_41 = vector.extract_strided_slice %sub3A {offsets = [0, 256], sizes = [128, 256], strides = [1, 1]} : vector<128x8192xf32> to vector<128x256xf32>
    %reduce_min3A_42 = arith.constant dense<0x7F800000> : vector<128xf32>
    %reduce_min3A_43 = vector.multi_reduction <minimumf>, %slice3A_41, %reduce_min3A_42 [1] : vector<128x256xf32> to vector<128xf32>
    %broadcast_in_dim3A_44 = vector.shape_cast %reduce_min3A_43 : vector<128xf32> to vector<128x1xf32>
    %max3A_45 = arith.maximumf %max3A, %broadcast_in_dim3A_44 : vector<128x1xf32>
    %slice3A_46 = vector.extract_strided_slice %sub3A {offsets = [0, 512], sizes = [128, 256], strides = [1, 1]} : vector<128x8192xf32> to vector<128x256xf32>
    %reduce_min3A_47 = arith.constant dense<0x7F800000> : vector<128xf32>
    %reduce_min3A_48 = vector.multi_reduction <minimumf>, %slice3A_46, %reduce_min3A_47 [1] : vector<128x256xf32> to vector<128xf32>
    %broadcast_in_dim3A_49 = vector.shape_cast %reduce_min3A_48 : vector<128xf32> to vector<128x1xf32>
    %max3A_50 = arith.maximumf %max3A_45, %broadcast_in_dim3A_49 : vector<128x1xf32>
    %slice3A_51 = vector.extract_strided_slice %sub3A {offsets = [0, 768], sizes = [128, 256], strides = [1, 1]} : vector<128x8192xf32> to vector<128x256xf32>
    %reduce_min3A_52 = arith.constant dense<0x7F800000> : vector<128xf32>
    %reduce_min3A_53 = vector.multi_reduction <minimumf>, %slice3A_51, %reduce_min3A_52 [1] : vector<128x256xf32> to vector<128xf32>
    %broadcast_in_dim3A_54 = vector.shape_cast %reduce_min3A_53 : vector<128xf32> to vector<128x1xf32>
    %max3A_55 = arith.maximumf %max3A_50, %broadcast_in_dim3A_54 : vector<128x1xf32>
    %slice3A_56 = vector.extract_strided_slice %sub3A {offsets = [0, 1024], sizes = [128, 256], strides = [1, 1]} : vector<128x8192xf32> to vector<128x256xf32>
    %reduce_min3A_57 = arith.constant dense<0x7F800000> : vector<128xf32>
    %reduce_min3A_58 = vector.multi_reduction <minimumf>, %slice3A_56, %reduce_min3A_57 [1] : vector<128x256xf32> to vector<128xf32>
    %broadcast_in_dim3A_59 = vector.shape_cast %reduce_min3A_58 : vector<128xf32> to vector<128x1xf32>
    %max3A_60 = arith.maximumf %max3A_55, %broadcast_in_dim3A_59 : vector<128x1xf32>
    %slice3A_61 = vector.extract_strided_slice %sub3A {offsets = [0, 1280], sizes = [128, 256], strides = [1, 1]} : vector<128x8192xf32> to vector<128x256xf32>
    %reduce_min3A_62 = arith.constant dense<0x7F800000> : vector<128xf32>
    %reduce_min3A_63 = vector.multi_reduction <minimumf>, %slice3A_61, %reduce_min3A_62 [1] : vector<128x256xf32> to vector<128xf32>
    %broadcast_in_dim3A_64 = vector.shape_cast %reduce_min3A_63 : vector<128xf32> to vector<128x1xf32>
    %max3A_65 = arith.maximumf %max3A_60, %broadcast_in_dim3A_64 : vector<128x1xf32>
    %slice3A_66 = vector.extract_strided_slice %sub3A {offsets = [0, 1536], sizes = [128, 256], strides = [1, 1]} : vector<128x8192xf32> to vector<128x256xf32>
    %reduce_min3A_67 = arith.constant dense<0x7F800000> : vector<128xf32>
    %reduce_min3A_68 = vector.multi_reduction <minimumf>, %slice3A_66, %reduce_min3A_67 [1] : vector<128x256xf32> to vector<128xf32>
    %broadcast_in_dim3A_69 = vector.shape_cast %reduce_min3A_68 : vector<128xf32> to vector<128x1xf32>
    %max3A_70 = arith.maximumf %max3A_65, %broadcast_in_dim3A_69 : vector<128x1xf32>
    %slice3A_71 = vector.extract_strided_slice %sub3A {offsets = [0, 1792], sizes = [128, 256], strides = [1, 1]} : vector<128x8192xf32> to vector<128x256xf32>
    %reduce_min3A_72 = arith.constant dense<0x7F800000> : vector<128xf32>
    %reduce_min3A_73 = vector.multi_reduction <minimumf>, %slice3A_71, %reduce_min3A_72 [1] : vector<128x256xf32> to vector<128xf32>
    %broadcast_in_dim3A_74 = vector.shape_cast %reduce_min3A_73 : vector<128xf32> to vector<128x1xf32>
    %max3A_75 = arith.maximumf %max3A_70, %broadcast_in_dim3A_74 : vector<128x1xf32>
    %slice3A_76 = vector.extract_strided_slice %sub3A {offsets = [0, 2048], sizes = [128, 256], strides = [1, 1]} : vector<128x8192xf32> to vector<128x256xf32>
    %reduce_min3A_77 = arith.constant dense<0x7F800000> : vector<128xf32>
    %reduce_min3A_78 = vector.multi_reduction <minimumf>, %slice3A_76, %reduce_min3A_77 [1] : vector<128x256xf32> to vector<128xf32>
    %broadcast_in_dim3A_79 = vector.shape_cast %reduce_min3A_78 : vector<128xf32> to vector<128x1xf32>
    %max3A_80 = arith.maximumf %max3A_75, %broadcast_in_dim3A_79 : vector<128x1xf32>
    %slice3A_81 = vector.extract_strided_slice %sub3A {offsets = [0, 2304], sizes = [128, 256], strides = [1, 1]} : vector<128x8192xf32> to vector<128x256xf32>
    %reduce_min3A_82 = arith.constant dense<0x7F800000> : vector<128xf32>
    %reduce_min3A_83 = vector.multi_reduction <minimumf>, %slice3A_81, %reduce_min3A_82 [1] : vector<128x256xf32> to vector<128xf32>
    %broadcast_in_dim3A_84 = vector.shape_cast %reduce_min3A_83 : vector<128xf32> to vector<128x1xf32>
    %max3A_85 = arith.maximumf %max3A_80, %broadcast_in_dim3A_84 : vector<128x1xf32>
    %slice3A_86 = vector.extract_strided_slice %sub3A {offsets = [0, 2560], sizes = [128, 256], strides = [1, 1]} : vector<128x8192xf32> to vector<128x256xf32>
    %reduce_min3A_87 = arith.constant dense<0x7F800000> : vector<128xf32>
    %reduce_min3A_88 = vector.multi_reduction <minimumf>, %slice3A_86, %reduce_min3A_87 [1] : vector<128x256xf32> to vector<128xf32>
    %broadcast_in_dim3A_89 = vector.shape_cast %reduce_min3A_88 : vector<128xf32> to vector<128x1xf32>
    %max3A_90 = arith.maximumf %max3A_85, %broadcast_in_dim3A_89 : vector<128x1xf32>
    %slice3A_91 = vector.extract_strided_slice %sub3A {offsets = [0, 2816], sizes = [128, 256], strides = [1, 1]} : vector<128x8192xf32> to vector<128x256xf32>
    %reduce_min3A_92 = arith.constant dense<0x7F800000> : vector<128xf32>
    %reduce_min3A_93 = vector.multi_reduction <minimumf>, %slice3A_91, %reduce_min3A_92 [1] : vector<128x256xf32> to vector<128xf32>
    %broadcast_in_dim3A_94 = vector.shape_cast %reduce_min3A_93 : vector<128xf32> to vector<128x1xf32>
    %max3A_95 = arith.maximumf %max3A_90, %broadcast_in_dim3A_94 : vector<128x1xf32>
    %slice3A_96 = vector.extract_strided_slice %sub3A {offsets = [0, 3072], sizes = [128, 256], strides = [1, 1]} : vector<128x8192xf32> to vector<128x256xf32>
    %reduce_min3A_97 = arith.constant dense<0x7F800000> : vector<128xf32>
    %reduce_min3A_98 = vector.multi_reduction <minimumf>, %slice3A_96, %reduce_min3A_97 [1] : vector<128x256xf32> to vector<128xf32>
    %broadcast_in_dim3A_99 = vector.shape_cast %reduce_min3A_98 : vector<128xf32> to vector<128x1xf32>
    %max3A_100 = arith.maximumf %max3A_95, %broadcast_in_dim3A_99 : vector<128x1xf32>
    %slice3A_101 = vector.extract_strided_slice %sub3A {offsets = [0, 3328], sizes = [128, 256], strides = [1, 1]} : vector<128x8192xf32> to vector<128x256xf32>
    %reduce_min3A_102 = arith.constant dense<0x7F800000> : vector<128xf32>
    %reduce_min3A_103 = vector.multi_reduction <minimumf>, %slice3A_101, %reduce_min3A_102 [1] : vector<128x256xf32> to vector<128xf32>
    %broadcast_in_dim3A_104 = vector.shape_cast %reduce_min3A_103 : vector<128xf32> to vector<128x1xf32>
    %max3A_105 = arith.maximumf %max3A_100, %broadcast_in_dim3A_104 : vector<128x1xf32>
    %slice3A_106 = vector.extract_strided_slice %sub3A {offsets = [0, 3584], sizes = [128, 256], strides = [1, 1]} : vector<128x8192xf32> to vector<128x256xf32>
    %reduce_min3A_107 = arith.constant dense<0x7F800000> : vector<128xf32>
    %reduce_min3A_108 = vector.multi_reduction <minimumf>, %slice3A_106, %reduce_min3A_107 [1] : vector<128x256xf32> to vector<128xf32>
    %broadcast_in_dim3A_109 = vector.shape_cast %reduce_min3A_108 : vector<128xf32> to vector<128x1xf32>
    %max3A_110 = arith.maximumf %max3A_105, %broadcast_in_dim3A_109 : vector<128x1xf32>
    %slice3A_111 = vector.extract_strided_slice %sub3A {offsets = [0, 3840], sizes = [128, 256], strides = [1, 1]} : vector<128x8192xf32> to vector<128x256xf32>
    %reduce_min3A_112 = arith.constant dense<0x7F800000> : vector<128xf32>
    %reduce_min3A_113 = vector.multi_reduction <minimumf>, %slice3A_111, %reduce_min3A_112 [1] : vector<128x256xf32> to vector<128xf32>
    %broadcast_in_dim3A_114 = vector.shape_cast %reduce_min3A_113 : vector<128xf32> to vector<128x1xf32>
    %max3A_115 = arith.maximumf %max3A_110, %broadcast_in_dim3A_114 : vector<128x1xf32>
    %slice3A_116 = vector.extract_strided_slice %sub3A {offsets = [0, 4096], sizes = [128, 256], strides = [1, 1]} : vector<128x8192xf32> to vector<128x256xf32>
    %reduce_min3A_117 = arith.constant dense<0x7F800000> : vector<128xf32>
    %reduce_min3A_118 = vector.multi_reduction <minimumf>, %slice3A_116, %reduce_min3A_117 [1] : vector<128x256xf32> to vector<128xf32>
    %broadcast_in_dim3A_119 = vector.shape_cast %reduce_min3A_118 : vector<128xf32> to vector<128x1xf32>
    %max3A_120 = arith.maximumf %max3A_115, %broadcast_in_dim3A_119 : vector<128x1xf32>
    %slice3A_121 = vector.extract_strided_slice %sub3A {offsets = [0, 4352], sizes = [128, 256], strides = [1, 1]} : vector<128x8192xf32> to vector<128x256xf32>
    %reduce_min3A_122 = arith.constant dense<0x7F800000> : vector<128xf32>
    %reduce_min3A_123 = vector.multi_reduction <minimumf>, %slice3A_121, %reduce_min3A_122 [1] : vector<128x256xf32> to vector<128xf32>
    %broadcast_in_dim3A_124 = vector.shape_cast %reduce_min3A_123 : vector<128xf32> to vector<128x1xf32>
    %max3A_125 = arith.maximumf %max3A_120, %broadcast_in_dim3A_124 : vector<128x1xf32>
    %slice3A_126 = vector.extract_strided_slice %sub3A {offsets = [0, 4608], sizes = [128, 256], strides = [1, 1]} : vector<128x8192xf32> to vector<128x256xf32>
    %reduce_min3A_127 = arith.constant dense<0x7F800000> : vector<128xf32>
    %reduce_min3A_128 = vector.multi_reduction <minimumf>, %slice3A_126, %reduce_min3A_127 [1] : vector<128x256xf32> to vector<128xf32>
    %broadcast_in_dim3A_129 = vector.shape_cast %reduce_min3A_128 : vector<128xf32> to vector<128x1xf32>
    %max3A_130 = arith.maximumf %max3A_125, %broadcast_in_dim3A_129 : vector<128x1xf32>
    %slice3A_131 = vector.extract_strided_slice %sub3A {offsets = [0, 4864], sizes = [128, 256], strides = [1, 1]} : vector<128x8192xf32> to vector<128x256xf32>
    %reduce_min3A_132 = arith.constant dense<0x7F800000> : vector<128xf32>
    %reduce_min3A_133 = vector.multi_reduction <minimumf>, %slice3A_131, %reduce_min3A_132 [1] : vector<128x256xf32> to vector<128xf32>
    %broadcast_in_dim3A_134 = vector.shape_cast %reduce_min3A_133 : vector<128xf32> to vector<128x1xf32>
    %max3A_135 = arith.maximumf %max3A_130, %broadcast_in_dim3A_134 : vector<128x1xf32>
    %slice3A_136 = vector.extract_strided_slice %sub3A {offsets = [0, 5120], sizes = [128, 256], strides = [1, 1]} : vector<128x8192xf32> to vector<128x256xf32>
    %reduce_min3A_137 = arith.constant dense<0x7F800000> : vector<128xf32>
    %reduce_min3A_138 = vector.multi_reduction <minimumf>, %slice3A_136, %reduce_min3A_137 [1] : vector<128x256xf32> to vector<128xf32>
    %broadcast_in_dim3A_139 = vector.shape_cast %reduce_min3A_138 : vector<128xf32> to vector<128x1xf32>
    %max3A_140 = arith.maximumf %max3A_135, %broadcast_in_dim3A_139 : vector<128x1xf32>
    %slice3A_141 = vector.extract_strided_slice %sub3A {offsets = [0, 5376], sizes = [128, 256], strides = [1, 1]} : vector<128x8192xf32> to vector<128x256xf32>
    %reduce_min3A_142 = arith.constant dense<0x7F800000> : vector<128xf32>
    %reduce_min3A_143 = vector.multi_reduction <minimumf>, %slice3A_141, %reduce_min3A_142 [1] : vector<128x256xf32> to vector<128xf32>
    %broadcast_in_dim3A_144 = vector.shape_cast %reduce_min3A_143 : vector<128xf32> to vector<128x1xf32>
    %max3A_145 = arith.maximumf %max3A_140, %broadcast_in_dim3A_144 : vector<128x1xf32>
    %slice3A_146 = vector.extract_strided_slice %sub3A {offsets = [0, 5632], sizes = [128, 256], strides = [1, 1]} : vector<128x8192xf32> to vector<128x256xf32>
    %reduce_min3A_147 = arith.constant dense<0x7F800000> : vector<128xf32>
    %reduce_min3A_148 = vector.multi_reduction <minimumf>, %slice3A_146, %reduce_min3A_147 [1] : vector<128x256xf32> to vector<128xf32>
    %broadcast_in_dim3A_149 = vector.shape_cast %reduce_min3A_148 : vector<128xf32> to vector<128x1xf32>
    %max3A_150 = arith.maximumf %max3A_145, %broadcast_in_dim3A_149 : vector<128x1xf32>
    %slice3A_151 = vector.extract_strided_slice %sub3A {offsets = [0, 5888], sizes = [128, 256], strides = [1, 1]} : vector<128x8192xf32> to vector<128x256xf32>
    %reduce_min3A_152 = arith.constant dense<0x7F800000> : vector<128xf32>
    %reduce_min3A_153 = vector.multi_reduction <minimumf>, %slice3A_151, %reduce_min3A_152 [1] : vector<128x256xf32> to vector<128xf32>
    %broadcast_in_dim3A_154 = vector.shape_cast %reduce_min3A_153 : vector<128xf32> to vector<128x1xf32>
    %max3A_155 = arith.maximumf %max3A_150, %broadcast_in_dim3A_154 : vector<128x1xf32>
    %slice3A_156 = vector.extract_strided_slice %sub3A {offsets = [0, 6144], sizes = [128, 256], strides = [1, 1]} : vector<128x8192xf32> to vector<128x256xf32>
    %reduce_min3A_157 = arith.constant dense<0x7F800000> : vector<128xf32>
    %reduce_min3A_158 = vector.multi_reduction <minimumf>, %slice3A_156, %reduce_min3A_157 [1] : vector<128x256xf32> to vector<128xf32>
    %broadcast_in_dim3A_159 = vector.shape_cast %reduce_min3A_158 : vector<128xf32> to vector<128x1xf32>
    %max3A_160 = arith.maximumf %max3A_155, %broadcast_in_dim3A_159 : vector<128x1xf32>
    %slice3A_161 = vector.extract_strided_slice %sub3A {offsets = [0, 6400], sizes = [128, 256], strides = [1, 1]} : vector<128x8192xf32> to vector<128x256xf32>
    %reduce_min3A_162 = arith.constant dense<0x7F800000> : vector<128xf32>
    %reduce_min3A_163 = vector.multi_reduction <minimumf>, %slice3A_161, %reduce_min3A_162 [1] : vector<128x256xf32> to vector<128xf32>
    %broadcast_in_dim3A_164 = vector.shape_cast %reduce_min3A_163 : vector<128xf32> to vector<128x1xf32>
    %max3A_165 = arith.maximumf %max3A_160, %broadcast_in_dim3A_164 : vector<128x1xf32>
    %slice3A_166 = vector.extract_strided_slice %sub3A {offsets = [0, 6656], sizes = [128, 256], strides = [1, 1]} : vector<128x8192xf32> to vector<128x256xf32>
    %reduce_min3A_167 = arith.constant dense<0x7F800000> : vector<128xf32>
    %reduce_min3A_168 = vector.multi_reduction <minimumf>, %slice3A_166, %reduce_min3A_167 [1] : vector<128x256xf32> to vector<128xf32>
    %broadcast_in_dim3A_169 = vector.shape_cast %reduce_min3A_168 : vector<128xf32> to vector<128x1xf32>
    %max3A_170 = arith.maximumf %max3A_165, %broadcast_in_dim3A_169 : vector<128x1xf32>
    %slice3A_171 = vector.extract_strided_slice %sub3A {offsets = [0, 6912], sizes = [128, 256], strides = [1, 1]} : vector<128x8192xf32> to vector<128x256xf32>
    %reduce_min3A_172 = arith.constant dense<0x7F800000> : vector<128xf32>
    %reduce_min3A_173 = vector.multi_reduction <minimumf>, %slice3A_171, %reduce_min3A_172 [1] : vector<128x256xf32> to vector<128xf32>
    %broadcast_in_dim3A_174 = vector.shape_cast %reduce_min3A_173 : vector<128xf32> to vector<128x1xf32>
    %max3A_175 = arith.maximumf %max3A_170, %broadcast_in_dim3A_174 : vector<128x1xf32>
    %slice3A_176 = vector.extract_strided_slice %sub3A {offsets = [0, 7168], sizes = [128, 256], strides = [1, 1]} : vector<128x8192xf32> to vector<128x256xf32>
    %reduce_min3A_177 = arith.constant dense<0x7F800000> : vector<128xf32>
    %reduce_min3A_178 = vector.multi_reduction <minimumf>, %slice3A_176, %reduce_min3A_177 [1] : vector<128x256xf32> to vector<128xf32>
    %broadcast_in_dim3A_179 = vector.shape_cast %reduce_min3A_178 : vector<128xf32> to vector<128x1xf32>
    %max3A_180 = arith.maximumf %max3A_175, %broadcast_in_dim3A_179 : vector<128x1xf32>
    %slice3A_181 = vector.extract_strided_slice %sub3A {offsets = [0, 7424], sizes = [128, 256], strides = [1, 1]} : vector<128x8192xf32> to vector<128x256xf32>
    %reduce_min3A_182 = arith.constant dense<0x7F800000> : vector<128xf32>
    %reduce_min3A_183 = vector.multi_reduction <minimumf>, %slice3A_181, %reduce_min3A_182 [1] : vector<128x256xf32> to vector<128xf32>
    %broadcast_in_dim3A_184 = vector.shape_cast %reduce_min3A_183 : vector<128xf32> to vector<128x1xf32>
    %max3A_185 = arith.maximumf %max3A_180, %broadcast_in_dim3A_184 : vector<128x1xf32>
    %slice3A_186 = vector.extract_strided_slice %sub3A {offsets = [0, 7680], sizes = [128, 256], strides = [1, 1]} : vector<128x8192xf32> to vector<128x256xf32>
    %reduce_min3A_187 = arith.constant dense<0x7F800000> : vector<128xf32>
    %reduce_min3A_188 = vector.multi_reduction <minimumf>, %slice3A_186, %reduce_min3A_187 [1] : vector<128x256xf32> to vector<128xf32>
    %broadcast_in_dim3A_189 = vector.shape_cast %reduce_min3A_188 : vector<128xf32> to vector<128x1xf32>
    %max3A_190 = arith.maximumf %max3A_185, %broadcast_in_dim3A_189 : vector<128x1xf32>
    %slice3A_191 = vector.extract_strided_slice %sub3A {offsets = [0, 7936], sizes = [128, 256], strides = [1, 1]} : vector<128x8192xf32> to vector<128x256xf32>
    %reduce_min3A_192 = arith.constant dense<0x7F800000> : vector<128xf32>
    %reduce_min3A_193 = vector.multi_reduction <minimumf>, %slice3A_191, %reduce_min3A_192 [1] : vector<128x256xf32> to vector<128xf32>
    %broadcast_in_dim3A_194 = vector.shape_cast %reduce_min3A_193 : vector<128xf32> to vector<128x1xf32>
    %max3A_195 = arith.maximumf %max3A_190, %broadcast_in_dim3A_194 : vector<128x1xf32>
    %swap3A_196 = arith.constant 0 : index
    %swap3A_197 = arith.constant 0 : index
    %swap3A_198 = arith.constant 0 : index
    %swap3A_199 = vector.load %arg5[%swap3A_196, %swap3A_197, %swap3A_198] : memref<1x128x1xf32, #tpu.memory_space<vmem>>, vector<1x128x1xf32>
    %swap3A_200 = vector.shape_cast %swap3A_199 : vector<1x128x1xf32> to vector<128x1xf32>
    %swap3A_201 = vector.shape_cast %max3A_195 : vector<128x1xf32> to vector<1x128x1xf32>
    tpu.vector_store %arg5[%swap3A_196, %swap3A_197, %swap3A_198], %swap3A_201 {strides = array<i32>} : memref<1x128x1xf32, #tpu.memory_space<vmem>>, vector<1x128x1xf32>,
    return
  }
  func.func @transform_0(%arg0: i32) -> (i32, i32, i32) {
    %c0_i32 = arith.constant 0 : i32
    %c0_i32_0 = arith.constant 0 : i32
    %c0_i32_1 = arith.constant 0 : i32
    return %arg0, %c0_i32, %c0_i32_0 : i32, i32, i32
  }
  func.func @transform_1(%arg0: i32) -> (i32, i32, i32) {
    %c0_i32 = arith.constant 0 : i32
    %c0_i32_0 = arith.constant 0 : i32
    %c0_i32_1 = arith.constant 0 : i32
    return %arg0, %c0_i32, %c0_i32_0 : i32, i32, i32
  }
  func.func @transform_2(%arg0: i32) -> (i32, i32, i32) {
    %c0_i32 = arith.constant 0 : i32
    %c0_i32_0 = arith.constant 0 : i32
    %c0_i32_1 = arith.constant 0 : i32
    return %arg0, %c0_i32, %c0_i32_0 : i32, i32, i32
  }
  func.func @transform_3(%arg0: i32) -> (i32, i32, i32) {
    %c0_i32 = arith.constant 0 : i32
    %c0_i32_0 = arith.constant 0 : i32
    %c0_i32_1 = arith.constant 0 : i32
    return %arg0, %c0_i32, %c0_i32_0 : i32, i32, i32
  }
  func.func @transform_4(%arg0: i32) -> (i32, i32, i32) {
    %c0_i32 = arith.constant 0 : i32
    %c0_i32_0 = arith.constant 0 : i32
    %c0_i32_1 = arith.constant 0 : i32
    return %arg0, %c0_i32, %c0_i32_0 : i32, i32, i32
  }
}

</mosaic_0001>

<sc_bundles>
// kernel: kernel.5.cloned.1.call-start
scs
__scs_entry_jumppad:
0x0: {  	(pc) =	sbr.rel $0x88, $3  }
0x1: {  	(tag) =	ssettag $0x0;
	lr =	simm.s32 $0x1  }
0x2: {  	[smem:$0x3FA0] =	sst lr;
	_ =	strace $0xD0000000  }
0x3: {  	_ = 	snop  }
0x4: {  	_ = 	snop  }
0x5: {  	_ = 	snop  }
0x6: {  	_ = 	snop  }
0x7: {  	_ = 	snop  }
__scs_overlays_trampoline_lowered:
0x8: {  	[smem:$0x3FAF] =	sst s0  }
0x9: {  	[smem:$0x3FB0] =	sst s1  }
0xa: {  	[smem:$0x3FB1] =	sst s2  }
0xb: {  	[smem:$0x3FB2] =	sst s3  }
0xc: {  	[smem:$0x3FB3] =	sst s4  }
0xd: {  	[smem:$0x3FB4] =	sst s5  }
0xe: {  	[smem:$0x3FB5] =	sst s6  }
0xf: {  	[smem:$0x3FB6] =	sst s7  }
0x10: {  	[smem:$0x3FB7] =	sst s8  }
0x11: {  	[smem:$0x3FB8] =	sst s9;
	s0 =	simm.s32 @!p0 $0x0  }
0x12: {  	s1 =	sld [smem:$0x3F9E];
	s0 =	simm.s32 @p0 $0x1  }
0x13: {  	[smem:$0x3FB9] =	sst s0;
	s0 =	simm.s32 @!p1 $0x0  }
0x14: {  	s2 =	sld [smem:$0x3F9D];
	s0 =	simm.s32 @p1 $0x1  }
0x15: {  	[smem:$0x3FBA] =	sst s0;
	s0 =	simm.s32 @!p2 $0x0  }
0x16: {  	s3 =	sld [smem:$0x3FDB];
	s0 =	simm.s32 @p2 $0x1  }
0x17: {  	s4 =	simm.s32 $0x1BF5;
	[smem:$0x3FBC] =	sst s0  }
0x18: {  	s0 =	sld [smem:$0x3F9F];
	_ =	swait.ge [sflag:s4], $0x0  }
0x19: {  	s7 =	sld [smem:$0x3FA0]  }
0x1a: {  	s8 =	sadd.s32 $0xFFFFE003, lr  }
0x1b: {  	s9 =	sadd.s32 $0xFFFFFEF7, lr;
	s5 =	simm.s32 $0xFFFFFFFF;
	p2 =	slt.u32 s8, $0xFFFFF086  }
0x1c: {  	p1 =	slt.u32 s9, $0xF7A;
	s5 =	simm.s32 @!p2 $0x0  }
0x1d: {  	s5 =	simm.s32 @p1 $0x1;
	p0 =	seq.s32 s7, s2  }
0x1e: {  	s7 =	smul.u32 @!p0 $0xF7A, s2;
	p2 =	seq.s32 @!p0 s5, $0x0  }
0x1f: {  	s9 =	smul.u32 $0xF7A, s1;
	s8 =	simm.s32 @!p0 $0x1BF5;
	p2 =	por !p2, p0  }
0x20: {  	[sflag:s8] =	ssyncset.s32 @!p0 $0xFFFFF086;
	s6 =	sadd.s32 @!p0 s3, s7;
	s7 =	simm.s32 @!p0 $0x108  }
0x21: {  	s3 =	sadd.s32 s3, s9;
	s6 =	sadd.s32 @!p0 $0x88, s6;
	s7 =	simm.s32 @p2 $0x1082  }
0x22: {  	[simem:s7], [sflag:s8] =	dma.local @!p0 [hbm:s6], $0xF7A  }
0x23: {  	s9 =	sor.u32 $0xD0000000, s2;
	s6 =	simm.s32 $0x108;
	_ =	swait.ge @!p0 [sflag:s8], $0x0  }
0x24: {  	s3 =	sadd.s32 $0x88, s3;
	s6 =	simm.s32 @!p1 $0x1082;
	[sflag:s4] =	ssyncset.s32 $0xFFFFF086  }
0x25: {  	[simem:s6], [sflag:s4] =	dma.local [hbm:s3], $0xF7A  }
0x26: {  	[smem:$0x3FA0] =	sst s1;
	(tag) =	ssettag s2;
	_ =	strace s9  }
0x27: {  	s1 =	sld [smem:$0x3FB0]  }
0x28: {  	s2 =	sld [smem:$0x3FB1]  }
0x29: {  	s4 =	sld [smem:$0x3FB3]  }
0x2a: {  	p0 =	seq.s32 s5, $0x0;
	s5 =	sld [smem:$0x3FB4]  }
0x2b: {  	s6 =	sld [smem:$0x3FB5]  }
0x2c: {  	s7 =	sld [smem:$0x3FB6]  }
0x2d: {  	s3 =	simm.s32 $0x108;
	s8 =	sld [smem:$0x3FB7]  }
0x2e: {  	s3 =	simm.s32 @!p0 $0x1082;
	s9 =	sld [smem:$0x3FB8]  }
0x2f: {  	lr =	sadd.s32 s0, s3;
	s0 =	sld [smem:$0x3FAF]  }
0x30: {  	s3 =	sld [smem:$0x3FB2]  }
0x31: {  	[smem:$0x3FBB] =	sst s10  }
0x32: {  	s10 =	sld [smem:$0x3FB9];
	_ =	sdelay $0x3  }
0x33: {  	p0 =	seq.s32 s10, $0x1;
	s10 =	sld [smem:$0x3FBB];
	_ =	sdelay $0x3  }
0x34: {  	[smem:$0x3FBB] =	sst s10  }
0x35: {  	s10 =	sld [smem:$0x3FBA];
	_ =	sdelay $0x3  }
0x36: {  	p1 =	seq.s32 s10, $0x1;
	s10 =	sld [smem:$0x3FBB];
	_ =	sdelay $0x3  }
0x37: {  	[smem:$0x3FBB] =	sst s10  }
0x38: {  	s10 =	sld [smem:$0x3FBC]  }
0x39: {  	_ = 	snop;
	(pc) =	sbr.ind lr, $3  }
0x3a: {  	_ = 	snop  }
0x3b: {  	_ = 	snop  }
0x3c: {  	p2 =	seq.s32 s10, $0x1;
	s10 =	sld [smem:$0x3FBB]  }
0x3d: {  	_ =	shalt  }
0x3e: {  	_ =	shalt  }
0x3f: {  	_ =	shalt  }
0x40: {  	_ =	shalt  }
0x41: {  	_ =	shalt  }
0x42: {  	_ =	shalt  }
0x43: {  	_ =	shalt  }
0x44: {  	_ =	shalt  }
0x45: {  	_ =	shalt  }
0x46: {  	_ =	shalt  }
0x47: {  	_ =	shalt  }
0x48: {  	_ =	shalt  }
0x49: {  	_ =	shalt  }
0x4a: {  	_ =	shalt  }
0x4b: {  	_ =	shalt  }
0x4c: {  	_ =	shalt  }
0x4d: {  	_ =	shalt  }
0x4e: {  	_ =	shalt  }
0x4f: {  	_ =	shalt  }
0x50: {  	_ =	shalt  }
0x51: {  	_ =	shalt  }
0x52: {  	_ =	shalt  }
0x53: {  	_ =	shalt  }
0x54: {  	_ =	shalt  }
0x55: {  	_ =	shalt  }
0x56: {  	_ =	shalt  }
0x57: {  	_ =	shalt  }
0x58: {  	_ =	shalt  }
0x59: {  	_ =	shalt  }
0x5a: {  	_ =	shalt  }
0x5b: {  	_ =	shalt  }
0x5c: {  	_ =	shalt  }
0x5d: {  	_ =	shalt  }
0x5e: {  	_ =	shalt  }
0x5f: {  	_ =	shalt  }
0x60: {  	_ =	shalt  }
0x61: {  	_ =	shalt  }
0x62: {  	_ =	shalt  }
0x63: {  	_ =	shalt  }
0x64: {  	_ =	shalt  }
0x65: {  	_ =	shalt  }
0x66: {  	_ =	shalt  }
0x67: {  	_ =	shalt  }
0x68: {  	_ =	shalt  }
0x69: {  	_ =	shalt  }
0x6a: {  	_ =	shalt  }
0x6b: {  	_ =	shalt  }
0x6c: {  	_ =	shalt  }
0x6d: {  	_ =	shalt  }
0x6e: {  	_ =	shalt  }
0x6f: {  	_ =	shalt  }
0x70: {  	_ =	shalt  }
0x71: {  	_ =	shalt  }
0x72: {  	_ =	shalt  }
0x73: {  	_ =	shalt  }
0x74: {  	_ =	shalt  }
0x75: {  	_ =	shalt  }
0x76: {  	_ =	shalt  }
0x77: {  	_ =	shalt  }
0x78: {  	_ =	shalt  }
0x79: {  	_ =	shalt  }
0x7a: {  	_ =	shalt  }
0x7b: {  	_ =	shalt  }
0x7c: {  	_ =	shalt  }
0x7d: {  	_ =	shalt  }
0x7e: {  	_ =	shalt  }
0x7f: {  	_ =	shalt  }
0x80: {  	_ =	shalt  }
0x81: {  	_ =	shalt  }
0x82: {  	_ =	shalt  }
0x83: {  	_ =	shalt  }
0x84: {  	_ =	shalt  }
0x85: {  	_ =	shalt  }
0x86: {  	_ =	shalt  }
0x87: {  	_ =	shalt  }
.Lfunc_end0:
.L_simem_size_0:
called_computation_lowered:
.L_overlay_start_0:
0x88: {  	s2 =	sld [smem:$0x3FD9]  }
0x89: {  	s3 =	sld [smem:$0x3FFE];
	_ =	sdelay $0x1  }
0x8a: {  	s1 =	srdreg.scid  }
0x8b: {  	s0 =	sand.u32 $0x1, s1  }
0x8c: {  	s14 =	sshll.u32 s0, $0xA;
	s2 =	sadd.s32 s3, s2  }
0x8d: {  	s2 =	sadd.s32 s2, s14  }
0x8e: {  	[smem:$0x3FC7] =	sst s2  }
0x8f: {  	_ = 	snop  }
0x90: {  	s2 =	sld [smem:$0x3FD0];
	_ =	sdelay $0x2  }
0x91: {  	s15 =	simm.s32 $0xA;
	s4 =	simm.s32 $0x10  }
0x92: {  	[smem:s4], [sflag:s15] =	dma.local [hbm:s2], $0x1  }
0x93: {  	_ =	swait.eq [sflag:s15], $0x1  }
0x94: {  	[sflag:s15] =	ssyncset.done $0x0  }
0x95: {  	[sflag:s15] =	ssyncadd.s32 $0xFFFFFFFF  }
0x96: {  	s16 =	sld [smem:$0x10];
	(tm) =	ssettm $0x1  }
0x97: {  	s17 =	sld [smem:$0x3FFB];
	_ =	sdelay $0x3  }
0x98: {  	_ =	strace s17  }
0x99: {  	s3 =	sld [smem:$0x3FFC];
	_ =	sdelay $0x3  }
0x9a: {  	_ =	strace s3  }
0x9b: {  	s3 =	sld [smem:$0x3FFD];
	_ =	sdelay $0x3  }
0x9c: {  	_ =	strace s3  }
0x9d: {  	_ =	strace $0x8FFFFFFF  }
0x9e: {  	s18 =	sld [smem:$0x3FDB];
	_ =	sdelay $0x1  }
0x9f: {  	s19 =	simm.s32 $_scs_section_size  }
0xa0: {  	s5 =	simm.s32 $_size__tile_overlayer_lowered;
	s6 =	simm.s32 $_tile_overlayer_lowered  }
0xa1: {  	s22 =	simm.s32 $0x1BFF;
	s21 =	sshll.u32 s6, $0x1;
	s3 =	sadd.s32 s19, s18  }
0xa2: {  	s7 =	simm.s32 $0x0;
	s20 =	sshll.u32 s5, $0x1;
	s5 =	sadd.s32 s21, s3  }
0xa3: {  	[timem:s7], [sflag:s22] =	dma.local [hbm:s5], s20  }
0xa4: {  	_ =	swait.ge [sflag:s22], s20  }
0xa5: {  	s4 =	ssub.s32 $0x0, s20;
	[sflag:s22] =	ssyncset.done $0x0  }
0xa6: {  	[sflag:s22] =	ssyncadd.s32 s4;
	_ =	sdelay $0x1  }
0xa7: {  	s23 =	simm.s32 $0x1B8B  }
0xa8: {  	_ =	swait.ge [sflag:s23], $0x1  }
0xa9: {  	[sflag:s23] =	ssyncset.done $0x0  }
0xaa: {  	s25 =	simm.s32 $0x1B8E;
	s24 =	sld [smem:$0x3FFE];
	[sflag:s23] =	ssyncadd.s32 $0xFFFFFFFF  }
0xab: {  	s26 =	simm.s32 $execute0_lowered;
	[smem:$0x3FD2] =	sst s25  }
0xac: {  	s5 =	sshll.u32 s26, $0x1;
	_ =	strace $0x80000046;
	[dreg:$0x1] =	wrdreg $0xFFFFFFFF  }
0xad: {  	s28 =	simm.s32 $_size_execute0_lowered;
	s3 =	sadd.s32 s3, s5;
	[dreg:$0x0] =	wrdreg $0x0  }
0xae: {  	s5 =	sshll.u32 s28, $0x1;
	[dreg:$0x2] =	wrdreg s3  }
0xaf: {  	[dreg:$0x3] =	wrdreg s5  }
0xb0: {  	[dreg:$0x4] =	wrdreg $0xC0  }
0xb1: {  	_ =	task [dreg:s7], $0x5FFFF  }
0xb2: {  	[dreg:$0x1] =	wrdreg $0xFFFFFFFF  }
0xb3: {  	[dreg:$0x0] =	wrdreg $0x60  }
0xb4: {  	[dreg:$0x2] =	wrdreg s24  }
0xb5: {  	[dreg:$0x3] =	wrdreg s16  }
0xb6: {  	[dreg:$0x4] =	wrdreg $0x9  }
0xb7: {  	_ =	task.clear_ibuf [dreg:s7], $0x5FFFF;
	_ =	strace $0x90000046  }
0xb8: {  	s29 =	simm.s32 $0x9;
	_ =	strace $0x80000048  }
0xb9: {  	_ =	swait.ge [sflag:s29], $0x1  }
0xba: {  	[sflag:s29] =	ssyncadd.s32 $0xFFFFFFFF  }
0xbb: {  	_ =	strace $0x90000048  }
0xbc: {  	_ =	sfence  }
0xbd: {  	s30 =	sld [smem:$0x0];
	_ =	sdelay $0x2  }
0xbe: {  	s31 =	sshll.u32 s1, $0xD;
	s1 =	sshrl.u32 s1, $0x2  }
0xbf: {  	s3 =	sand.u32 $0x4000, s31;
	s1 =	sadd.s32 s1, s30  }
0xc0: {  	s0 =	sor.u32 s3, s0;
	s1 =	sshll.u32 s1, $0x11  }
0xc1: {  	s0 =	sor.u32 s1, s0  }
0xc2: {  	s0 =	sadd.s32 $0x8F2B, s0  }
0xc3: {  	[sflag:s0] =	ssyncadd.remote.s32 $0x1  }
0xc4: {  	_ =	sfence.sel $0xFFFF  }
0xc5: {  	[dreg:$0x0] =	wrdreg $0xFFFFFFFF;
	(pc) =	sbr.abs _section_cstart, $3  }
0xc6: {  	[dreg:$0x1] =	wrdreg $0xFFFFFFFF  }
0xc7: {  	_ =	task.clear_ibuf [dreg:s7], $0x2FFFF;
	_ =	strace $0x9FFFFFFF  }
0xc8: {  	(tm) =	ssettm $0x7FFFFFFF  }
0xc9: {  	_ =	shalt  }
tec
execute0_lowered:
.L_overlay_start_1:
0x0: {  	(tag) =	ssettag $0x1  }
0x1: {  	s2 =	stileid.u32;
	s1 =	rddreg [dreg:$0x0];
	v1 =	vlaneseq.u32  }
0x2: {  	v2 =	vimm.f32 $+Inf;
	s22 =	rddreg [dreg:$0x1];
	v3 =	vimm.s32 $0x0;
	vm0 =	vmmov $0x1;
	s3 =	srdreg.scid  }
0x3: {  	s5 =	simm.s32 $0x0;
	vm3 =	vcmask $0xB10;
	vm4 =	vcmask $0xF14;
	vm5 =	vcmask $0x1318;
	s13 =	simm.s32 $0x4;
	s15 =	simm.s32 $0x80  }
0x4: {  	vm6 =	vcmask $0x171C;
	vm7 =	vcmask $0x1B20;
	vm8 =	vcmask $0x1F24;
	s16 =	simm.s32 $0x400;
	s18 =	simm.s32 $0x1;
	s19 =	simm.s32 $0x4000  }
0x5: {  	vm9 =	vcmask $0x2328;
	vm10 =	vcmask $0x272C;
	vm11 =	vcmask $0x2B30;
	s20 =	simm.s32 $0x6000;
	s21 =	simm.s32 $0x8000;
	s28 =	simm.s32 $0x3  }
0x6: {  	vm12 =	vcmask $0x2F34;
	vm13 =	vcmask $0x3338;
	vm14 =	vcmask $0x373C;
	s29 =	simm.s32 $0x9900;
	s30 =	simm.s32 $0x2;
	s0 =	sshll.u32 s2, $0xC  }
0x7: {  	vm15 =	vmmov $0x7fff;
	v4 =	vor.u32 $0x80, v1;
	v5 =	vor.u32 $0x100, v1;
	s3 =	sand.u32 $0x1, s3;
	s4 =	sshll.u32 s2, $0x1;
	[smem:$0x7FF] =	sst s5  }
0x8: {  	v6 =	vor.u32 $0x180, v1;
	v7 =	vor.u32 $0x200, v1;
	v8 =	vor.u32 $0x280, v1;
	s5 =	sadd.s32 $0x20600, s1;
	s0 =	sand.u32 $0xE000, s0;
	s7 =	sor.u32 s3, s4  }
0x9: {  	v9 =	vor.u32 $0x300, v1;
	v10 =	vor.u32 $0x380, v1;
	v11 =	vor.u32 $0x400, v1;
	_ =	strace $0x80000047;
	s6 =	ssub.s32 $0x2, s3;
	s3 =	sadd.s32 $0x100400, s1  }
0xa: {  	v12 =	vor.u32 $0x480, v1;
	v13 =	vor.u32 $0x500, v1;
	v14 =	vor.u32 $0x580, v1;
	s4 =	sshll.u32 s7, $0x2;
	s9 =	sshrl.u32 s6, $0x1;
	s24 =	sshll.u32 s7, $0x6  }
0xb: {  	v15 =	vor.u32 $0x600, v1;
	v16 =	vor.u32 $0x680, v1;
	v17 =	vor.u32 $0x700, v1;
	s10 =	sshll.u32 s7, $0xF;
	s8 =	sadd.s32 s4, s1;
	s4 =	sadd.s32 $0x400, s1  }
0xc: {  	v18 =	vor.u32 $0x780, v1;
	v19 =	vor.u32 $0x800, v1;
	v0 =	vmov s0;
	s23 =	ssub.s32 s6, s9;
	s6 =	sshll.u32 s7, $0x5;
	s0 =	sadd.s32 s22, s24  }
.Ltmp0:
0xd: {  	v20 =	vor.u32 $0x880, v1;
	v21 =	vor.u32 $0x900, v1;
	v22 =	vor.u32 $0x980, v1;
	s26 =	sadd.s32 s3, s10;
	s10 =	sshllo.u32 s7, $0x5;
	(pc) =	sbr.rel .LBB2_1-.Ltmp0, $4  }
0xe: {  	v23 =	vor.u32 $0xA00, v1;
	v24 =	vor.u32 $0xA80, v1;
	v25 =	vor.u32 $0xB00, v1;
	s22 =	simm.s32 $0x8400;
	s24 =	simm.s32 $0x20;
	[dreg:$0x4] =	wrdreg s0  }
0xf: {  	v26 =	vor.u32 $0xB80, v1;
	v27 =	vor.u32 $0xC00, v1;
	v28 =	vor.u32 $0xC80, v1;
	s1 =	simm.s32 $0x0;
	s25 =	sadd.s32 $0x20400, s8;
	[dreg:$0x5] =	wrdreg s26  }
0x10: {  	v29 =	vor.u32 $0xD00, v1;
	v30 =	vor.u32 $0xD80, v1;
	v31 =	vor.u32 $0xE00, v1;
	s31 =	smax.u32 s23, $0x1;
	s23 =	simm.s32 $0x8800;
	[dreg:$0x3] =	wrdreg s25  }
0x11: {  	v32 =	vor.u32 $0xE80, v1;
	v33 =	vor.u32 $0xF00, v1;
	v34 =	vor.u32 $0xF80, v1;
	s26 =	simm.s32 $0x8900;
	[dreg:$0x6] =	wrdreg s31;
	s25 =	simm.s32 $0x8880  }
.LBB2_37:
0x12: {  	_ =	swait.ge [sflag:s18], $0x2000  }
0x13: {  	s1 =	rddreg [dreg:$0x7]  }
0x14: {  	s0 =	rddreg [dreg:$0x6];
	s1 =	sadd.s32 $0x1, s1  }
0x15: {  	p0 =	sne.s32 s1, s0  }
.Ltmp1:
0x16: {  	_ = 	snop;
	(pc) =	sbr.rel @!p0 .LBB2_38-.Ltmp1, $3  }
0x17: {  	_ =	sdelay $0x1  }
0x18: {  	[sflag:s18] =	ssyncset.done $0x0  }
0x19: {  	[sflag:s18] =	ssyncadd.s32 $0xFFFFE000  }
.LBB2_1:
0x1a: {  	[dreg:$0x7] =	wrdreg s1  }
0x1b: {  	s0 =	simm.s32 $0x0;
	s12 =	rddreg [dreg:$0x3];
	s2 =	simm.s32 $0xAB00  }
0x1c: {  	[tilespmem:s2], [sflag:$0x4] =	stream.linear.gather [hbm4b:s12+s0], $0x20, $0x38;
	[tilespmem:$0xAB80] =	vst v63  }
0x1d: {  	_ =	swait.ge [sflag:s13], $0x20  }
0x1e: {  	[sflag:s13] =	ssyncset.done $0x0  }
0x1f: {  	s17 =	simm.s32 $0xA900;
	s14 =	rddreg [dreg:$0x4];
	[sflag:s13] =	ssyncadd.s32 $0xFFFFFFE0  }
0x20: {  	[tilespmem:s17], [sflag:$0x4] =	stream.linear.gather [hbm4b:s14+s0], $0x200, $0x38;
	[tilespmem:$0xAB80] =	vst v63  }
0x21: {  	_ =	swait.ge [sflag:s13], $0x200  }
0x22: {  	[sflag:s13] =	ssyncset.done $0x0  }
0x23: {  	s1 =	simm.s32 $0x0;
	s31 =	rddreg [dreg:$0x5];
	[sflag:s13] =	ssyncadd.s32 $0xFFFFFE00  }
0x24: {  	[tilespmem:s0], [sflag:$0x1] =	stream.strided.gather [hbm4b:s31+s15], $0x2000, s16, s15, $0x38;
	[tilespmem:$0xAB80] =	vst v63  }
.LBB2_2:
0x25: {  	s12 =	sshll.u32 s1, $0x1  }
0x26: {  	s7 =	sor.u32 s6, s12  }
0x27: {  	s0 =	sor.u32 $0x1, s7;
	s8 =	sshll.u32 s7, $0xA  }
0x28: {  	s8 =	sand.u32 $0xFFFE000, s8;
	s9 =	sshll.u32 s0, $0x4  }
0x29: {  	s9 =	sand.u32 $0x70, s9;
	s8 =	sadd.s32 s3, s8  }
0x2a: {  	s2 =	simm.s32 $0x2000;
	s8 =	sadd.s32 s9, s8  }
0x2b: {  	[tilespmem:s2], [sflag:$0x2] =	stream.strided.gather [hbm4b:s8+s15], $0x2000, s16, s15, $0x38;
	[tilespmem:$0xAB80] =	vst v63  }
0x2c: {  	_ =	swait.ge [sflag:s18], $0x2000  }
0x2d: {  	[sflag:s18] =	ssyncset.done $0x0  }
0x2e: {  	s14 =	sand.u32 $0x10, s12;
	[sflag:s18] =	ssyncadd.s32 $0xFFFFE000  }
0x2f: {  	v35 =	vld [tilespmem:s14+$0xAB00];
	_ =	sdelay $0x1  }
0x30: {  	s17 =	sand.u32 $0xE, s12  }
0x31: {  	v36 =	vmov s17  }
0x32: {  	vm1 =	veq.s32 v36, v1  }
0x33: {  	v35 =	vnsel vm1, $0x0, v35  }
0x34: {  	(xrf2) =	vadd.scan.msk.f32 $0xffff, v35;
	_ =	sdelay $0x6  }
0x35: {  	s31 =	simm.s32 $0x0  }
0x36: {  	v37 =	vld [tilespmem:s31+$0x0];
	_ =	sdelay $0x1  }
0x37: {  	v36 =	vimm.s32 $0x0;
	v35, _, _ =	vpop (xrf2)  }
0x38: {  	v38 =	vor.u32 v1, v36;
	v35 =	vbroadcast v35, $0xF;
	_ =	sdelay $0x1  }
0x39: {  	vm1 =	vle.f32 v37, v35  }
0x3a: {  	v39 =	vmpcnt.ones.xlane vm1  }
0x3b: {  	v40 =	vor.u32 s31, v1;
	v37 =	vnsel vm1, $0x7F61B1E6, v37  }
0x3c: {  	v40 =	vnsel vm1, $0x40000000, v40;
	[tilespmem:v38+s19+$0x0] =	vst.idx.msk $0xffff, v37;
	vm1 =	vlt.s32 v39, $0x1  }
0x3d: {  	s8 =	simm.s32 $0x10;
	[tilespmem:v38+s20+$0x0] =	vst.idx.msk $0xffff, v40;
	v63 =	vnsel vm1, $0x1, v39  }
0x3e: {  	s11 =	simm.s32 $0x10;
	s9 =	simm.s32 $0x20;
	v37 =	vld [tilespmem:s8+$0x0];
	v38 =	vshll.u32 v63, $0x4  }
.LBB2_3:
0x3f: {  	p0 =	seq.s32 s9, $0x1FF0;
	v36 =	vadd.s32 v36, v38  }
0x40: {  	v38 =	vor.u32 v1, v36;
	_ =	sdelay $0x2  }
0x41: {  	v39 =	vor.u32 s8, v1;
	s8 =	smov.u32 s9;
	vm1 =	vle.f32 v37, v35  }
.Ltmp2:
0x42: {  	v40 =	vmpcnt.ones.xlane vm1;
	v37 =	vnsel vm1, $0x7F61B1E6, v37;
	v39 =	vnsel vm1, $0x40000000, v39;
	(pc) =	sbr.rel @!p0 .LBB2_3-.Ltmp2, $4  }
0x43: {  	[tilespmem:v38+s19+$0x0] =	vst.idx.msk $0xffff, v37  }
0x44: {  	[tilespmem:v38+s20+$0x0] =	vst.idx.msk $0xffff, v39;
	vm1 =	vlt.s32 v40, $0x1  }
0x45: {  	s11 =	sadd.s32 $0x10, s11;
	v38 =	vnsel vm1, $0x1, v40  }
0x46: {  	s9 =	sadd.s32 $0x10, s9;
	v37 =	vld [tilespmem:s11+$0x0];
	v38 =	vshll.u32 v38, $0x4  }
0x47: {  	_ =	sdelay $0x2  }
0x48: {  	v36 =	vadd.s32 v36, v38  }
0x49: {  	v38 =	vor.u32 v1, v36;
	vm1 =	vle.f32 v37, v35  }
0x4a: {  	v35 =	vmpcnt.ones.xlane vm1;
	_ =	sdelay $0x1  }
0x4b: {  	vm2 =	vlt.s32 v35, $0x1  }
0x4c: {  	v39 =	vor.u32 s8, v1;
	v37 =	vnsel vm1, $0x7F61B1E6, v37;
	v35 =	vnsel vm2, $0x1, v35  }
0x4d: {  	v39 =	vnsel vm1, $0x40000000, v39;
	[tilespmem:v38+s19+$0x0] =	vst.idx.msk $0xffff, v37;
	v35 =	vshll.u32 v35, $0x4  }
0x4e: {  	s8 =	simm.s32 $0x40;
	s9 =	simm.s32 $0x0;
	[tilespmem:v38+s20+$0x0] =	vst.idx.msk $0xffff, v39;
	v35 =	vadd.s32 v36, v35  }
.LBB2_5:
0x4f: {  	p0 =	seq.s32 s8, $0xFC0;
	[tilespmem:s9+$0x8000] =	vst v2;
	s9 =	smov.u32 s8;
	s8 =	sadd.s32 $0x40, s8  }
.Ltmp3:
0x50: {  	(pc) =	sbr.rel @!p0 .LBB2_5-.Ltmp3, $2  }
0x51: {  	_ =	sdelay $0x2  }
0x52: {  	s9 =	sshra.s32 s9, $0x2  }
0x53: {  	v35 =	vxor.u32 $0x80000000, v35  }
0x54: {  	(xrf0) =	vmax.scan.msk.u32 $0xffff, v35;
	_ =	sdelay $0x5  }
0x55: {  	v35, _, _ =	vpop (xrf0)  }
0x56: {  	(v2sf) =	vpush v35, $0xF;
	_ =	sdelay $0xe  }
0x57: {  	s8 =	spop (v2sf)  }
0x58: {  	s8 =	sshra.s32 s8, $0x4  }
0x59: {  	[tilespmem:s9+$0x8000] =	vst v2;
	s9 =	sxor.u32 $0xF8000000, s8  }
0x5a: {  	p0 =	sgt.s32 s9, $0x0  }
.Ltmp4:
0x5b: {  	_ = 	snop;
	(pc) =	sbr.rel @!p0 .LBB2_13-.Ltmp4, $1  }
0x5c: {  	_ =	sdelay $0x3  }
0x5d: {  	p1 =	sne.s32 s9, $0x1  }
.Ltmp5:
0x5e: {  	_ = 	snop;
	(pc) =	sbr.rel @!p1 .LBB2_8-.Ltmp5, $3  }
0x5f: {  	_ =	sdelay $0x1  }
0x60: {  	s11 =	simm.s32 $0x4000  }
0x61: {  	v36 =	vimm.s32 $0x0;
	s8 =	simm.s32 $0x6000;
	s9 =	sadd.s32 $0xFFFFFFFF, s9;
	p0 =	por $0x0, $0x0;
	v35 =	vld [tilespmem:s11+$0x0]  }
0x62: {  	_ =	sdelay $0x3  }
0x63: {  	vm1 =	vlt.f32 v35, $3.000000010e+38  }
0x64: {  	v37 =	vsel vm1, $0x1, v3  }
0x65: {  	(xrf0) =	vadd.scan.msk.s32 $0xffff, v37;
	_ =	sdelay $0x4  }
0x66: {  	v62 =	vsel vm1, $0xFFFFFFFF, v3  }
0x67: {  	v37 =	vadd.s32 v62, v36;
	v38, _, _ =	vpop (xrf0)  }
0x68: {  	v37 =	vadd.s32 v38, v37  }
0x69: {  	vm2 =	vlt.s32 v37, $0x3FF  }
0x6a: {  	v37 =	vnsel vm2, $0x3FF, v37  }
0x6b: {  	v63 =	vld [tilespmem:s8+$0x0];
	_ =	sdelay $0x1  }
0x6c: {  	p1 =	sne.s32 s9, $0x1  }
.Ltmp6:
0x6d: {  	_ = 	snop;
	(pc) =	sbr.rel @!p1 .LBB2_10-.Ltmp6, $4  }
0x6e: {  	v39 =	vmpcnt.ones.xlane vm1;
	[tilespmem:v37+s21+$0x0] =	vst.idx.msk vm1, v35  }
0x6f: {  	s11 =	simm.s32 $0x4010;
	[tilespmem:v37+s22+$0x0] =	vst.idx.msk vm1, v63  }
0x70: {  	v36 =	vadd.s32 v36, v39;
	v35 =	vld [tilespmem:s11+$0x0]  }
0x71: {  	s31 =	sadd.s32 $0xFFFFFFFF, s9;
	p0 =	por $0x1, $0x1;
	s9 =	simm.s32 $0x6000;
	v37 =	vmov v36  }
.LBB2_11:
0x72: {  	p1 =	sne.s32 s31, $0x1;
	_ =	sdelay $0x2  }
0x73: {  	vm1 =	vlt.f32 v35, $3.000000010e+38  }
0x74: {  	v38 =	vsel vm1, $0x1, v3;
	v39 =	vmpcnt.ones.xlane vm1  }
0x75: {  	(xrf0) =	vadd.scan.msk.s32 $0xffff, v38  }
0x76: {  	v37 =	vadd.s32 v37, v39;
	_ =	sdelay $0x3  }
0x77: {  	v38 =	vsel vm1, $0xFFFFFFFF, v3  }
0x78: {  	v38 =	vadd.s32 v38, v36;
	v36 =	vmov v37;
	v39, _, _ =	vpop (xrf0)  }
0x79: {  	v38 =	vadd.s32 v39, v38  }
0x7a: {  	vm2 =	vlt.s32 v38, $0x3FF  }
0x7b: {  	s9 =	sadd.s32 $0x10, s9;
	v38 =	vnsel vm2, $0x3FF, v38  }
0x7c: {  	v39 =	vld [tilespmem:s9+$0x0];
	_ =	sdelay $0x2  }
.Ltmp7:
0x7d: {  	(pc) =	sbr.rel @p1 .LBB2_11-.Ltmp7, $4  }
0x7e: {  	[tilespmem:v38+s21+$0x0] =	vst.idx.msk vm1, v35  }
0x7f: {  	s11 =	sadd.s32 $0x10, s11;
	[tilespmem:v38+s22+$0x0] =	vst.idx.msk vm1, v39  }
0x80: {  	v35 =	vld [tilespmem:s11+$0x0]  }
0x81: {  	s31 =	sadd.s32 $0xFFFFFFFF, s31  }
.LBB2_12:
0x82: {  	_ =	sdelay $0x2  }
0x83: {  	vm1 =	vlt.f32 v35, $3.000000010e+38  }
0x84: {  	v37 =	vsel vm1, $0x1, v3  }
0x85: {  	(xrf0) =	vadd.scan.msk.s32 $0xffff, v37;
	_ =	sdelay $0x4  }
0x86: {  	v61 =	vsel vm1, $0xFFFFFFFF, v3  }
0x87: {  	v36 =	vadd.s32 v61, v36;
	v62, _, _ =	vpop (xrf0)  }
0x88: {  	v36 =	vadd.s32 v62, v36  }
0x89: {  	s9 =	sadd.s32 @p0 $0x10, s9;
	vm2 =	vlt.s32 v36, $0x3FF  }
0x8a: {  	s8 =	smov.u32 @p0 s9;
	v36 =	vnsel vm2, $0x3FF, v36  }
0x8b: {  	v63 =	vld [tilespmem:s8+$0x0];
	_ =	sdelay $0x3  }
0x8c: {  	[tilespmem:v36+s21+$0x0] =	vst.idx.msk vm1, v35  }
0x8d: {  	[tilespmem:v36+s22+$0x0] =	vst.idx.msk vm1, v63  }
.LBB2_13:
0x8e: {  	s8 =	sadd.s32 $0x2, s7  }
0x8f: {  	s9 =	simm.s32 $0x0;
	s8 =	smin.u32 s8, s10  }
.LBB2_14:
0x90: {  	s31 =	simm.s32 $0x0  }
0x91: {  	v35 =	vimm.f32 $+Inf;
	s11 =	simm.s32 $0x40;
	v36 =	vld [tilespmem:s31+$0x8000]  }
.LBB2_15:
0x92: {  	p0 =	sne.s32 s11, $0xFC0  }
.Ltmp8:
0x93: {  	_ = 	snop;
	(pc) =	sbr.rel @p0 .LBB2_15-.Ltmp8, $3  }
0x94: {  	_ =	sdelay $0x1  }
0x95: {  	s31 =	sshra.s32 s11, $0x2;
	s11 =	sadd.s32 $0x40, s11;
	v35 =	vmin.f32 v35, v36  }
0x96: {  	v36 =	vld [tilespmem:s31+$0x8000]  }
0x97: {  	_ =	sdelay $0x3  }
0x98: {  	v35 =	vmin.f32 v35, v36  }
0x99: {  	(xrf0) =	vmin.scan.msk.f32 $0xffff, v35;
	_ =	sdelay $0x2  }
0x9a: {  	s11 =	simm.s32 $0x8000  }
0x9b: {  	v37 =	vld [tilespmem:s11+$0x0];
	_ =	sdelay $0x1  }
0x9c: {  	v35, _, _ =	vpop (xrf0)  }
0x9d: {  	v36 =	vbroadcast v35, $0xF  }
0x9e: {  	s31 =	simm.s32 $0x0  }
0x9f: {  	s11 =	simm.s32 $0x10;
	v35 =	vimm.s32 $0x40000000;
	vm1 =	veq.f32 v37, v36;
	v37 =	vor.u32 s31, v1;
	s31 =	simm.s32 $0x8010  }
.LBB2_17:
0xa0: {  	v38 =	vld [tilespmem:s31+$0x0];
	p0 =	sne.s32 s11, $0x3F0;
	v37 =	vnsel vm1, $0x40000000, v37;
	s17 =	smov.u32 s11;
	s11 =	sadd.s32 $0x10, s11  }
.Ltmp9:
0xa1: {  	vm1 =	vlt.s32 v35, v37;
	(pc) =	sbr.rel @p0 .LBB2_17-.Ltmp9, $2  }
0xa2: {  	v35 =	vsel vm1, v35, v37;
	_ =	sdelay $0x2  }
0xa3: {  	s31 =	sadd.s32 $0x10, s31;
	v37 =	vor.u32 s17, v1;
	vm1 =	veq.f32 v38, v36  }
0xa4: {  	v36 =	vnsel vm1, $0x40000000, v37  }
0xa5: {  	vm1 =	vlt.s32 v35, v36  }
0xa6: {  	v35 =	vsel vm1, v35, v36  }
0xa7: {  	v35 =	vxor.u32 $0x80000000, v35  }
0xa8: {  	(xrf0) =	vmin.scan.msk.u32 $0xffff, v35;
	_ =	sdelay $0x5  }
0xa9: {  	v35, _, _ =	vpop (xrf0)  }
0xaa: {  	(v2sf) =	vpush v35, $0xF;
	_ =	sdelay $0xe  }
0xab: {  	s11 =	spop (v2sf)  }
0xac: {  	s17 =	sxor.u32 $0x80000000, s11  }
0xad: {  	s2 =	sand.u32 $0x70, s11;
	s31 =	sand.u32 $0xFFFFFF80, s17  }
0xae: {  	s2 =	sor.u32 s2, s31  }
0xaf: {  	v59 =	vld [tilespmem:s2+$0x8400];
	_ =	sdelay $0x1  }
0xb0: {  	s31 =	sand.u32 $0xF, s11  }
0xb1: {  	v60 =	vmov s31  }
0xb2: {  	vm1 =	veq.s32 v60, v1  }
0xb3: {  	v35 =	vnsel vm1, $0x0, v59  }
0xb4: {  	(xrf0) =	vadd.scan.msk.s32 $0xffff, v35;
	_ =	sdelay $0x3  }
0xb5: {  	v61 =	vmov s9;
	s9 =	sadd.s32 $0x1, s9  }
0xb6: {  	p0 =	sne.s32 s9, $0x20;
	v62 =	vmov s17  }
.Ltmp10:
0xb7: {  	v63, _, _ =	vpop (xrf0);
	(pc) =	sbr.rel @p0 .LBB2_14-.Ltmp10, $3  }
0xb8: {  	v37 =	vbroadcast v63, $0xF;
	_ =	sdelay $0x1  }
0xb9: {  	[tilespmem:v61+s23+$0x0] =	vst.idx.msk $0x1, v37  }
0xba: {  	[tilespmem:v62+s21+$0x0] =	vst.idx.msk $0x1, v2  }
0xbb: {  	v35 =	vld [tilespmem:$0x8800]  }
0xbc: {  	v36 =	vld [tilespmem:$0x8810];
	_ =	sdelay $0x3  }
0xbd: {  	v35 =	vadd.s32 v0, v35  }
0xbe: {  	v36 =	vadd.s32 v0, v36;
	v35 =	vshra.s32 v35, $0x3  }
0xbf: {  	v58 =	vshra.s32 v36, $0x3;
	[tilespmem:$0x8880] =	vst v35  }
0xc0: {  	[tilespmem:$0x8890] =	vst v58  }
0xc1: {  	[tilespmem:s26], [sflag:$0x3] =	stream.indirect.gather [hbm4b:s4+s24], $0x80, s25, s24, $0xb8;
	[tilespmem:$0xAB80] =	vst v63  }
0xc2: {  	_ =	swait.ge [sflag:s28], $0x1000  }
0xc3: {  	[sflag:s28] =	ssyncset.done $0x0  }
0xc4: {  	[sflag:s28] =	ssyncadd.s32 $0xFFFFF000  }
0xc5: {  	v59 =	vld [tilespmem:$0x8800];
	_ =	sdelay $0x4  }
0xc6: {  	v35 =	vnsel vm0, $0x0, v59  }
0xc7: {  	(xrf0) =	vadd.scan.msk.s32 $0xffff, v35;
	_ =	sdelay $0x1  }
0xc8: {  	v60 =	vld [tilespmem:$0x8800];
	_ =	sdelay $0x3  }
0xc9: {  	vm1 =	vcmask $0x308;
	v61, _, _ =	vpop (xrf0)  }
0xca: {  	v35 =	vsel vm1, $0x0, v60;
	(v2sf) =	vpush v61, $0xF  }
0xcb: {  	(xrf0) =	vadd.scan.msk.s32 $0xffff, v35;
	_ =	sdelay $0x1  }
0xcc: {  	v62 =	vld [tilespmem:$0x8800];
	_ =	sdelay $0x3  }
0xcd: {  	vm2 =	vcmask $0x70C;
	v63, _, _ =	vpop (xrf0)  }
0xce: {  	v35 =	vsel vm2, $0x0, v62;
	(v2sf) =	vpush v63, $0xF  }
0xcf: {  	(xrf0) =	vadd.scan.msk.s32 $0xffff, v35;
	_ =	sdelay $0x1  }
0xd0: {  	v40 =	vld [tilespmem:$0x8800];
	_ =	sdelay $0x3  }
0xd1: {  	v41, _, _ =	vpop (xrf0);
	s2 =	spop (v2sf)  }
0xd2: {  	v35 =	vsel vm3, $0x0, v40;
	(v2sf) =	vpush v41, $0xF;
	s2 =	sshll.u32 s2, $0x4  }
0xd3: {  	(xrf0) =	vadd.scan.msk.s32 $0xffff, v35;
	s2 =	sand.u32 $0x70, s2  }
0xd4: {  	v42 =	vor.u32 s2, v1  }
0xd5: {  	v37 =	vld [tilespmem:$0x8800]  }
0xd6: {  	s31 =	sshll.u32 s1, $0x5  }
0xd7: {  	s2 =	sand.u32 $0x3FFFFFE0, s31  }
0xd8: {  	v35 =	vld [tilespmem:s2+$0xA900]  }
0xd9: {  	v38, _, _ =	vpop (xrf0);
	s9 =	spop (v2sf);
	v36 =	vld.idx.msk [tilespmem:v42+s26+$0x0], $0xffff  }
0xda: {  	v37 =	vsel vm4, $0x0, v37;
	(v2sf) =	vpush v38, $0xF;
	s2 =	sshll.u32 s9, $0x4  }
0xdb: {  	(xrf0) =	vadd.scan.msk.s32 $0xffff, v37;
	s2 =	sand.u32 $0x70, s2  }
0xdc: {  	v43 =	vor.u32 s2, v4  }
0xdd: {  	v44 =	vld [tilespmem:$0x8800]  }
0xde: {  	v36 =	vsub.f32 v36, v35;
	_ =	sdelay $0x1  }
0xdf: {  	[tilespmem:$0x9900] =	vst v36  }
0xe0: {  	v45, _, _ =	vpop (xrf0);
	s11 =	spop (v2sf);
	v36 =	vld.idx.msk [tilespmem:v43+s26+$0x0], $0xffff  }
0xe1: {  	v46 =	vsel vm5, $0x0, v44;
	(v2sf) =	vpush v45, $0xF;
	s2 =	sshll.u32 s11, $0x4  }
0xe2: {  	(xrf0) =	vadd.scan.msk.s32 $0xffff, v46;
	s2 =	sand.u32 $0x70, s2  }
0xe3: {  	v47 =	vor.u32 s2, v5  }
0xe4: {  	v48 =	vld [tilespmem:$0x8800]  }
0xe5: {  	v36 =	vsub.f32 v36, v35;
	_ =	sdelay $0x1  }
0xe6: {  	[tilespmem:$0x9980] =	vst v36  }
0xe7: {  	v49, _, _ =	vpop (xrf0);
	s17 =	spop (v2sf);
	v36 =	vld.idx.msk [tilespmem:v47+s26+$0x0], $0xffff  }
0xe8: {  	v50 =	vsel vm6, $0x0, v48;
	(v2sf) =	vpush v49, $0xF;
	s2 =	sshll.u32 s17, $0x4  }
0xe9: {  	(xrf0) =	vadd.scan.msk.s32 $0xffff, v50;
	s2 =	sand.u32 $0x70, s2  }
0xea: {  	v51 =	vor.u32 s2, v6  }
0xeb: {  	v52 =	vld [tilespmem:$0x8800]  }
0xec: {  	v36 =	vsub.f32 v36, v35;
	_ =	sdelay $0x1  }
0xed: {  	[tilespmem:$0x9A00] =	vst v36  }
0xee: {  	v53, _, _ =	vpop (xrf0);
	s31 =	spop (v2sf);
	v36 =	vld.idx.msk [tilespmem:v51+s26+$0x0], $0xffff  }
0xef: {  	v54 =	vsel vm7, $0x0, v52;
	(v2sf) =	vpush v53, $0xF;
	s2 =	sshll.u32 s31, $0x4  }
0xf0: {  	(xrf0) =	vadd.scan.msk.s32 $0xffff, v54;
	s2 =	sand.u32 $0x70, s2  }
0xf1: {  	v55 =	vor.u32 s2, v7  }
0xf2: {  	v56 =	vld [tilespmem:$0x8800]  }
0xf3: {  	v36 =	vsub.f32 v36, v35;
	_ =	sdelay $0x1  }
0xf4: {  	[tilespmem:$0x9A80] =	vst v36  }
0xf5: {  	v57, _, _ =	vpop (xrf0);
	s9 =	spop (v2sf);
	v36 =	vld.idx.msk [tilespmem:v55+s26+$0x0], $0xffff  }
0xf6: {  	v58 =	vsel vm8, $0x0, v56;
	(v2sf) =	vpush v57, $0xF;
	s2 =	sshll.u32 s9, $0x4  }
0xf7: {  	(xrf0) =	vadd.scan.msk.s32 $0xffff, v58;
	s2 =	sand.u32 $0x70, s2  }
0xf8: {  	v59 =	vor.u32 s2, v8  }
0xf9: {  	v60 =	vld [tilespmem:$0x8800]  }
0xfa: {  	v36 =	vsub.f32 v36, v35;
	_ =	sdelay $0x1  }
0xfb: {  	[tilespmem:$0x9B00] =	vst v36  }
0xfc: {  	v61, _, _ =	vpop (xrf0);
	s11 =	spop (v2sf);
	v36 =	vld.idx.msk [tilespmem:v59+s26+$0x0], $0xffff  }
0xfd: {  	v62 =	vsel vm9, $0x0, v60;
	(v2sf) =	vpush v61, $0xF;
	s2 =	sshll.u32 s11, $0x4  }
0xfe: {  	(xrf0) =	vadd.scan.msk.s32 $0xffff, v62;
	s2 =	sand.u32 $0x70, s2  }
0xff: {  	v63 =	vor.u32 s2, v9  }
0x100: {  	v40 =	vld [tilespmem:$0x8800]  }
0x101: {  	v36 =	vsub.f32 v36, v35;
	_ =	sdelay $0x1  }
0x102: {  	[tilespmem:$0x9B80] =	vst v36  }
0x103: {  	v41, _, _ =	vpop (xrf0);
	s17 =	spop (v2sf);
	v36 =	vld.idx.msk [tilespmem:v63+s26+$0x0], $0xffff  }
0x104: {  	v42 =	vsel vm10, $0x0, v40;
	(v2sf) =	vpush v41, $0xF;
	s2 =	sshll.u32 s17, $0x4  }
0x105: {  	(xrf0) =	vadd.scan.msk.s32 $0xffff, v42;
	s2 =	sand.u32 $0x70, s2  }
0x106: {  	v43 =	vor.u32 s2, v10  }
0x107: {  	v44 =	vld [tilespmem:$0x8800]  }
0x108: {  	v36 =	vsub.f32 v36, v35;
	_ =	sdelay $0x1  }
0x109: {  	[tilespmem:$0x9C00] =	vst v36  }
0x10a: {  	v45, _, _ =	vpop (xrf0);
	s31 =	spop (v2sf);
	v36 =	vld.idx.msk [tilespmem:v43+s26+$0x0], $0xffff  }
0x10b: {  	v46 =	vsel vm11, $0x0, v44;
	(v2sf) =	vpush v45, $0xF;
	s2 =	sshll.u32 s31, $0x4  }
0x10c: {  	(xrf0) =	vadd.scan.msk.s32 $0xffff, v46;
	s2 =	sand.u32 $0x70, s2  }
0x10d: {  	v47 =	vor.u32 s2, v11  }
0x10e: {  	v48 =	vld [tilespmem:$0x8800]  }
0x10f: {  	v36 =	vsub.f32 v36, v35;
	_ =	sdelay $0x1  }
0x110: {  	[tilespmem:$0x9C80] =	vst v36  }
0x111: {  	v49, _, _ =	vpop (xrf0);
	s9 =	spop (v2sf);
	v36 =	vld.idx.msk [tilespmem:v47+s26+$0x0], $0xffff  }
0x112: {  	v50 =	vsel vm12, $0x0, v48;
	(v2sf) =	vpush v49, $0xF;
	s2 =	sshll.u32 s9, $0x4  }
0x113: {  	(xrf0) =	vadd.scan.msk.s32 $0xffff, v50;
	s2 =	sand.u32 $0x70, s2  }
0x114: {  	v51 =	vor.u32 s2, v12  }
0x115: {  	v52 =	vld [tilespmem:$0x8800]  }
0x116: {  	v36 =	vsub.f32 v36, v35;
	_ =	sdelay $0x1  }
0x117: {  	[tilespmem:$0x9D00] =	vst v36  }
0x118: {  	v53, _, _ =	vpop (xrf0);
	s11 =	spop (v2sf);
	v36 =	vld.idx.msk [tilespmem:v51+s26+$0x0], $0xffff  }
0x119: {  	v54 =	vsel vm13, $0x0, v52;
	(v2sf) =	vpush v53, $0xF;
	s2 =	sshll.u32 s11, $0x4  }
0x11a: {  	(xrf0) =	vadd.scan.msk.s32 $0xffff, v54;
	s2 =	sand.u32 $0x70, s2  }
0x11b: {  	v55 =	vor.u32 s2, v13  }
0x11c: {  	v56 =	vld [tilespmem:$0x8800]  }
0x11d: {  	v36 =	vsub.f32 v36, v35;
	_ =	sdelay $0x1  }
0x11e: {  	[tilespmem:$0x9D80] =	vst v36  }
0x11f: {  	v57, _, _ =	vpop (xrf0);
	s17 =	spop (v2sf);
	v36 =	vld.idx.msk [tilespmem:v55+s26+$0x0], $0xffff  }
0x120: {  	v58 =	vsel vm14, $0x0, v56;
	(v2sf) =	vpush v57, $0xF;
	s2 =	sshll.u32 s17, $0x4  }
0x121: {  	(xrf0) =	vadd.scan.msk.s32 $0xffff, v58;
	s2 =	sand.u32 $0x70, s2  }
0x122: {  	v59 =	vor.u32 s2, v14  }
0x123: {  	v60 =	vld [tilespmem:$0x8800]  }
0x124: {  	v36 =	vsub.f32 v36, v35;
	_ =	sdelay $0x1  }
0x125: {  	[tilespmem:$0x9E00] =	vst v36  }
0x126: {  	v61, _, _ =	vpop (xrf0);
	s31 =	spop (v2sf);
	v36 =	vld.idx.msk [tilespmem:v59+s26+$0x0], $0xffff  }
0x127: {  	v62 =	vsel vm15, $0x0, v60;
	(v2sf) =	vpush v61, $0xF;
	s2 =	sshll.u32 s31, $0x4  }
0x128: {  	(xrf0) =	vadd.scan.msk.s32 $0xffff, v62;
	s2 =	sand.u32 $0x70, s2  }
0x129: {  	v63 =	vor.u32 s2, v15  }
0x12a: {  	v40 =	vld [tilespmem:$0x8810]  }
0x12b: {  	v36 =	vsub.f32 v36, v35;
	_ =	sdelay $0x1  }
0x12c: {  	[tilespmem:$0x9E80] =	vst v36  }
0x12d: {  	v41, _, _ =	vpop (xrf0);
	s9 =	spop (v2sf);
	v36 =	vld.idx.msk [tilespmem:v63+s26+$0x0], $0xffff  }
0x12e: {  	v42 =	vnsel vm0, $0x0, v40;
	(v2sf) =	vpush v41, $0xF;
	s2 =	sshll.u32 s9, $0x4  }
0x12f: {  	(xrf0) =	vadd.scan.msk.s32 $0xffff, v42;
	s2 =	sand.u32 $0x70, s2  }
0x130: {  	v43 =	vor.u32 s2, v16  }
0x131: {  	v44 =	vld [tilespmem:$0x8810]  }
0x132: {  	v36 =	vsub.f32 v36, v35;
	_ =	sdelay $0x1  }
0x133: {  	[tilespmem:$0x9F00] =	vst v36  }
0x134: {  	v45, _, _ =	vpop (xrf0);
	s11 =	spop (v2sf);
	v36 =	vld.idx.msk [tilespmem:v43+s26+$0x0], $0xffff  }
0x135: {  	v46 =	vsel vm1, $0x0, v44;
	(v2sf) =	vpush v45, $0xF;
	s2 =	sshll.u32 s11, $0x4  }
0x136: {  	(xrf0) =	vadd.scan.msk.s32 $0xffff, v46;
	s2 =	sand.u32 $0x70, s2  }
0x137: {  	v47 =	vor.u32 s2, v17  }
0x138: {  	v48 =	vld [tilespmem:$0x8810]  }
0x139: {  	v36 =	vsub.f32 v36, v35;
	_ =	sdelay $0x1  }
0x13a: {  	[tilespmem:$0x9F80] =	vst v36  }
0x13b: {  	v49, _, _ =	vpop (xrf0);
	s17 =	spop (v2sf);
	v36 =	vld.idx.msk [tilespmem:v47+s26+$0x0], $0xffff  }
0x13c: {  	v50 =	vsel vm2, $0x0, v48;
	(v2sf) =	vpush v49, $0xF;
	s2 =	sshll.u32 s17, $0x4  }
0x13d: {  	(xrf0) =	vadd.scan.msk.s32 $0xffff, v50;
	s2 =	sand.u32 $0x70, s2  }
0x13e: {  	v51 =	vor.u32 s2, v18  }
0x13f: {  	v52 =	vld [tilespmem:$0x8810]  }
0x140: {  	v36 =	vsub.f32 v36, v35;
	_ =	sdelay $0x1  }
0x141: {  	[tilespmem:$0xA000] =	vst v36  }
0x142: {  	v53, _, _ =	vpop (xrf0);
	s31 =	spop (v2sf);
	v36 =	vld.idx.msk [tilespmem:v51+s26+$0x0], $0xffff  }
0x143: {  	v54 =	vsel vm3, $0x0, v52;
	(v2sf) =	vpush v53, $0xF;
	s2 =	sshll.u32 s31, $0x4  }
0x144: {  	(xrf0) =	vadd.scan.msk.s32 $0xffff, v54;
	s2 =	sand.u32 $0x70, s2  }
0x145: {  	v55 =	vor.u32 s2, v19  }
0x146: {  	v56 =	vld [tilespmem:$0x8810]  }
0x147: {  	v36 =	vsub.f32 v36, v35;
	_ =	sdelay $0x1  }
0x148: {  	[tilespmem:$0xA080] =	vst v36  }
0x149: {  	v57, _, _ =	vpop (xrf0);
	s9 =	spop (v2sf);
	v36 =	vld.idx.msk [tilespmem:v55+s26+$0x0], $0xffff  }
0x14a: {  	v58 =	vsel vm4, $0x0, v56;
	(v2sf) =	vpush v57, $0xF;
	s2 =	sshll.u32 s9, $0x4  }
0x14b: {  	(xrf0) =	vadd.scan.msk.s32 $0xffff, v58;
	s2 =	sand.u32 $0x70, s2  }
0x14c: {  	v59 =	vor.u32 s2, v20  }
0x14d: {  	v60 =	vld [tilespmem:$0x8810]  }
0x14e: {  	v36 =	vsub.f32 v36, v35;
	_ =	sdelay $0x1  }
0x14f: {  	[tilespmem:$0xA100] =	vst v36  }
0x150: {  	v61, _, _ =	vpop (xrf0);
	s11 =	spop (v2sf);
	v36 =	vld.idx.msk [tilespmem:v59+s26+$0x0], $0xffff  }
0x151: {  	v62 =	vsel vm5, $0x0, v60;
	(v2sf) =	vpush v61, $0xF;
	s2 =	sshll.u32 s11, $0x4  }
0x152: {  	(xrf0) =	vadd.scan.msk.s32 $0xffff, v62;
	s2 =	sand.u32 $0x70, s2  }
0x153: {  	v63 =	vor.u32 s2, v21  }
0x154: {  	v40 =	vld [tilespmem:$0x8810]  }
0x155: {  	v36 =	vsub.f32 v36, v35;
	_ =	sdelay $0x1  }
0x156: {  	[tilespmem:$0xA180] =	vst v36  }
0x157: {  	v41, _, _ =	vpop (xrf0);
	s17 =	spop (v2sf);
	v36 =	vld.idx.msk [tilespmem:v63+s26+$0x0], $0xffff  }
0x158: {  	v42 =	vsel vm6, $0x0, v40;
	(v2sf) =	vpush v41, $0xF;
	s2 =	sshll.u32 s17, $0x4  }
0x159: {  	(xrf0) =	vadd.scan.msk.s32 $0xffff, v42;
	s2 =	sand.u32 $0x70, s2  }
0x15a: {  	v43 =	vor.u32 s2, v22  }
0x15b: {  	v44 =	vld [tilespmem:$0x8810]  }
0x15c: {  	v36 =	vsub.f32 v36, v35;
	_ =	sdelay $0x1  }
0x15d: {  	[tilespmem:$0xA200] =	vst v36  }
0x15e: {  	v45, _, _ =	vpop (xrf0);
	s31 =	spop (v2sf);
	v36 =	vld.idx.msk [tilespmem:v43+s26+$0x0], $0xffff  }
0x15f: {  	v46 =	vsel vm7, $0x0, v44;
	(v2sf) =	vpush v45, $0xF;
	s2 =	sshll.u32 s31, $0x4  }
0x160: {  	(xrf0) =	vadd.scan.msk.s32 $0xffff, v46;
	s2 =	sand.u32 $0x70, s2  }
0x161: {  	v47 =	vor.u32 s2, v23  }
0x162: {  	v48 =	vld [tilespmem:$0x8810]  }
0x163: {  	v36 =	vsub.f32 v36, v35;
	_ =	sdelay $0x1  }
0x164: {  	[tilespmem:$0xA280] =	vst v36  }
0x165: {  	v49, _, _ =	vpop (xrf0);
	s9 =	spop (v2sf);
	v36 =	vld.idx.msk [tilespmem:v47+s26+$0x0], $0xffff  }
0x166: {  	v50 =	vsel vm8, $0x0, v48;
	(v2sf) =	vpush v49, $0xF;
	s2 =	sshll.u32 s9, $0x4  }
0x167: {  	(xrf0) =	vadd.scan.msk.s32 $0xffff, v50;
	s2 =	sand.u32 $0x70, s2  }
0x168: {  	v51 =	vor.u32 s2, v24  }
0x169: {  	v52 =	vld [tilespmem:$0x8810]  }
0x16a: {  	v36 =	vsub.f32 v36, v35;
	_ =	sdelay $0x1  }
0x16b: {  	[tilespmem:$0xA300] =	vst v36  }
0x16c: {  	v53, _, _ =	vpop (xrf0);
	s11 =	spop (v2sf);
	v36 =	vld.idx.msk [tilespmem:v51+s26+$0x0], $0xffff  }
0x16d: {  	v54 =	vsel vm9, $0x0, v52;
	(v2sf) =	vpush v53, $0xF;
	s2 =	sshll.u32 s11, $0x4  }
0x16e: {  	(xrf0) =	vadd.scan.msk.s32 $0xffff, v54;
	s2 =	sand.u32 $0x70, s2  }
0x16f: {  	v55 =	vor.u32 s2, v25  }
0x170: {  	v56 =	vld [tilespmem:$0x8810]  }
0x171: {  	v36 =	vsub.f32 v36, v35;
	_ =	sdelay $0x1  }
0x172: {  	[tilespmem:$0xA380] =	vst v36  }
0x173: {  	v57, _, _ =	vpop (xrf0);
	s17 =	spop (v2sf);
	v36 =	vld.idx.msk [tilespmem:v55+s26+$0x0], $0xffff  }
0x174: {  	v58 =	vsel vm10, $0x0, v56;
	(v2sf) =	vpush v57, $0xF;
	s2 =	sshll.u32 s17, $0x4  }
0x175: {  	(xrf0) =	vadd.scan.msk.s32 $0xffff, v58;
	s2 =	sand.u32 $0x70, s2  }
0x176: {  	v59 =	vor.u32 s2, v26  }
0x177: {  	v60 =	vld [tilespmem:$0x8810]  }
0x178: {  	v36 =	vsub.f32 v36, v35;
	_ =	sdelay $0x1  }
0x179: {  	[tilespmem:$0xA400] =	vst v36  }
0x17a: {  	v61, _, _ =	vpop (xrf0);
	s31 =	spop (v2sf);
	v36 =	vld.idx.msk [tilespmem:v59+s26+$0x0], $0xffff  }
0x17b: {  	v62 =	vsel vm11, $0x0, v60;
	(v2sf) =	vpush v61, $0xF;
	s2 =	sshll.u32 s31, $0x4  }
0x17c: {  	(xrf0) =	vadd.scan.msk.s32 $0xffff, v62;
	s2 =	sand.u32 $0x70, s2  }
0x17d: {  	v63 =	vor.u32 s2, v27  }
0x17e: {  	v40 =	vld [tilespmem:$0x8810]  }
0x17f: {  	v36 =	vsub.f32 v36, v35;
	_ =	sdelay $0x1  }
0x180: {  	[tilespmem:$0xA480] =	vst v36  }
0x181: {  	v41, _, _ =	vpop (xrf0);
	s9 =	spop (v2sf);
	v36 =	vld.idx.msk [tilespmem:v63+s26+$0x0], $0xffff  }
0x182: {  	v42 =	vsel vm12, $0x0, v40;
	(v2sf) =	vpush v41, $0xF;
	s2 =	sshll.u32 s9, $0x4  }
0x183: {  	(xrf0) =	vadd.scan.msk.s32 $0xffff, v42;
	s2 =	sand.u32 $0x70, s2  }
0x184: {  	v43 =	vor.u32 s2, v28  }
0x185: {  	v44 =	vld [tilespmem:$0x8810]  }
0x186: {  	v36 =	vsub.f32 v36, v35;
	_ =	sdelay $0x1  }
0x187: {  	[tilespmem:$0xA500] =	vst v36  }
0x188: {  	v45, _, _ =	vpop (xrf0);
	s11 =	spop (v2sf);
	v36 =	vld.idx.msk [tilespmem:v43+s26+$0x0], $0xffff  }
0x189: {  	v46 =	vsel vm13, $0x0, v44;
	(v2sf) =	vpush v45, $0xF;
	s2 =	sshll.u32 s11, $0x4  }
0x18a: {  	(xrf0) =	vadd.scan.msk.s32 $0xffff, v46;
	s2 =	sand.u32 $0x70, s2  }
0x18b: {  	v47 =	vor.u32 s2, v29  }
0x18c: {  	v48 =	vld [tilespmem:$0x8810]  }
0x18d: {  	v36 =	vsub.f32 v36, v35;
	_ =	sdelay $0x1  }
0x18e: {  	[tilespmem:$0xA580] =	vst v36  }
0x18f: {  	v49, _, _ =	vpop (xrf0);
	s17 =	spop (v2sf);
	v36 =	vld.idx.msk [tilespmem:v47+s26+$0x0], $0xffff  }
0x190: {  	v50 =	vsel vm14, $0x0, v48;
	(v2sf) =	vpush v49, $0xF;
	s2 =	sshll.u32 s17, $0x4  }
0x191: {  	(xrf0) =	vadd.scan.msk.s32 $0xffff, v50;
	s2 =	sand.u32 $0x70, s2  }
0x192: {  	v51 =	vor.u32 s2, v30  }
0x193: {  	v52 =	vld [tilespmem:$0x8810]  }
0x194: {  	v36 =	vsub.f32 v36, v35;
	_ =	sdelay $0x1  }
0x195: {  	[tilespmem:$0xA600] =	vst v36  }
0x196: {  	v53, _, _ =	vpop (xrf0);
	s31 =	spop (v2sf);
	v36 =	vld.idx.msk [tilespmem:v51+s26+$0x0], $0xffff  }
0x197: {  	v54 =	vsel vm15, $0x0, v52;
	(v2sf) =	vpush v53, $0xF;
	s2 =	sshll.u32 s31, $0x4  }
0x198: {  	(xrf0) =	vadd.scan.msk.s32 $0xffff, v54;
	s2 =	sand.u32 $0x70, s2  }
0x199: {  	v55 =	vor.u32 s2, v31;
	_ =	sdelay $0x1  }
0x19a: {  	v36 =	vsub.f32 v36, v35;
	_ =	sdelay $0x1  }
0x19b: {  	[tilespmem:$0xA680] =	vst v36  }
0x19c: {  	v56, _, _ =	vpop (xrf0);
	s9 =	spop (v2sf);
	v36 =	vld.idx.msk [tilespmem:v55+s26+$0x0], $0xffff  }
0x19d: {  	(v2sf) =	vpush v56, $0xF;
	s2 =	sshll.u32 s9, $0x4  }
0x19e: {  	s2 =	sand.u32 $0x70, s2  }
0x19f: {  	v57 =	vor.u32 s2, v32;
	_ =	sdelay $0x1  }
0x1a0: {  	v36 =	vsub.f32 v36, v35;
	_ =	sdelay $0x1  }
0x1a1: {  	[tilespmem:$0xA700] =	vst v36  }
0x1a2: {  	s11 =	spop (v2sf);
	v36 =	vld.idx.msk [tilespmem:v57+s26+$0x0], $0xffff  }
0x1a3: {  	s2 =	sshll.u32 s11, $0x4  }
0x1a4: {  	s2 =	sand.u32 $0x70, s2  }
0x1a5: {  	v58 =	vor.u32 s2, v33;
	_ =	sdelay $0x1  }
0x1a6: {  	v36 =	vsub.f32 v36, v35;
	_ =	sdelay $0x1  }
0x1a7: {  	[tilespmem:$0xA780] =	vst v36  }
0x1a8: {  	s17 =	spop (v2sf);
	v36 =	vld.idx.msk [tilespmem:v58+s26+$0x0], $0xffff  }
0x1a9: {  	s2 =	sshll.u32 s17, $0x4  }
0x1aa: {  	s2 =	sand.u32 $0x70, s2  }
0x1ab: {  	v59 =	vor.u32 s2, v34;
	_ =	sdelay $0x1  }
0x1ac: {  	v36 =	vsub.f32 v36, v35;
	_ =	sdelay $0x1  }
0x1ad: {  	[tilespmem:$0xA800] =	vst v36  }
0x1ae: {  	v36 =	vld.idx.msk [tilespmem:v59+s26+$0x0], $0xffff;
	_ =	sdelay $0x4  }
0x1af: {  	v35 =	vsub.f32 v36, v35  }
0x1b0: {  	s31 =	sshll.u32 s7, $0x9  }
0x1b1: {  	s7 =	sshll.u32 s8, $0x4;
	s9 =	simm.s32 $0x0;
	s2 =	sadd.s32 s5, s31;
	[tilespmem:$0xA880] =	vst v35  }
0x1b2: {  	[hbm4b:s2+s9] =	stream.linear.scatter [tilespmem:s29], [sflag:$0x4], $0x1000, $0x38;
	[tilespmem:$0xAB80] =	vst v63  }
0x1b3: {  	s11 =	sshll.u32 s8, $0xA;
	s2 =	sand.u32 $0x70, s7;
	_ =	swait.ge [sflag:s13], $0x1000  }
0x1b4: {  	s7 =	sand.u32 $0xFE000, s11;
	s2 =	sadd.s32 s3, s2;
	[sflag:s13] =	ssyncset.done $0x0  }
0x1b5: {  	s2 =	sadd.s32 s7, s2;
	[sflag:s13] =	ssyncadd.s32 $0xFFFFF000  }
0x1b6: {  	[tilespmem:s9], [sflag:$0x1] =	stream.strided.gather [hbm4b:s2+s15], $0x2000, s16, s15, $0x38;
	[tilespmem:$0xAB80] =	vst v63  }
0x1b7: {  	_ =	swait.ge [sflag:s30], $0x2000  }
0x1b8: {  	[sflag:s30] =	ssyncset.done $0x0  }
0x1b9: {  	[sflag:s30] =	ssyncadd.s32 $0xFFFFE000  }
0x1ba: {  	v60 =	vld [tilespmem:s14+$0xAB00]  }
0x1bb: {  	s7 =	sor.u32 $0x1, s12  }
0x1bc: {  	s17 =	sand.u32 $0xF, s7  }
0x1bd: {  	v61 =	vmov s17  }
0x1be: {  	vm1 =	veq.s32 v61, v1  }
0x1bf: {  	v35 =	vnsel vm1, $0x0, v60  }
0x1c0: {  	(xrf2) =	vadd.scan.msk.f32 $0xffff, v35;
	_ =	sdelay $0x6  }
0x1c1: {  	s31 =	simm.s32 $0x2000  }
0x1c2: {  	v62 =	vld [tilespmem:s31+$0x0];
	_ =	sdelay $0x1  }
0x1c3: {  	v36 =	vimm.s32 $0x0;
	v35, _, _ =	vpop (xrf2)  }
0x1c4: {  	v63 =	vor.u32 v1, v36;
	v35 =	vbroadcast v35, $0xF;
	_ =	sdelay $0x1  }
0x1c5: {  	vm1 =	vle.f32 v62, v35  }
0x1c6: {  	v39 =	vmpcnt.ones.xlane vm1  }
0x1c7: {  	v40 =	vor.u32 s9, v1;
	v37 =	vnsel vm1, $0x7F61B1E6, v62  }
0x1c8: {  	v40 =	vnsel vm1, $0x40000000, v40;
	[tilespmem:v63+s19+$0x0] =	vst.idx.msk $0xffff, v37;
	vm1 =	vlt.s32 v39, $0x1  }
0x1c9: {  	s9 =	simm.s32 $0x2010;
	[tilespmem:v63+s20+$0x0] =	vst.idx.msk $0xffff, v40;
	v39 =	vnsel vm1, $0x1, v39  }
0x1ca: {  	s8 =	simm.s32 $0x10;
	s11 =	simm.s32 $0x20;
	v37 =	vld [tilespmem:s9+$0x0];
	v38 =	vshll.u32 v39, $0x4  }
.LBB2_20:
0x1cb: {  	p0 =	seq.s32 s11, $0x1FF0;
	v36 =	vadd.s32 v36, v38  }
0x1cc: {  	v38 =	vor.u32 v1, v36;
	_ =	sdelay $0x2  }
0x1cd: {  	v39 =	vor.u32 s8, v1;
	s8 =	smov.u32 s11;
	vm1 =	vle.f32 v37, v35  }
.Ltmp11:
0x1ce: {  	v40 =	vmpcnt.ones.xlane vm1;
	v37 =	vnsel vm1, $0x7F61B1E6, v37;
	v39 =	vnsel vm1, $0x40000000, v39;
	(pc) =	sbr.rel @!p0 .LBB2_20-.Ltmp11, $4  }
0x1cf: {  	[tilespmem:v38+s19+$0x0] =	vst.idx.msk $0xffff, v37  }
0x1d0: {  	[tilespmem:v38+s20+$0x0] =	vst.idx.msk $0xffff, v39;
	vm1 =	vlt.s32 v40, $0x1  }
0x1d1: {  	s9 =	sadd.s32 $0x10, s9;
	v38 =	vnsel vm1, $0x1, v40  }
0x1d2: {  	s11 =	sadd.s32 $0x10, s11;
	v37 =	vld [tilespmem:s9+$0x0];
	v38 =	vshll.u32 v38, $0x4  }
0x1d3: {  	_ =	sdelay $0x2  }
0x1d4: {  	v36 =	vadd.s32 v36, v38  }
0x1d5: {  	v38 =	vor.u32 v1, v36;
	vm1 =	vle.f32 v37, v35  }
0x1d6: {  	v35 =	vmpcnt.ones.xlane vm1;
	_ =	sdelay $0x1  }
0x1d7: {  	vm2 =	vlt.s32 v35, $0x1  }
0x1d8: {  	v39 =	vor.u32 s8, v1;
	v37 =	vnsel vm1, $0x7F61B1E6, v37;
	v35 =	vnsel vm2, $0x1, v35  }
0x1d9: {  	v39 =	vnsel vm1, $0x40000000, v39;
	[tilespmem:v38+s19+$0x0] =	vst.idx.msk $0xffff, v37;
	v35 =	vshll.u32 v35, $0x4  }
0x1da: {  	s8 =	simm.s32 $0x40;
	s9 =	simm.s32 $0x0;
	[tilespmem:v38+s20+$0x0] =	vst.idx.msk $0xffff, v39;
	v35 =	vadd.s32 v36, v35  }
.LBB2_22:
0x1db: {  	p0 =	seq.s32 s8, $0xFC0;
	[tilespmem:s9+$0x8000] =	vst v2;
	s2 =	smov.u32 s8;
	s8 =	sadd.s32 $0x40, s8  }
.Ltmp12:
0x1dc: {  	(pc) =	sbr.rel @!p0 .LBB2_22-.Ltmp12, $2  }
0x1dd: {  	_ =	sdelay $0x2  }
0x1de: {  	s9 =	sshra.s32 s2, $0x2  }
0x1df: {  	v35 =	vxor.u32 $0x80000000, v35  }
0x1e0: {  	(xrf0) =	vmax.scan.msk.u32 $0xffff, v35;
	_ =	sdelay $0x5  }
0x1e1: {  	v35, _, _ =	vpop (xrf0)  }
0x1e2: {  	(v2sf) =	vpush v35, $0xF;
	_ =	sdelay $0xe  }
0x1e3: {  	s2 =	spop (v2sf)  }
0x1e4: {  	s2 =	sshra.s32 s2, $0x4  }
0x1e5: {  	[tilespmem:s9+$0x8000] =	vst v2;
	s9 =	sxor.u32 $0xF8000000, s2  }
0x1e6: {  	p0 =	sgt.s32 s9, $0x0  }
.Ltmp13:
0x1e7: {  	_ = 	snop;
	(pc) =	sbr.rel @!p0 .LBB2_30-.Ltmp13, $1  }
0x1e8: {  	_ =	sdelay $0x3  }
0x1e9: {  	p1 =	sne.s32 s9, $0x1  }
.Ltmp14:
0x1ea: {  	_ = 	snop;
	(pc) =	sbr.rel @!p1 .LBB2_25-.Ltmp14, $3  }
0x1eb: {  	_ =	sdelay $0x1  }
0x1ec: {  	s11 =	simm.s32 $0x4000  }
0x1ed: {  	v36 =	vimm.s32 $0x0;
	s8 =	simm.s32 $0x6000;
	s9 =	sadd.s32 $0xFFFFFFFF, s9;
	p0 =	por $0x0, $0x0;
	v35 =	vld [tilespmem:s11+$0x0]  }
0x1ee: {  	_ =	sdelay $0x3  }
0x1ef: {  	vm1 =	vlt.f32 v35, $3.000000010e+38  }
0x1f0: {  	v37 =	vsel vm1, $0x1, v3  }
0x1f1: {  	(xrf0) =	vadd.scan.msk.s32 $0xffff, v37;
	_ =	sdelay $0x4  }
0x1f2: {  	v62 =	vsel vm1, $0xFFFFFFFF, v3  }
0x1f3: {  	v37 =	vadd.s32 v62, v36;
	v38, _, _ =	vpop (xrf0)  }
0x1f4: {  	v37 =	vadd.s32 v38, v37  }
0x1f5: {  	vm2 =	vlt.s32 v37, $0x3FF  }
0x1f6: {  	v37 =	vnsel vm2, $0x3FF, v37  }
0x1f7: {  	v63 =	vld [tilespmem:s8+$0x0];
	_ =	sdelay $0x1  }
0x1f8: {  	p1 =	sne.s32 s9, $0x1  }
.Ltmp15:
0x1f9: {  	_ = 	snop;
	(pc) =	sbr.rel @!p1 .LBB2_27-.Ltmp15, $4  }
0x1fa: {  	v39 =	vmpcnt.ones.xlane vm1;
	[tilespmem:v37+s21+$0x0] =	vst.idx.msk vm1, v35  }
0x1fb: {  	s11 =	simm.s32 $0x4010;
	[tilespmem:v37+s22+$0x0] =	vst.idx.msk vm1, v63  }
0x1fc: {  	v36 =	vadd.s32 v36, v39;
	v35 =	vld [tilespmem:s11+$0x0]  }
0x1fd: {  	s12 =	sadd.s32 $0xFFFFFFFF, s9;
	p0 =	por $0x1, $0x1;
	s9 =	simm.s32 $0x6000;
	v37 =	vmov v36  }
.LBB2_28:
0x1fe: {  	p1 =	sne.s32 s12, $0x1;
	_ =	sdelay $0x2  }
0x1ff: {  	vm1 =	vlt.f32 v35, $3.000000010e+38  }
0x200: {  	v38 =	vsel vm1, $0x1, v3;
	v39 =	vmpcnt.ones.xlane vm1  }
0x201: {  	(xrf0) =	vadd.scan.msk.s32 $0xffff, v38  }
0x202: {  	v37 =	vadd.s32 v37, v39;
	_ =	sdelay $0x3  }
0x203: {  	v38 =	vsel vm1, $0xFFFFFFFF, v3  }
0x204: {  	v38 =	vadd.s32 v38, v36;
	v36 =	vmov v37;
	v39, _, _ =	vpop (xrf0)  }
0x205: {  	v38 =	vadd.s32 v39, v38  }
0x206: {  	vm2 =	vlt.s32 v38, $0x3FF  }
0x207: {  	s9 =	sadd.s32 $0x10, s9;
	v38 =	vnsel vm2, $0x3FF, v38  }
0x208: {  	v39 =	vld [tilespmem:s9+$0x0];
	_ =	sdelay $0x2  }
.Ltmp16:
0x209: {  	(pc) =	sbr.rel @p1 .LBB2_28-.Ltmp16, $4  }
0x20a: {  	[tilespmem:v38+s21+$0x0] =	vst.idx.msk vm1, v35  }
0x20b: {  	s11 =	sadd.s32 $0x10, s11;
	[tilespmem:v38+s22+$0x0] =	vst.idx.msk vm1, v39  }
0x20c: {  	v35 =	vld [tilespmem:s11+$0x0]  }
0x20d: {  	s12 =	sadd.s32 $0xFFFFFFFF, s12  }
.LBB2_29:
0x20e: {  	_ =	sdelay $0x2  }
0x20f: {  	vm1 =	vlt.f32 v35, $3.000000010e+38  }
0x210: {  	v37 =	vsel vm1, $0x1, v3  }
0x211: {  	(xrf0) =	vadd.scan.msk.s32 $0xffff, v37;
	_ =	sdelay $0x4  }
0x212: {  	v61 =	vsel vm1, $0xFFFFFFFF, v3  }
0x213: {  	v36 =	vadd.s32 v61, v36;
	v62, _, _ =	vpop (xrf0)  }
0x214: {  	v36 =	vadd.s32 v62, v36  }
0x215: {  	s2 =	sadd.s32 @p0 $0x10, s9;
	vm2 =	vlt.s32 v36, $0x3FF  }
0x216: {  	s8 =	smov.u32 @p0 s2;
	v36 =	vnsel vm2, $0x3FF, v36  }
0x217: {  	v63 =	vld [tilespmem:s8+$0x0];
	_ =	sdelay $0x3  }
0x218: {  	[tilespmem:v36+s21+$0x0] =	vst.idx.msk vm1, v35  }
0x219: {  	[tilespmem:v36+s22+$0x0] =	vst.idx.msk vm1, v63  }
.LBB2_30:
0x21a: {  	s8 =	simm.s32 $0x0  }
.LBB2_31:
0x21b: {  	s2 =	simm.s32 $0x0  }
0x21c: {  	v35 =	vimm.f32 $+Inf;
	s9 =	simm.s32 $0x40;
	v36 =	vld [tilespmem:s2+$0x8000]  }
.LBB2_32:
0x21d: {  	p0 =	sne.s32 s9, $0xFC0  }
.Ltmp17:
0x21e: {  	_ = 	snop;
	(pc) =	sbr.rel @p0 .LBB2_32-.Ltmp17, $3  }
0x21f: {  	_ =	sdelay $0x1  }
0x220: {  	s2 =	sshra.s32 s9, $0x2;
	s9 =	sadd.s32 $0x40, s9;
	v35 =	vmin.f32 v35, v36  }
0x221: {  	v36 =	vld [tilespmem:s2+$0x8000]  }
0x222: {  	_ =	sdelay $0x3  }
0x223: {  	v35 =	vmin.f32 v35, v36  }
0x224: {  	(xrf0) =	vmin.scan.msk.f32 $0xffff, v35;
	_ =	sdelay $0x2  }
0x225: {  	s2 =	simm.s32 $0x8000  }
0x226: {  	v37 =	vld [tilespmem:s2+$0x0];
	_ =	sdelay $0x1  }
0x227: {  	v35, _, _ =	vpop (xrf0)  }
0x228: {  	v36 =	vbroadcast v35, $0xF  }
0x229: {  	s31 =	simm.s32 $0x0  }
0x22a: {  	s9 =	simm.s32 $0x10;
	s11 =	simm.s32 $0x8010;
	v35 =	vimm.s32 $0x40000000;
	vm1 =	veq.f32 v37, v36;
	v37 =	vor.u32 s31, v1  }
.LBB2_34:
0x22b: {  	v38 =	vld [tilespmem:s11+$0x0];
	p0 =	sne.s32 s9, $0x3F0;
	v37 =	vnsel vm1, $0x40000000, v37;
	s2 =	smov.u32 s9;
	s9 =	sadd.s32 $0x10, s9  }
.Ltmp18:
0x22c: {  	vm1 =	vlt.s32 v35, v37;
	(pc) =	sbr.rel @p0 .LBB2_34-.Ltmp18, $2  }
0x22d: {  	v35 =	vsel vm1, v35, v37;
	_ =	sdelay $0x2  }
0x22e: {  	s11 =	sadd.s32 $0x10, s11;
	v37 =	vor.u32 s2, v1;
	vm1 =	veq.f32 v38, v36  }
0x22f: {  	v36 =	vnsel vm1, $0x40000000, v37  }
0x230: {  	vm1 =	vlt.s32 v35, v36  }
0x231: {  	v35 =	vsel vm1, v35, v36  }
0x232: {  	v35 =	vxor.u32 $0x80000000, v35  }
0x233: {  	(xrf0) =	vmin.scan.msk.u32 $0xffff, v35;
	_ =	sdelay $0x5  }
0x234: {  	v35, _, _ =	vpop (xrf0)  }
0x235: {  	(v2sf) =	vpush v35, $0xF;
	_ =	sdelay $0xe  }
0x236: {  	s2 =	spop (v2sf)  }
0x237: {  	s9 =	sxor.u32 $0x80000000, s2  }
0x238: {  	s12 =	sand.u32 $0x70, s2;
	s11 =	sand.u32 $0xFFFFFF80, s9  }
0x239: {  	s11 =	sor.u32 s12, s11  }
0x23a: {  	v59 =	vld [tilespmem:s11+$0x8400];
	_ =	sdelay $0x1  }
0x23b: {  	s2 =	sand.u32 $0xF, s2  }
0x23c: {  	v60 =	vmov s2  }
0x23d: {  	vm1 =	veq.s32 v60, v1  }
0x23e: {  	v35 =	vnsel vm1, $0x0, v59  }
0x23f: {  	(xrf0) =	vadd.scan.msk.s32 $0xffff, v35;
	_ =	sdelay $0x3  }
0x240: {  	v61 =	vmov s8;
	s8 =	sadd.s32 $0x1, s8  }
0x241: {  	p0 =	sne.s32 s8, $0x20;
	v62 =	vmov s9  }
.Ltmp19:
0x242: {  	v63, _, _ =	vpop (xrf0);
	(pc) =	sbr.rel @p0 .LBB2_31-.Ltmp19, $3  }
0x243: {  	v37 =	vbroadcast v63, $0xF;
	_ =	sdelay $0x1  }
0x244: {  	[tilespmem:v61+s23+$0x0] =	vst.idx.msk $0x1, v37  }
0x245: {  	[tilespmem:v62+s21+$0x0] =	vst.idx.msk $0x1, v2  }
0x246: {  	v35 =	vld [tilespmem:$0x8800]  }
0x247: {  	v36 =	vld [tilespmem:$0x8810];
	_ =	sdelay $0x3  }
0x248: {  	v35 =	vadd.s32 v0, v35  }
0x249: {  	v36 =	vadd.s32 v0, v36;
	v35 =	vshra.s32 v35, $0x3  }
0x24a: {  	v38 =	vshra.s32 v36, $0x3;
	[tilespmem:$0x8880] =	vst v35  }
0x24b: {  	[tilespmem:$0x8890] =	vst v38  }
0x24c: {  	[tilespmem:s26], [sflag:$0x3] =	stream.indirect.gather [hbm4b:s4+s24], $0x80, s25, s24, $0xb8;
	[tilespmem:$0xAB80] =	vst v63  }
0x24d: {  	_ =	swait.ge [sflag:s28], $0x1000  }
0x24e: {  	[sflag:s28] =	ssyncset.done $0x0  }
0x24f: {  	[sflag:s28] =	ssyncadd.s32 $0xFFFFF000  }
0x250: {  	v39 =	vld [tilespmem:$0x8800];
	_ =	sdelay $0x4  }
0x251: {  	v35 =	vnsel vm0, $0x0, v39  }
0x252: {  	(xrf0) =	vadd.scan.msk.s32 $0xffff, v35;
	_ =	sdelay $0x1  }
0x253: {  	v40 =	vld [tilespmem:$0x8800];
	_ =	sdelay $0x3  }
0x254: {  	vm1 =	vcmask $0x308;
	v41, _, _ =	vpop (xrf0)  }
0x255: {  	v35 =	vsel vm1, $0x0, v40;
	(v2sf) =	vpush v41, $0xF  }
0x256: {  	(xrf0) =	vadd.scan.msk.s32 $0xffff, v35;
	_ =	sdelay $0x1  }
0x257: {  	v42 =	vld [tilespmem:$0x8800];
	_ =	sdelay $0x3  }
0x258: {  	vm2 =	vcmask $0x70C;
	v43, _, _ =	vpop (xrf0)  }
0x259: {  	v35 =	vsel vm2, $0x0, v42;
	(v2sf) =	vpush v43, $0xF  }
0x25a: {  	(xrf0) =	vadd.scan.msk.s32 $0xffff, v35;
	_ =	sdelay $0x1  }
0x25b: {  	v44 =	vld [tilespmem:$0x8800];
	_ =	sdelay $0x3  }
0x25c: {  	v45, _, _ =	vpop (xrf0);
	s2 =	spop (v2sf)  }
0x25d: {  	v35 =	vsel vm3, $0x0, v44;
	(v2sf) =	vpush v45, $0xF;
	s2 =	sshll.u32 s2, $0x4  }
0x25e: {  	(xrf0) =	vadd.scan.msk.s32 $0xffff, v35;
	s2 =	sand.u32 $0x70, s2  }
0x25f: {  	v46 =	vor.u32 s2, v1  }
0x260: {  	v37 =	vld [tilespmem:$0x8800]  }
0x261: {  	s31 =	sshll.u32 s7, $0x4  }
0x262: {  	s2 =	sand.u32 $0x3FFFFFF0, s31  }
0x263: {  	v35 =	vld [tilespmem:s2+$0xA900]  }
0x264: {  	v38, _, _ =	vpop (xrf0);
	s7 =	spop (v2sf);
	v36 =	vld.idx.msk [tilespmem:v46+s26+$0x0], $0xffff  }
0x265: {  	v37 =	vsel vm4, $0x0, v37;
	(v2sf) =	vpush v38, $0xF;
	s2 =	sshll.u32 s7, $0x4  }
0x266: {  	(xrf0) =	vadd.scan.msk.s32 $0xffff, v37;
	s2 =	sand.u32 $0x70, s2  }
0x267: {  	v47 =	vor.u32 s2, v4  }
0x268: {  	v48 =	vld [tilespmem:$0x8800]  }
0x269: {  	v36 =	vsub.f32 v36, v35;
	_ =	sdelay $0x1  }
0x26a: {  	[tilespmem:$0x9900] =	vst v36  }
0x26b: {  	v49, _, _ =	vpop (xrf0);
	s8 =	spop (v2sf);
	v36 =	vld.idx.msk [tilespmem:v47+s26+$0x0], $0xffff  }
0x26c: {  	v50 =	vsel vm5, $0x0, v48;
	(v2sf) =	vpush v49, $0xF;
	s2 =	sshll.u32 s8, $0x4  }
0x26d: {  	(xrf0) =	vadd.scan.msk.s32 $0xffff, v50;
	s2 =	sand.u32 $0x70, s2  }
0x26e: {  	v51 =	vor.u32 s2, v5  }
0x26f: {  	v52 =	vld [tilespmem:$0x8800]  }
0x270: {  	v36 =	vsub.f32 v36, v35;
	_ =	sdelay $0x1  }
0x271: {  	[tilespmem:$0x9980] =	vst v36  }
0x272: {  	v53, _, _ =	vpop (xrf0);
	s9 =	spop (v2sf);
	v36 =	vld.idx.msk [tilespmem:v51+s26+$0x0], $0xffff  }
0x273: {  	v54 =	vsel vm6, $0x0, v52;
	(v2sf) =	vpush v53, $0xF;
	s2 =	sshll.u32 s9, $0x4  }
0x274: {  	(xrf0) =	vadd.scan.msk.s32 $0xffff, v54;
	s2 =	sand.u32 $0x70, s2  }
0x275: {  	v55 =	vor.u32 s2, v6  }
0x276: {  	v56 =	vld [tilespmem:$0x8800]  }
0x277: {  	v36 =	vsub.f32 v36, v35;
	_ =	sdelay $0x1  }
0x278: {  	[tilespmem:$0x9A00] =	vst v36  }
0x279: {  	v57, _, _ =	vpop (xrf0);
	s11 =	spop (v2sf);
	v36 =	vld.idx.msk [tilespmem:v55+s26+$0x0], $0xffff  }
0x27a: {  	v58 =	vsel vm7, $0x0, v56;
	(v2sf) =	vpush v57, $0xF;
	s2 =	sshll.u32 s11, $0x4  }
0x27b: {  	(xrf0) =	vadd.scan.msk.s32 $0xffff, v58;
	s2 =	sand.u32 $0x70, s2  }
0x27c: {  	v59 =	vor.u32 s2, v7  }
0x27d: {  	v60 =	vld [tilespmem:$0x8800]  }
0x27e: {  	v36 =	vsub.f32 v36, v35;
	_ =	sdelay $0x1  }
0x27f: {  	[tilespmem:$0x9A80] =	vst v36  }
0x280: {  	v61, _, _ =	vpop (xrf0);
	s12 =	spop (v2sf);
	v36 =	vld.idx.msk [tilespmem:v59+s26+$0x0], $0xffff  }
0x281: {  	v62 =	vsel vm8, $0x0, v60;
	(v2sf) =	vpush v61, $0xF;
	s2 =	sshll.u32 s12, $0x4  }
0x282: {  	(xrf0) =	vadd.scan.msk.s32 $0xffff, v62;
	s2 =	sand.u32 $0x70, s2  }
0x283: {  	v63 =	vor.u32 s2, v8  }
0x284: {  	v40 =	vld [tilespmem:$0x8800]  }
0x285: {  	v36 =	vsub.f32 v36, v35;
	_ =	sdelay $0x1  }
0x286: {  	[tilespmem:$0x9B00] =	vst v36  }
0x287: {  	v41, _, _ =	vpop (xrf0);
	s14 =	spop (v2sf);
	v36 =	vld.idx.msk [tilespmem:v63+s26+$0x0], $0xffff  }
0x288: {  	v42 =	vsel vm9, $0x0, v40;
	(v2sf) =	vpush v41, $0xF;
	s2 =	sshll.u32 s14, $0x4  }
0x289: {  	(xrf0) =	vadd.scan.msk.s32 $0xffff, v42;
	s2 =	sand.u32 $0x70, s2  }
0x28a: {  	v43 =	vor.u32 s2, v9  }
0x28b: {  	v44 =	vld [tilespmem:$0x8800]  }
0x28c: {  	v36 =	vsub.f32 v36, v35;
	_ =	sdelay $0x1  }
0x28d: {  	[tilespmem:$0x9B80] =	vst v36  }
0x28e: {  	v45, _, _ =	vpop (xrf0);
	s17 =	spop (v2sf);
	v36 =	vld.idx.msk [tilespmem:v43+s26+$0x0], $0xffff  }
0x28f: {  	v46 =	vsel vm10, $0x0, v44;
	(v2sf) =	vpush v45, $0xF;
	s2 =	sshll.u32 s17, $0x4  }
0x290: {  	(xrf0) =	vadd.scan.msk.s32 $0xffff, v46;
	s2 =	sand.u32 $0x70, s2  }
0x291: {  	v47 =	vor.u32 s2, v10  }
0x292: {  	v48 =	vld [tilespmem:$0x8800]  }
0x293: {  	v36 =	vsub.f32 v36, v35;
	_ =	sdelay $0x1  }
0x294: {  	[tilespmem:$0x9C00] =	vst v36  }
0x295: {  	v49, _, _ =	vpop (xrf0);
	s31 =	spop (v2sf);
	v36 =	vld.idx.msk [tilespmem:v47+s26+$0x0], $0xffff  }
0x296: {  	v50 =	vsel vm11, $0x0, v48;
	(v2sf) =	vpush v49, $0xF;
	s2 =	sshll.u32 s31, $0x4  }
0x297: {  	(xrf0) =	vadd.scan.msk.s32 $0xffff, v50;
	s2 =	sand.u32 $0x70, s2  }
0x298: {  	v51 =	vor.u32 s2, v11  }
0x299: {  	v52 =	vld [tilespmem:$0x8800]  }
0x29a: {  	v36 =	vsub.f32 v36, v35;
	_ =	sdelay $0x1  }
0x29b: {  	[tilespmem:$0x9C80] =	vst v36  }
0x29c: {  	v53, _, _ =	vpop (xrf0);
	s7 =	spop (v2sf);
	v36 =	vld.idx.msk [tilespmem:v51+s26+$0x0], $0xffff  }
0x29d: {  	v54 =	vsel vm12, $0x0, v52;
	(v2sf) =	vpush v53, $0xF;
	s2 =	sshll.u32 s7, $0x4  }
0x29e: {  	(xrf0) =	vadd.scan.msk.s32 $0xffff, v54;
	s2 =	sand.u32 $0x70, s2  }
0x29f: {  	v55 =	vor.u32 s2, v12  }
0x2a0: {  	v56 =	vld [tilespmem:$0x8800]  }
0x2a1: {  	v36 =	vsub.f32 v36, v35;
	_ =	sdelay $0x1  }
0x2a2: {  	[tilespmem:$0x9D00] =	vst v36  }
0x2a3: {  	v57, _, _ =	vpop (xrf0);
	s8 =	spop (v2sf);
	v36 =	vld.idx.msk [tilespmem:v55+s26+$0x0], $0xffff  }
0x2a4: {  	v58 =	vsel vm13, $0x0, v56;
	(v2sf) =	vpush v57, $0xF;
	s2 =	sshll.u32 s8, $0x4  }
0x2a5: {  	(xrf0) =	vadd.scan.msk.s32 $0xffff, v58;
	s2 =	sand.u32 $0x70, s2  }
0x2a6: {  	v59 =	vor.u32 s2, v13  }
0x2a7: {  	v60 =	vld [tilespmem:$0x8800]  }
0x2a8: {  	v36 =	vsub.f32 v36, v35;
	_ =	sdelay $0x1  }
0x2a9: {  	[tilespmem:$0x9D80] =	vst v36  }
0x2aa: {  	v61, _, _ =	vpop (xrf0);
	s9 =	spop (v2sf);
	v36 =	vld.idx.msk [tilespmem:v59+s26+$0x0], $0xffff  }
0x2ab: {  	v62 =	vsel vm14, $0x0, v60;
	(v2sf) =	vpush v61, $0xF;
	s2 =	sshll.u32 s9, $0x4  }
0x2ac: {  	(xrf0) =	vadd.scan.msk.s32 $0xffff, v62;
	s2 =	sand.u32 $0x70, s2  }
0x2ad: {  	v63 =	vor.u32 s2, v14  }
0x2ae: {  	v40 =	vld [tilespmem:$0x8800]  }
0x2af: {  	v36 =	vsub.f32 v36, v35;
	_ =	sdelay $0x1  }
0x2b0: {  	[tilespmem:$0x9E00] =	vst v36  }
0x2b1: {  	v41, _, _ =	vpop (xrf0);
	s11 =	spop (v2sf);
	v36 =	vld.idx.msk [tilespmem:v63+s26+$0x0], $0xffff  }
0x2b2: {  	v42 =	vsel vm15, $0x0, v40;
	(v2sf) =	vpush v41, $0xF;
	s2 =	sshll.u32 s11, $0x4  }
0x2b3: {  	(xrf0) =	vadd.scan.msk.s32 $0xffff, v42;
	s2 =	sand.u32 $0x70, s2  }
0x2b4: {  	v43 =	vor.u32 s2, v15  }
0x2b5: {  	v44 =	vld [tilespmem:$0x8810]  }
0x2b6: {  	v36 =	vsub.f32 v36, v35;
	_ =	sdelay $0x1  }
0x2b7: {  	[tilespmem:$0x9E80] =	vst v36  }
0x2b8: {  	v45, _, _ =	vpop (xrf0);
	s12 =	spop (v2sf);
	v36 =	vld.idx.msk [tilespmem:v43+s26+$0x0], $0xffff  }
0x2b9: {  	v46 =	vnsel vm0, $0x0, v44;
	(v2sf) =	vpush v45, $0xF;
	s2 =	sshll.u32 s12, $0x4  }
0x2ba: {  	(xrf0) =	vadd.scan.msk.s32 $0xffff, v46;
	s2 =	sand.u32 $0x70, s2  }
0x2bb: {  	v47 =	vor.u32 s2, v16  }
0x2bc: {  	v48 =	vld [tilespmem:$0x8810]  }
0x2bd: {  	v36 =	vsub.f32 v36, v35;
	_ =	sdelay $0x1  }
0x2be: {  	[tilespmem:$0x9F00] =	vst v36  }
0x2bf: {  	v49, _, _ =	vpop (xrf0);
	s14 =	spop (v2sf);
	v36 =	vld.idx.msk [tilespmem:v47+s26+$0x0], $0xffff  }
0x2c0: {  	v50 =	vsel vm1, $0x0, v48;
	(v2sf) =	vpush v49, $0xF;
	s2 =	sshll.u32 s14, $0x4  }
0x2c1: {  	(xrf0) =	vadd.scan.msk.s32 $0xffff, v50;
	s2 =	sand.u32 $0x70, s2  }
0x2c2: {  	v51 =	vor.u32 s2, v17  }
0x2c3: {  	v52 =	vld [tilespmem:$0x8810]  }
0x2c4: {  	v36 =	vsub.f32 v36, v35;
	_ =	sdelay $0x1  }
0x2c5: {  	[tilespmem:$0x9F80] =	vst v36  }
0x2c6: {  	v53, _, _ =	vpop (xrf0);
	s17 =	spop (v2sf);
	v36 =	vld.idx.msk [tilespmem:v51+s26+$0x0], $0xffff  }
0x2c7: {  	v54 =	vsel vm2, $0x0, v52;
	(v2sf) =	vpush v53, $0xF;
	s2 =	sshll.u32 s17, $0x4  }
0x2c8: {  	(xrf0) =	vadd.scan.msk.s32 $0xffff, v54;
	s2 =	sand.u32 $0x70, s2  }
0x2c9: {  	v55 =	vor.u32 s2, v18  }
0x2ca: {  	v56 =	vld [tilespmem:$0x8810]  }
0x2cb: {  	v36 =	vsub.f32 v36, v35;
	_ =	sdelay $0x1  }
0x2cc: {  	[tilespmem:$0xA000] =	vst v36  }
0x2cd: {  	v57, _, _ =	vpop (xrf0);
	s31 =	spop (v2sf);
	v36 =	vld.idx.msk [tilespmem:v55+s26+$0x0], $0xffff  }
0x2ce: {  	v58 =	vsel vm3, $0x0, v56;
	(v2sf) =	vpush v57, $0xF;
	s2 =	sshll.u32 s31, $0x4  }
0x2cf: {  	(xrf0) =	vadd.scan.msk.s32 $0xffff, v58;
	s2 =	sand.u32 $0x70, s2  }
0x2d0: {  	v59 =	vor.u32 s2, v19  }
0x2d1: {  	v60 =	vld [tilespmem:$0x8810]  }
0x2d2: {  	v36 =	vsub.f32 v36, v35;
	_ =	sdelay $0x1  }
0x2d3: {  	[tilespmem:$0xA080] =	vst v36  }
0x2d4: {  	v61, _, _ =	vpop (xrf0);
	s7 =	spop (v2sf);
	v36 =	vld.idx.msk [tilespmem:v59+s26+$0x0], $0xffff  }
0x2d5: {  	v62 =	vsel vm4, $0x0, v60;
	(v2sf) =	vpush v61, $0xF;
	s2 =	sshll.u32 s7, $0x4  }
0x2d6: {  	(xrf0) =	vadd.scan.msk.s32 $0xffff, v62;
	s2 =	sand.u32 $0x70, s2  }
0x2d7: {  	v63 =	vor.u32 s2, v20  }
0x2d8: {  	v40 =	vld [tilespmem:$0x8810]  }
0x2d9: {  	v36 =	vsub.f32 v36, v35;
	_ =	sdelay $0x1  }
0x2da: {  	[tilespmem:$0xA100] =	vst v36  }
0x2db: {  	v41, _, _ =	vpop (xrf0);
	s8 =	spop (v2sf);
	v36 =	vld.idx.msk [tilespmem:v63+s26+$0x0], $0xffff  }
0x2dc: {  	v42 =	vsel vm5, $0x0, v40;
	(v2sf) =	vpush v41, $0xF;
	s2 =	sshll.u32 s8, $0x4  }
0x2dd: {  	(xrf0) =	vadd.scan.msk.s32 $0xffff, v42;
	s2 =	sand.u32 $0x70, s2  }
0x2de: {  	v43 =	vor.u32 s2, v21  }
0x2df: {  	v44 =	vld [tilespmem:$0x8810]  }
0x2e0: {  	v36 =	vsub.f32 v36, v35;
	_ =	sdelay $0x1  }
0x2e1: {  	[tilespmem:$0xA180] =	vst v36  }
0x2e2: {  	v45, _, _ =	vpop (xrf0);
	s9 =	spop (v2sf);
	v36 =	vld.idx.msk [tilespmem:v43+s26+$0x0], $0xffff  }
0x2e3: {  	v46 =	vsel vm6, $0x0, v44;
	(v2sf) =	vpush v45, $0xF;
	s2 =	sshll.u32 s9, $0x4  }
0x2e4: {  	(xrf0) =	vadd.scan.msk.s32 $0xffff, v46;
	s2 =	sand.u32 $0x70, s2  }
0x2e5: {  	v47 =	vor.u32 s2, v22  }
0x2e6: {  	v48 =	vld [tilespmem:$0x8810]  }
0x2e7: {  	v36 =	vsub.f32 v36, v35;
	_ =	sdelay $0x1  }
0x2e8: {  	[tilespmem:$0xA200] =	vst v36  }
0x2e9: {  	v49, _, _ =	vpop (xrf0);
	s11 =	spop (v2sf);
	v36 =	vld.idx.msk [tilespmem:v47+s26+$0x0], $0xffff  }
0x2ea: {  	v50 =	vsel vm7, $0x0, v48;
	(v2sf) =	vpush v49, $0xF;
	s2 =	sshll.u32 s11, $0x4  }
0x2eb: {  	(xrf0) =	vadd.scan.msk.s32 $0xffff, v50;
	s2 =	sand.u32 $0x70, s2  }
0x2ec: {  	v51 =	vor.u32 s2, v23  }
0x2ed: {  	v52 =	vld [tilespmem:$0x8810]  }
0x2ee: {  	v36 =	vsub.f32 v36, v35;
	_ =	sdelay $0x1  }
0x2ef: {  	[tilespmem:$0xA280] =	vst v36  }
0x2f0: {  	v53, _, _ =	vpop (xrf0);
	s12 =	spop (v2sf);
	v36 =	vld.idx.msk [tilespmem:v51+s26+$0x0], $0xffff  }
0x2f1: {  	v54 =	vsel vm8, $0x0, v52;
	(v2sf) =	vpush v53, $0xF;
	s2 =	sshll.u32 s12, $0x4  }
0x2f2: {  	(xrf0) =	vadd.scan.msk.s32 $0xffff, v54;
	s2 =	sand.u32 $0x70, s2  }
0x2f3: {  	v55 =	vor.u32 s2, v24  }
0x2f4: {  	v56 =	vld [tilespmem:$0x8810]  }
0x2f5: {  	v36 =	vsub.f32 v36, v35;
	_ =	sdelay $0x1  }
0x2f6: {  	[tilespmem:$0xA300] =	vst v36  }
0x2f7: {  	v57, _, _ =	vpop (xrf0);
	s14 =	spop (v2sf);
	v36 =	vld.idx.msk [tilespmem:v55+s26+$0x0], $0xffff  }
0x2f8: {  	v58 =	vsel vm9, $0x0, v56;
	(v2sf) =	vpush v57, $0xF;
	s2 =	sshll.u32 s14, $0x4  }
0x2f9: {  	(xrf0) =	vadd.scan.msk.s32 $0xffff, v58;
	s2 =	sand.u32 $0x70, s2  }
0x2fa: {  	v59 =	vor.u32 s2, v25  }
0x2fb: {  	v60 =	vld [tilespmem:$0x8810]  }
0x2fc: {  	v36 =	vsub.f32 v36, v35;
	_ =	sdelay $0x1  }
0x2fd: {  	[tilespmem:$0xA380] =	vst v36  }
0x2fe: {  	v61, _, _ =	vpop (xrf0);
	s17 =	spop (v2sf);
	v36 =	vld.idx.msk [tilespmem:v59+s26+$0x0], $0xffff  }
0x2ff: {  	v62 =	vsel vm10, $0x0, v60;
	(v2sf) =	vpush v61, $0xF;
	s2 =	sshll.u32 s17, $0x4  }
0x300: {  	(xrf0) =	vadd.scan.msk.s32 $0xffff, v62;
	s2 =	sand.u32 $0x70, s2  }
0x301: {  	v63 =	vor.u32 s2, v26  }
0x302: {  	v40 =	vld [tilespmem:$0x8810]  }
0x303: {  	v36 =	vsub.f32 v36, v35;
	_ =	sdelay $0x1  }
0x304: {  	[tilespmem:$0xA400] =	vst v36  }
0x305: {  	v41, _, _ =	vpop (xrf0);
	s31 =	spop (v2sf);
	v36 =	vld.idx.msk [tilespmem:v63+s26+$0x0], $0xffff  }
0x306: {  	v42 =	vsel vm11, $0x0, v40;
	(v2sf) =	vpush v41, $0xF;
	s2 =	sshll.u32 s31, $0x4  }
0x307: {  	(xrf0) =	vadd.scan.msk.s32 $0xffff, v42;
	s2 =	sand.u32 $0x70, s2  }
0x308: {  	v43 =	vor.u32 s2, v27  }
0x309: {  	v44 =	vld [tilespmem:$0x8810]  }
0x30a: {  	v36 =	vsub.f32 v36, v35;
	_ =	sdelay $0x1  }
0x30b: {  	[tilespmem:$0xA480] =	vst v36  }
0x30c: {  	v45, _, _ =	vpop (xrf0);
	s7 =	spop (v2sf);
	v36 =	vld.idx.msk [tilespmem:v43+s26+$0x0], $0xffff  }
0x30d: {  	v46 =	vsel vm12, $0x0, v44;
	(v2sf) =	vpush v45, $0xF;
	s2 =	sshll.u32 s7, $0x4  }
0x30e: {  	(xrf0) =	vadd.scan.msk.s32 $0xffff, v46;
	s2 =	sand.u32 $0x70, s2  }
0x30f: {  	v47 =	vor.u32 s2, v28  }
0x310: {  	v48 =	vld [tilespmem:$0x8810]  }
0x311: {  	v36 =	vsub.f32 v36, v35;
	_ =	sdelay $0x1  }
0x312: {  	[tilespmem:$0xA500] =	vst v36  }
0x313: {  	v49, _, _ =	vpop (xrf0);
	s8 =	spop (v2sf);
	v36 =	vld.idx.msk [tilespmem:v47+s26+$0x0], $0xffff  }
0x314: {  	v50 =	vsel vm13, $0x0, v48;
	(v2sf) =	vpush v49, $0xF;
	s2 =	sshll.u32 s8, $0x4  }
0x315: {  	(xrf0) =	vadd.scan.msk.s32 $0xffff, v50;
	s2 =	sand.u32 $0x70, s2  }
0x316: {  	v51 =	vor.u32 s2, v29  }
0x317: {  	v52 =	vld [tilespmem:$0x8810]  }
0x318: {  	v36 =	vsub.f32 v36, v35;
	_ =	sdelay $0x1  }
0x319: {  	[tilespmem:$0xA580] =	vst v36  }
0x31a: {  	v53, _, _ =	vpop (xrf0);
	s9 =	spop (v2sf);
	v36 =	vld.idx.msk [tilespmem:v51+s26+$0x0], $0xffff  }
0x31b: {  	v54 =	vsel vm14, $0x0, v52;
	(v2sf) =	vpush v53, $0xF;
	s2 =	sshll.u32 s9, $0x4  }
0x31c: {  	(xrf0) =	vadd.scan.msk.s32 $0xffff, v54;
	s2 =	sand.u32 $0x70, s2  }
0x31d: {  	v55 =	vor.u32 s2, v30  }
0x31e: {  	v56 =	vld [tilespmem:$0x8810]  }
0x31f: {  	v36 =	vsub.f32 v36, v35;
	_ =	sdelay $0x1  }
0x320: {  	[tilespmem:$0xA600] =	vst v36  }
0x321: {  	v57, _, _ =	vpop (xrf0);
	s11 =	spop (v2sf);
	v36 =	vld.idx.msk [tilespmem:v55+s26+$0x0], $0xffff  }
0x322: {  	v58 =	vsel vm15, $0x0, v56;
	(v2sf) =	vpush v57, $0xF;
	s2 =	sshll.u32 s11, $0x4  }
0x323: {  	(xrf0) =	vadd.scan.msk.s32 $0xffff, v58;
	s2 =	sand.u32 $0x70, s2  }
0x324: {  	v59 =	vor.u32 s2, v31;
	_ =	sdelay $0x1  }
0x325: {  	v36 =	vsub.f32 v36, v35;
	_ =	sdelay $0x1  }
0x326: {  	[tilespmem:$0xA680] =	vst v36  }
0x327: {  	v60, _, _ =	vpop (xrf0);
	s12 =	spop (v2sf);
	v36 =	vld.idx.msk [tilespmem:v59+s26+$0x0], $0xffff  }
0x328: {  	(v2sf) =	vpush v60, $0xF;
	s2 =	sshll.u32 s12, $0x4  }
0x329: {  	s2 =	sand.u32 $0x70, s2  }
0x32a: {  	v61 =	vor.u32 s2, v32;
	_ =	sdelay $0x1  }
0x32b: {  	v36 =	vsub.f32 v36, v35;
	_ =	sdelay $0x1  }
0x32c: {  	[tilespmem:$0xA700] =	vst v36  }
0x32d: {  	s14 =	spop (v2sf);
	v36 =	vld.idx.msk [tilespmem:v61+s26+$0x0], $0xffff  }
0x32e: {  	s2 =	sshll.u32 s14, $0x4  }
0x32f: {  	s2 =	sand.u32 $0x70, s2  }
0x330: {  	v62 =	vor.u32 s2, v33;
	_ =	sdelay $0x1  }
0x331: {  	v36 =	vsub.f32 v36, v35;
	_ =	sdelay $0x1  }
0x332: {  	[tilespmem:$0xA780] =	vst v36  }
0x333: {  	s17 =	spop (v2sf);
	v36 =	vld.idx.msk [tilespmem:v62+s26+$0x0], $0xffff  }
0x334: {  	s2 =	sshll.u32 s17, $0x4  }
0x335: {  	s2 =	sand.u32 $0x70, s2  }
0x336: {  	v63 =	vor.u32 s2, v34;
	_ =	sdelay $0x1  }
0x337: {  	v36 =	vsub.f32 v36, v35;
	_ =	sdelay $0x1  }
0x338: {  	[tilespmem:$0xA800] =	vst v36  }
0x339: {  	v36 =	vld.idx.msk [tilespmem:v63+s26+$0x0], $0xffff;
	_ =	sdelay $0x4  }
0x33a: {  	s0 =	sshll.u32 s0, $0x9;
	v35 =	vsub.f32 v36, v35  }
0x33b: {  	s1 =	sadd.s32 $0x1, s1;
	s0 =	sand.u32 $0x1FFFFE00, s0  }
0x33c: {  	p0 =	sne.s32 s1, $0x10;
	s0 =	sadd.s32 s5, s0;
	s31 =	simm.s32 $0x0;
	[tilespmem:$0xA880] =	vst v35  }
0x33d: {  	[hbm4b:s0+s31] =	stream.linear.scatter [tilespmem:s29], [sflag:$0x4], $0x1000, $0x38;
	[tilespmem:$0xAB80] =	vst v63  }
.Ltmp20:
0x33e: {  	_ = 	snop;
	(pc) =	sbr.rel @p0 .LBB2_2-.Ltmp20, $4  }
.Ltmp21:
0x33f: {  	_ = 	snop;
	(pc) =	sbr.rel @!p0 .LBB2_37-.Ltmp21, $4  }
0x340: {  	_ =	swait.ge [sflag:s13], $0x1000  }
0x341: {  	[sflag:s13] =	ssyncset.done $0x0  }
0x342: {  	[sflag:s13] =	ssyncadd.s32 $0xFFFFF000  }
0x343: {  	_ = 	snop  }
.LBB2_8:
.Ltmp22:
0x344: {  	(pc) =	sbr.rel .LBB2_12-.Ltmp22, $2  }
0x345: {  	_ =	sdelay $0x2  }
0x346: {  	s9 =	simm.s32 $0x6000  }
.LBB2_25:
.Ltmp23:
0x347: {  	(pc) =	sbr.rel .LBB2_29-.Ltmp23, $2  }
0x348: {  	_ =	sdelay $0x2  }
0x349: {  	s9 =	simm.s32 $0x6000  }
.LBB2_10:
.Ltmp24:
0x34a: {  	(pc) =	sbr.rel .LBB2_12-.Ltmp24, $2  }
0x34b: {  	_ =	sdelay $0x2  }
0x34c: {  	s9 =	simm.s32 $0x6000  }
.LBB2_27:
.Ltmp25:
0x34d: {  	(pc) =	sbr.rel .LBB2_29-.Ltmp25, $2  }
0x34e: {  	_ =	sdelay $0x2  }
0x34f: {  	s9 =	simm.s32 $0x6000  }
.LBB2_38:
0x350: {  	_ =	sfence.sel $0x180000  }
0x351: {  	[bflag:$0x0] =	sbarrier.arrive $0xFFFF  }
0x352: {  	_ =	strace $0x90000047  }
0x353: {  	s0 =	stileid.u32;
	[bflag:$0x2] =	sbarrier.arrive $0xFFFF  }
0x354: {  	p0 =	sne.s32 s0, $0x0;
	s0 =	rddreg [dreg:$0x2]  }
0x355: {  	s0 =	sadd.s32 @!p0 $0x100000, s0  }
0x356: {  	[sflag:s0] =	ssyncadd.tile.s32 @!p0 $0x1;
	_ =	shalt  }
.Lfunc_end2:
_tile_overlayer_lowered:
.L_overlay_start_2:
0x357: {  	(tag) =	ssettag $0x2  }
0x358: {  	s0 =	rddreg [dreg:$0x0];
	s2 =	stileid.u32  }
0x359: {  	s1 =	rddreg [dreg:$0x1];
	p0 =	sne.s32 s2, $0x0  }
0x35a: {  	s3 =	rddreg [dreg:$0x2];
	[bflag:$0x3] =	sbarrier.arrive $0xFFFF;
	s2 =	simm.s32 @!p0 $0x1C04  }
0x35b: {  	[timem:s3], [sflag:s2] =	dma.local @!p0 [hbm:s0], s1  }
0x35c: {  	s0 =	simm.s32 @!p0 $0x4  }
0x35d: {  	_ =	swait.ge @!p0 [sflag:s0], s1  }
0x35e: {  	s1 =	ssub.s32 @!p0 $0x0, s1;
	[sflag:s0] =	ssyncset.done @!p0 $0x0  }
0x35f: {  	[sflag:s0] =	ssyncadd.s32 @!p0 s1  }
0x360: {  	[bflag:$0x3] =	sbarrier.arrive $0xFFFF  }
0x361: {  	_ =	shalt  }

</sc_bundles>
